<compile_context>
chip_gen: v7x
topology: tpu7x:2x2x1
jax: 0.10.2.dev20260603
libtpu: 0.0.44.dev20260713+nightly
codegen_flags: <defaults>
</compile_context>

<pallas_src>
import jax
import jax.numpy as jnp
from jax import lax
from jax.experimental import pallas as pl
from jax.experimental.pallas import tpu as pltpu
from jax.experimental.pallas import tpu_sc as plsc

N = 10000
E = 320000
IN_DIM = 128
HEADS = 4
OUT_DIM = 32
FDIM = HEADS * OUT_DIM
HDIM = FDIM // 2

NC = 2
NS = 16

E_REAL = E + N
CHUNK = 48
CPT = 432
TILE_E = CPT * CHUNK
E_PAD = NS * TILE_E
NPAD = 10240
NACC = 10000
RPTA = 624
DPACK = 4
DROWS = NPAD // DPACK
DACC = 2504
DTL = 152
NEG_SLOPE = 0.2


def _prep_body(x_ref, wg_ref, ws_ref, as_ref, ad_ref, b_ref,
               hs_ref, tab_ref, base_ref):
    x = x_ref[...]
    h = jnp.dot(x, wg_ref[...], preferred_element_type=jnp.float32)
    skip = (jnp.dot(x, ws_ref[...], preferred_element_type=jnp.float32)
            + b_ref[...][None, :])
    acol = []
    for att in (as_ref, ad_ref):
        for hd in range(HEADS):
            seg = h[:, hd * OUT_DIM:(hd + 1) * OUT_DIM]
            v = att[0, hd, :][None, :]
            acol.append(jnp.sum(seg * v, axis=1, keepdims=True))
    base_ref[...] = skip
    for c in range(NC):
        hs_ref[c] = h[:, c * HDIM:(c + 1) * HDIM]
        tab_ref[c] = jnp.concatenate(
            [acol[2 * c], acol[2 * c + 1],
             acol[HEADS + 2 * c], acol[HEADS + 2 * c + 1]], axis=1)


def _pack_body(src_ref, dst_ref, pk_ref):
    er = E // 128
    pk_ref[0:er, :] = (dst_ref[...] << 16) | src_ref[...]
    flat = (lax.broadcasted_iota(jnp.int32, (E_PAD // 128 - er, 128), 0) * 128
            + lax.broadcasted_iota(jnp.int32, (E_PAD // 128 - er, 128), 1)
            + E)
    node = flat - E
    pk_ref[er:, :] = jnp.where(flat < E_REAL, (node << 16) | node, 0)


def _edge_body(pk_hbm, hs_hbm, tab_hbm, feat_hbm, den_hbm,
               tab_v, pk_v, dst_v, dst4_v, src2_v, rows_v, rows2_v, dmsg_v,
               wbuf_v, wbuf2_v, feat_sh, den_sh, sem, sem2, dsem, dsem2):
    c = lax.axis_index("c")
    s = lax.axis_index("s")
    zero16 = jnp.zeros((16,), jnp.float32)
    iota16 = lax.iota(jnp.int32, 16)

    def _zrow(i, _):
        for j in range(HDIM // 16):
            rows_v[i, pl.ds(j * 16, 16)] = zero16
        return 0
    lax.fori_loop(0, CHUNK, _zrow, 0)
    for i in range(2 * CHUNK * 8 // 16):
        p = i * 16 + iota16
        plsc.store_scatter(
            dmsg_v, [lax.shift_right_logical(p, 3), p & 7], zero16)
    def _zblk(t, _):
        pltpu.sync_copy(rows_v, feat_sh.at[pl.ds(s * RPTA + t * CHUNK, CHUNK)])
        return 0
    lax.fori_loop(0, RPTA // CHUNK, _zblk, 0)
    if RPTA % CHUNK:
        pltpu.sync_copy(
            rows_v.at[pl.ds(0, RPTA % CHUNK)],
            feat_sh.at[pl.ds(s * RPTA + RPTA - RPTA % CHUNK, RPTA % CHUNK)])

    def _zden(t, _):
        pltpu.sync_copy(dmsg_v.at[pl.ds(0, CHUNK)],
                        den_sh.at[pl.ds(s * DTL + t * CHUNK, CHUNK)])
        return 0
    lax.fori_loop(0, DTL // CHUNK, _zden, 0)
    if DTL % CHUNK:
        pltpu.sync_copy(
            dmsg_v.at[pl.ds(0, DTL % CHUNK)],
            den_sh.at[pl.ds(s * DTL + DTL - DTL % CHUNK, DTL % CHUNK)])

    @pl.when(s == NS - 1)
    def _zero_tail():
        pltpu.sync_copy(rows_v.at[pl.ds(0, NACC - NS * RPTA)],
                        feat_sh.at[pl.ds(NS * RPTA, NACC - NS * RPTA)])
        pltpu.sync_copy(dmsg_v.at[pl.ds(0, DACC - NS * DTL)],
                        den_sh.at[pl.ds(NS * DTL, DACC - NS * DTL)])

    pltpu.sync_copy(tab_hbm.at[c], tab_v)
    plsc.subcore_barrier()

    tile_base = s * TILE_E
    row_off = c * N

    rows_b = (rows_v, rows2_v)
    wbuf_b = (wbuf_v, wbuf2_v)
    sem_b = (sem, sem2)
    dsem_b = (dsem, dsem2)

    def _prep(g, b):
        base = tile_base + g * CHUNK
        off = b * CHUNK

        @pl.when(g >= 2)
        def _():
            pltpu.make_async_copy(
                dmsg_v.at[pl.ds(off, CHUNK)],
                den_sh.at[dst4_v.at[pl.ds(off, CHUNK)]], dsem_b[b]).wait()
        for grp in range(CHUNK // 16):
            didx = dst_v[pl.ds(off + grp * 16, 16)]
            row_idx = grp * 16 + iota16
            lane0 = (didx & 3) * 2
            for hd in range(2):
                plsc.store_scatter(
                    dmsg_v, [off + row_idx, lane0 + hd], zero16)

        pltpu.sync_copy(pk_hbm.at[pl.ds(base, CHUNK)],
                        pk_v.at[pl.ds(off, CHUNK)])
        for grp in range(CHUNK // 16):
            p = pk_v[pl.ds(off + grp * 16, 16)]
            sidx = p & 0xFFFF
            didx = lax.shift_right_logical(p, 16)
            src2_v[pl.ds(off + grp * 16, 16)] = sidx + row_off
            dst_v[pl.ds(off + grp * 16, 16)] = didx
            dst4_v[pl.ds(off + grp * 16, 16)] = (
                lax.shift_right_logical(didx, 2))
            gid = base + grp * 16 + iota16
            valid = gid < E_REAL
            row_idx = grp * 16 + iota16
            lane0 = (didx & 3) * 2
            for hd in range(2):
                a_s = plsc.load_gather(
                    tab_v, [sidx, jnp.full((16,), hd, jnp.int32)])
                a_d = plsc.load_gather(
                    tab_v, [didx, jnp.full((16,), 2 + hd, jnp.int32)])
                e = a_s + a_d
                e = jnp.maximum(e, NEG_SLOPE * e)
                w = jnp.where(valid, jnp.exp(e), 0.0)
                wbuf_b[b][hd, pl.ds(grp * 16, 16)] = w
                plsc.store_scatter(dmsg_v, [off + row_idx, lane0 + hd], w)
        pltpu.async_copy(hs_hbm.at[src2_v.at[pl.ds(off, CHUNK)]],
                         rows_b[b], sem_b[b])
        pltpu.async_copy(dmsg_v.at[pl.ds(off, CHUNK)],
                         den_sh.at[dst4_v.at[pl.ds(off, CHUNK)]], dsem_b[b],
                         add=True)

    def _proc(b):
        off = b * CHUNK
        pltpu.make_async_copy(hs_hbm.at[src2_v.at[pl.ds(off, CHUNK)]],
                              rows_b[b], sem_b[b]).wait()

        @plsc.parallel_loop(0, CHUNK, unroll=8)
        def _mul(k):
            for hd in range(2):
                wk = wbuf_b[b][hd, pl.ds(k, 16)][0]
                wv = jnp.full((16,), wk, jnp.float32)
                for j in range(2):
                    col = hd * OUT_DIM + j * 16
                    rows_b[b][k, pl.ds(col, 16)] = (
                        rows_b[b][k, pl.ds(col, 16)] * wv)
        pltpu.sync_copy(rows_b[b], feat_sh.at[dst_v.at[pl.ds(off, CHUNK)]],
                        add=True)

    _prep(0, 0)

    def _pair(t, _):
        _prep(2 * t + 1, 1)
        _proc(0)

        @pl.when(t < CPT // 2 - 1)
        def _():
            _prep(2 * t + 2, 0)
        _proc(1)
        return 0

    lax.fori_loop(0, CPT // 2, _pair, 0)
    for b in range(2):
        off = b * CHUNK
        pltpu.make_async_copy(
            dmsg_v.at[pl.ds(off, CHUNK)],
            den_sh.at[dst4_v.at[pl.ds(off, CHUNK)]], dsem_b[b]).wait()
    plsc.subcore_barrier()

    pltpu.sync_copy(feat_sh.at[pl.ds(s * RPTA, RPTA)],
                    feat_hbm.at[c, pl.ds(s * RPTA, RPTA)])
    pltpu.sync_copy(den_sh.at[pl.ds(s * DTL, DTL)],
                    den_hbm.at[c, pl.ds(s * DTL, DTL)])

    @pl.when(s == NS - 1)
    def _dump_tail():
        pltpu.sync_copy(feat_sh.at[pl.ds(NS * RPTA, NACC - NS * RPTA)],
                        feat_hbm.at[c, pl.ds(NS * RPTA, NACC - NS * RPTA)])
        pltpu.sync_copy(den_sh.at[pl.ds(NS * DTL, DACC - NS * DTL)],
                        den_hbm.at[c, pl.ds(NS * DTL, DACC - NS * DTL)])


def kernel(x, edge_index, W_gat, att_src, att_dst, bias, W_skip):
    blk = 1000
    grid = N // blk
    hs, tab, base = pl.pallas_call(
        _prep_body,
        grid=(grid,),
        in_specs=[
            pl.BlockSpec((blk, IN_DIM), lambda i: (i, 0)),
            pl.BlockSpec((IN_DIM, FDIM), lambda i: (0, 0)),
            pl.BlockSpec((IN_DIM, FDIM), lambda i: (0, 0)),
            pl.BlockSpec((1, HEADS, OUT_DIM), lambda i: (0, 0, 0)),
            pl.BlockSpec((1, HEADS, OUT_DIM), lambda i: (0, 0, 0)),
            pl.BlockSpec((FDIM,), lambda i: (0,)),
        ],
        out_specs=[
            pl.BlockSpec((NC, blk, HDIM), lambda i: (0, i, 0)),
            pl.BlockSpec((NC, blk, HEADS), lambda i: (0, i, 0)),
            pl.BlockSpec((blk, FDIM), lambda i: (i, 0)),
        ],
        out_shape=[
            jax.ShapeDtypeStruct((NC, N, HDIM), jnp.float32),
            jax.ShapeDtypeStruct((NC, N, HEADS), jnp.float32),
            jax.ShapeDtypeStruct((NPAD, FDIM), jnp.float32),
        ],
    )(x, W_gat, W_skip, att_src, att_dst, bias)
    hs2 = hs.reshape(NC * N, HDIM)

    ei = edge_index.reshape(2, E // 128, 128)
    pk = pl.pallas_call(
        _pack_body,
        in_specs=[
            pl.BlockSpec((E // 128, 128), lambda: (0, 0)),
            pl.BlockSpec((E // 128, 128), lambda: (0, 0)),
        ],
        out_specs=pl.BlockSpec((E_PAD // 128, 128), lambda: (0, 0)),
        out_shape=jax.ShapeDtypeStruct((E_PAD // 128, 128), jnp.int32),
    )(ei[0], ei[1]).reshape(E_PAD)

    mesh = plsc.VectorSubcoreMesh(
        core_axis_name="c", subcore_axis_name="s",
        num_cores=NC, num_subcores=NS)
    edge_fn = pl.kernel(
        _edge_body,
        out_type=[
            jax.ShapeDtypeStruct((NC, NPAD, HDIM), jnp.float32),
            jax.ShapeDtypeStruct((NC, DROWS, 8), jnp.float32),
        ],
        mesh=mesh,
        compiler_params=pltpu.CompilerParams(
            needs_layout_passes=False, use_tc_tiling_on_sc=False),
        scratch_types=[
            pltpu.VMEM((N, 4), jnp.float32),
            pltpu.VMEM((2 * CHUNK,), jnp.int32),
            pltpu.VMEM((2 * CHUNK,), jnp.int32),
            pltpu.VMEM((2 * CHUNK,), jnp.int32),
            pltpu.VMEM((2 * CHUNK,), jnp.int32),
            pltpu.VMEM((CHUNK, HDIM), jnp.float32),
            pltpu.VMEM((CHUNK, HDIM), jnp.float32),
            pltpu.VMEM((2 * CHUNK, 8), jnp.float32),
            pltpu.VMEM((2, CHUNK + 16), jnp.float32),
            pltpu.VMEM((2, CHUNK + 16), jnp.float32),
            pltpu.VMEM_SHARED((NACC, HDIM), jnp.float32),
            pltpu.VMEM_SHARED((DACC, 8), jnp.float32),
            pltpu.SemaphoreType.DMA,
            pltpu.SemaphoreType.DMA,
            pltpu.SemaphoreType.DMA,
            pltpu.SemaphoreType.DMA,
        ],
    )
    feat, den = edge_fn(pk, hs2, tab)

    fblk = 1024
    out = pl.pallas_call(
        _final_body,
        grid=(NPAD // fblk,),
        in_specs=[
            pl.BlockSpec((NC, fblk, HDIM), lambda i: (0, i, 0)),
            pl.BlockSpec((NC, fblk // DPACK, 8), lambda i: (0, i, 0)),
            pl.BlockSpec((fblk, FDIM), lambda i: (i, 0)),
        ],
        out_specs=pl.BlockSpec((fblk, FDIM), lambda i: (i, 0)),
        out_shape=jax.ShapeDtypeStruct((NPAD, FDIM), jnp.float32),
    )(feat, den, base)
    return out[:N]


def _final_body(feat_ref, den_ref, base_ref, out_ref):
    blk = feat_ref.shape[1]
    rows = blk // DPACK
    rsel = (lax.broadcasted_iota(jnp.int32, (blk, rows), 0) // DPACK
            == lax.broadcasted_iota(jnp.int32, (blk, rows), 1))
    rsel = rsel.astype(jnp.float32)
    lane_of_n = (lax.broadcasted_iota(jnp.int32, (blk, 8), 0) % DPACK) * 2
    lane_id = lax.broadcasted_iota(jnp.int32, (blk, 8), 1)
    cols = []
    for c in range(NC):
        expand = jnp.dot(rsel, den_ref[c],
                         preferred_element_type=jnp.float32)
        for hd in range(2):
            den = jnp.sum(
                jnp.where(lane_id == lane_of_n + hd, expand, 0.0),
                axis=1, keepdims=True) + 1e-16
            seg = feat_ref[c][:, hd * OUT_DIM:(hd + 1) * OUT_DIM]
            cols.append(seg / den)
    o = jnp.concatenate(cols, axis=1) + base_ref[...]
    out_ref[...] = jnp.where(o > 0, o, jnp.exp(jnp.minimum(o, 0.0)) - 1.0)

# --- scband reference (transcript-rebuilt; emitter-appended) ---
"""Pipeline reference for scband-multi-head-gatskip-layer-4595615006841 (READ-ONLY COPY).

The authoritative reference and input builder live on the scoring server;
editing this copy changes nothing except your own understanding.
"""

import jax, jax.numpy as jnp
import numpy as np

N = 10000
E = 320000
IN_DIM = 128
HEADS = 4
OUT_DIM = 32


def setup_inputs(seed: int = 0) -> dict:
    key = jax.random.key(seed)
    ks = jax.random.split(key, 7)
    x = jax.random.normal(ks[0], (N, IN_DIM), dtype=jnp.float32)
    edge_index = jax.random.randint(ks[1], (2, E), 0, N, dtype=jnp.int32)
    # GATConv params (PyG-style): lin weight, attention vectors, bias
    W_gat = jax.random.normal(ks[2], (IN_DIM, HEADS * OUT_DIM), dtype=jnp.float32) * (1.0 / np.sqrt(IN_DIM))
    att_src = jax.random.normal(ks[3], (1, HEADS, OUT_DIM), dtype=jnp.float32) * 0.1
    att_dst = jax.random.normal(ks[4], (1, HEADS, OUT_DIM), dtype=jnp.float32) * 0.1
    bias = jnp.zeros((HEADS * OUT_DIM,), dtype=jnp.float32)
    W_skip = jax.random.normal(ks[5], (IN_DIM, HEADS * OUT_DIM), dtype=jnp.float32) * (1.0 / np.sqrt(IN_DIM))
    return {"x": x, "edge_index": edge_index, "W_gat": W_gat, "att_src": att_src, "att_dst": att_dst, "bias": bias, "W_skip": W_skip}


def reference(x, edge_index, W_gat, att_src, att_dst, bias, W_skip):
    # add self loops (PyG GATConv default add_self_loops=True)
    loop = jnp.arange(N, dtype=edge_index.dtype)
    src = jnp.concatenate([edge_index[0], loop])
    dst = jnp.concatenate([edge_index[1], loop])
    # linear projection per head
    h = (x @ W_gat).reshape(N, HEADS, OUT_DIM)
    a_src = jnp.sum(h * att_src, axis=-1)  # [N, H]
    a_dst = jnp.sum(h * att_dst, axis=-1)  # [N, H]
    e = a_src[src] + a_dst[dst]            # [E', H]
    e = jax.nn.leaky_relu(e, negative_slope=0.2)
    # segment softmax over incoming edges of each dst node
    e_max = jax.ops.segment_max(e, dst, num_segments=N)
    e_max = jnp.where(jnp.isfinite(e_max), e_max, 0.0)
    ex = jnp.exp(e - e_max[dst])
    denom = jax.ops.segment_sum(ex, dst, num_segments=N)
    alpha = ex / (denom[dst] + 1e-16)      # [E', H]
    # attention dropout omitted (eval mode)
    msg = h[src] * alpha[:, :, None]       # [E', H, C]
    out = jax.ops.segment_sum(msg, dst, num_segments=N).reshape(N, HEADS * OUT_DIM)
    out = out + bias
    # skip connection
    out = out + x @ W_skip
    out = jax.nn.elu(out)
    # F.dropout in eval mode is identity
    return out

if __name__ == "__main__":
    import jax
    _d = setup_inputs()
    print(jax.jit(kernel)(*tuple(_d.values())))

</pallas_src>

<mosaic_0001>
#map = affine_map<(d0, d1) -> (0)>
#map1 = affine_map<(d0, d1) -> (0, 0)>
#map2 = affine_map<(d0, d1) -> (0, 0, 0)>
module attributes {stable_mosaic.version = 14 : i64} {
  func.func @_edge_body(%arg0: i32, %arg1: i32, %arg2: memref<331776xi32, #tpu.memory_space<hbm>>, %arg3: memref<20000x64xf32, #tpu.memory_space<hbm>>, %arg4: memref<2x10000x4xf32, #tpu.memory_space<hbm>>, %arg5: memref<2x10240x64xf32, #tpu.memory_space<hbm>>, %arg6: memref<2x2560x8xf32, #tpu.memory_space<hbm>>, %arg7: memref<10000x4xf32, #tpu.memory_space<vmem>>, %arg8: memref<96xi32, #tpu.memory_space<vmem>>, %arg9: memref<96xi32, #tpu.memory_space<vmem>>, %arg10: memref<96xi32, #tpu.memory_space<vmem>>, %arg11: memref<96xi32, #tpu.memory_space<vmem>>, %arg12: memref<48x64xf32, #tpu.memory_space<vmem>>, %arg13: memref<48x64xf32, #tpu.memory_space<vmem>>, %arg14: memref<96x8xf32, #tpu.memory_space<vmem>>, %arg15: memref<2x64xf32, #tpu.memory_space<vmem>>, %arg16: memref<2x64xf32, #tpu.memory_space<vmem>>, %arg17: memref<10000x64xf32, #tpu.memory_space<vmem_shared>>, %arg18: memref<2504x8xf32, #tpu.memory_space<vmem_shared>>, %arg19: memref<!tpu.dma_semaphore, #tpu.memory_space<semaphore_mem>>, %arg20: memref<!tpu.dma_semaphore, #tpu.memory_space<semaphore_mem>>, %arg21: memref<!tpu.dma_semaphore, #tpu.memory_space<semaphore_mem>>, %arg22: memref<!tpu.dma_semaphore, #tpu.memory_space<semaphore_mem>>) attributes {dimension_semantics = [#tpu.dimension_semantics<core_parallel>, #tpu.dimension_semantics<subcore_parallel>], iteration_bounds = array<i64: 2, 16>, scalar_prefetch = 0 : i64, scratch_operands = 16 : i64, tpu.core_type = #tpu.core_type<sc_vector_subcore>, window_params = [{transform_indices = #map}, {transform_indices = #map1}, {transform_indices = #map2}, {transform_indices = #map2}, {transform_indices = #map2}]} {
    %broadcast_in_dim3A = arith.constant 0.000000e+00 : f32
    %broadcast_in_dim3A_0 = vector.broadcast %broadcast_in_dim3A : f32 to vector<16xf32>
    %iota3A = tpu.iota {dimensions = array<i32: 0>} : vector<16xi32>
    %scan3A = arith.constant 0 : i32
    %scan3A_1 = arith.constant 0 : i32
    %scan3A_2 = arith.constant 48 : i32
    %scan3A_3 = arith.addi %scan3A_1, %scan3A_2 : i32
    %scan3A_4 = arith.constant 1 : i32
    %scan3A_5 = scf.for %scan3A_826 = %scan3A_1 to %scan3A_3 step %scan3A_4 iter_args(%scan3A_827 = %scan3A) -> (i32)  : i32 {
      %swap3A_828 = arith.index_cast %scan3A_826 : i32 to index
      %swap3A_829 = arith.constant 0 : index
      %swap3A_830 = tpu.vector_load %arg12[%swap3A_828, %swap3A_829] {strides = array<i32>} : memref<48x64xf32, #tpu.memory_space<vmem>>, vector<16xf32>,
      tpu.vector_store %arg12[%swap3A_828, %swap3A_829], %broadcast_in_dim3A_0 {strides = array<i32>} : memref<48x64xf32, #tpu.memory_space<vmem>>, vector<16xf32>,
      %swap3A_831 = arith.index_cast %scan3A_826 : i32 to index
      %swap3A_832 = arith.constant 16 : index
      %swap3A_833 = tpu.vector_load %arg12[%swap3A_831, %swap3A_832] {strides = array<i32>} : memref<48x64xf32, #tpu.memory_space<vmem>>, vector<16xf32>,
      tpu.vector_store %arg12[%swap3A_831, %swap3A_832], %broadcast_in_dim3A_0 {strides = array<i32>} : memref<48x64xf32, #tpu.memory_space<vmem>>, vector<16xf32>,
      %swap3A_834 = arith.index_cast %scan3A_826 : i32 to index
      %swap3A_835 = arith.constant 32 : index
      %swap3A_836 = tpu.vector_load %arg12[%swap3A_834, %swap3A_835] {strides = array<i32>} : memref<48x64xf32, #tpu.memory_space<vmem>>, vector<16xf32>,
      tpu.vector_store %arg12[%swap3A_834, %swap3A_835], %broadcast_in_dim3A_0 {strides = array<i32>} : memref<48x64xf32, #tpu.memory_space<vmem>>, vector<16xf32>,
      %swap3A_837 = arith.index_cast %scan3A_826 : i32 to index
      %swap3A_838 = arith.constant 48 : index
      %swap3A_839 = tpu.vector_load %arg12[%swap3A_837, %swap3A_838] {strides = array<i32>} : memref<48x64xf32, #tpu.memory_space<vmem>>, vector<16xf32>,
      tpu.vector_store %arg12[%swap3A_837, %swap3A_838], %broadcast_in_dim3A_0 {strides = array<i32>} : memref<48x64xf32, #tpu.memory_space<vmem>>, vector<16xf32>,
      %scan3A_840 = arith.constant 0 : i32
      scf.yield %scan3A_840 : i32
    }
    %scan3A_6 = arith.constant 48 : i32
    %add3A = arith.constant 0 : i32
    %add3A_7 = vector.broadcast %add3A : i32 to vector<16xi32>
    %add3A_8 = arith.addi %add3A_7, %iota3A : vector<16xi32>
    %shift_right_logical3A = arith.constant 3 : i32
    %shift_right_logical3A_9 = vector.broadcast %shift_right_logical3A : i32 to vector<16xi32>
    %shift_right_logical3A_10 = arith.shrui %add3A_8, %shift_right_logical3A_9 : vector<16xi32>
    %and3A = arith.constant 7 : i32
    %and3A_11 = vector.broadcast %and3A : i32 to vector<16xi32>
    %and3A_12 = arith.andi %add3A_8, %and3A_11 : vector<16xi32>
    tpu.vector_store_idx %arg14[%shift_right_logical3A_10, %and3A_12], %broadcast_in_dim3A_0 : memref<96x8xf32, #tpu.memory_space<vmem>>[vector<16xi32>, vector<16xi32>], vector<16xf32>,
    %add3A_13 = arith.constant 16 : i32
    %add3A_14 = vector.broadcast %add3A_13 : i32 to vector<16xi32>
    %add3A_15 = arith.addi %add3A_14, %iota3A : vector<16xi32>
    %shift_right_logical3A_16 = arith.constant 3 : i32
    %shift_right_logical3A_17 = vector.broadcast %shift_right_logical3A_16 : i32 to vector<16xi32>
    %shift_right_logical3A_18 = arith.shrui %add3A_15, %shift_right_logical3A_17 : vector<16xi32>
    %and3A_19 = arith.constant 7 : i32
    %and3A_20 = vector.broadcast %and3A_19 : i32 to vector<16xi32>
    %and3A_21 = arith.andi %add3A_15, %and3A_20 : vector<16xi32>
    tpu.vector_store_idx %arg14[%shift_right_logical3A_18, %and3A_21], %broadcast_in_dim3A_0 : memref<96x8xf32, #tpu.memory_space<vmem>>[vector<16xi32>, vector<16xi32>], vector<16xf32>,
    %add3A_22 = arith.constant 32 : i32
    %add3A_23 = vector.broadcast %add3A_22 : i32 to vector<16xi32>
    %add3A_24 = arith.addi %add3A_23, %iota3A : vector<16xi32>
    %shift_right_logical3A_25 = arith.constant 3 : i32
    %shift_right_logical3A_26 = vector.broadcast %shift_right_logical3A_25 : i32 to vector<16xi32>
    %shift_right_logical3A_27 = arith.shrui %add3A_24, %shift_right_logical3A_26 : vector<16xi32>
    %and3A_28 = arith.constant 7 : i32
    %and3A_29 = vector.broadcast %and3A_28 : i32 to vector<16xi32>
    %and3A_30 = arith.andi %add3A_24, %and3A_29 : vector<16xi32>
    tpu.vector_store_idx %arg14[%shift_right_logical3A_27, %and3A_30], %broadcast_in_dim3A_0 : memref<96x8xf32, #tpu.memory_space<vmem>>[vector<16xi32>, vector<16xi32>], vector<16xf32>,
    %add3A_31 = arith.constant 48 : i32
    %add3A_32 = vector.broadcast %add3A_31 : i32 to vector<16xi32>
    %add3A_33 = arith.addi %add3A_32, %iota3A : vector<16xi32>
    %shift_right_logical3A_34 = arith.constant 3 : i32
    %shift_right_logical3A_35 = vector.broadcast %shift_right_logical3A_34 : i32 to vector<16xi32>
    %shift_right_logical3A_36 = arith.shrui %add3A_33, %shift_right_logical3A_35 : vector<16xi32>
    %and3A_37 = arith.constant 7 : i32
    %and3A_38 = vector.broadcast %and3A_37 : i32 to vector<16xi32>
    %and3A_39 = arith.andi %add3A_33, %and3A_38 : vector<16xi32>
    tpu.vector_store_idx %arg14[%shift_right_logical3A_36, %and3A_39], %broadcast_in_dim3A_0 : memref<96x8xf32, #tpu.memory_space<vmem>>[vector<16xi32>, vector<16xi32>], vector<16xf32>,
    %add3A_40 = arith.constant 64 : i32
    %add3A_41 = vector.broadcast %add3A_40 : i32 to vector<16xi32>
    %add3A_42 = arith.addi %add3A_41, %iota3A : vector<16xi32>
    %shift_right_logical3A_43 = arith.constant 3 : i32
    %shift_right_logical3A_44 = vector.broadcast %shift_right_logical3A_43 : i32 to vector<16xi32>
    %shift_right_logical3A_45 = arith.shrui %add3A_42, %shift_right_logical3A_44 : vector<16xi32>
    %and3A_46 = arith.constant 7 : i32
    %and3A_47 = vector.broadcast %and3A_46 : i32 to vector<16xi32>
    %and3A_48 = arith.andi %add3A_42, %and3A_47 : vector<16xi32>
    tpu.vector_store_idx %arg14[%shift_right_logical3A_45, %and3A_48], %broadcast_in_dim3A_0 : memref<96x8xf32, #tpu.memory_space<vmem>>[vector<16xi32>, vector<16xi32>], vector<16xf32>,
    %add3A_49 = arith.constant 80 : i32
    %add3A_50 = vector.broadcast %add3A_49 : i32 to vector<16xi32>
    %add3A_51 = arith.addi %add3A_50, %iota3A : vector<16xi32>
    %shift_right_logical3A_52 = arith.constant 3 : i32
    %shift_right_logical3A_53 = vector.broadcast %shift_right_logical3A_52 : i32 to vector<16xi32>
    %shift_right_logical3A_54 = arith.shrui %add3A_51, %shift_right_logical3A_53 : vector<16xi32>
    %and3A_55 = arith.constant 7 : i32
    %and3A_56 = vector.broadcast %and3A_55 : i32 to vector<16xi32>
    %and3A_57 = arith.andi %add3A_51, %and3A_56 : vector<16xi32>
    tpu.vector_store_idx %arg14[%shift_right_logical3A_54, %and3A_57], %broadcast_in_dim3A_0 : memref<96x8xf32, #tpu.memory_space<vmem>>[vector<16xi32>, vector<16xi32>], vector<16xf32>,
    %add3A_58 = arith.constant 96 : i32
    %add3A_59 = vector.broadcast %add3A_58 : i32 to vector<16xi32>
    %add3A_60 = arith.addi %add3A_59, %iota3A : vector<16xi32>
    %shift_right_logical3A_61 = arith.constant 3 : i32
    %shift_right_logical3A_62 = vector.broadcast %shift_right_logical3A_61 : i32 to vector<16xi32>
    %shift_right_logical3A_63 = arith.shrui %add3A_60, %shift_right_logical3A_62 : vector<16xi32>
    %and3A_64 = arith.constant 7 : i32
    %and3A_65 = vector.broadcast %and3A_64 : i32 to vector<16xi32>
    %and3A_66 = arith.andi %add3A_60, %and3A_65 : vector<16xi32>
    tpu.vector_store_idx %arg14[%shift_right_logical3A_63, %and3A_66], %broadcast_in_dim3A_0 : memref<96x8xf32, #tpu.memory_space<vmem>>[vector<16xi32>, vector<16xi32>], vector<16xf32>,
    %add3A_67 = arith.constant 112 : i32
    %add3A_68 = vector.broadcast %add3A_67 : i32 to vector<16xi32>
    %add3A_69 = arith.addi %add3A_68, %iota3A : vector<16xi32>
    %shift_right_logical3A_70 = arith.constant 3 : i32
    %shift_right_logical3A_71 = vector.broadcast %shift_right_logical3A_70 : i32 to vector<16xi32>
    %shift_right_logical3A_72 = arith.shrui %add3A_69, %shift_right_logical3A_71 : vector<16xi32>
    %and3A_73 = arith.constant 7 : i32
    %and3A_74 = vector.broadcast %and3A_73 : i32 to vector<16xi32>
    %and3A_75 = arith.andi %add3A_69, %and3A_74 : vector<16xi32>
    tpu.vector_store_idx %arg14[%shift_right_logical3A_72, %and3A_75], %broadcast_in_dim3A_0 : memref<96x8xf32, #tpu.memory_space<vmem>>[vector<16xi32>, vector<16xi32>], vector<16xf32>,
    %add3A_76 = arith.constant 128 : i32
    %add3A_77 = vector.broadcast %add3A_76 : i32 to vector<16xi32>
    %add3A_78 = arith.addi %add3A_77, %iota3A : vector<16xi32>
    %shift_right_logical3A_79 = arith.constant 3 : i32
    %shift_right_logical3A_80 = vector.broadcast %shift_right_logical3A_79 : i32 to vector<16xi32>
    %shift_right_logical3A_81 = arith.shrui %add3A_78, %shift_right_logical3A_80 : vector<16xi32>
    %and3A_82 = arith.constant 7 : i32
    %and3A_83 = vector.broadcast %and3A_82 : i32 to vector<16xi32>
    %and3A_84 = arith.andi %add3A_78, %and3A_83 : vector<16xi32>
    tpu.vector_store_idx %arg14[%shift_right_logical3A_81, %and3A_84], %broadcast_in_dim3A_0 : memref<96x8xf32, #tpu.memory_space<vmem>>[vector<16xi32>, vector<16xi32>], vector<16xf32>,
    %add3A_85 = arith.constant 144 : i32
    %add3A_86 = vector.broadcast %add3A_85 : i32 to vector<16xi32>
    %add3A_87 = arith.addi %add3A_86, %iota3A : vector<16xi32>
    %shift_right_logical3A_88 = arith.constant 3 : i32
    %shift_right_logical3A_89 = vector.broadcast %shift_right_logical3A_88 : i32 to vector<16xi32>
    %shift_right_logical3A_90 = arith.shrui %add3A_87, %shift_right_logical3A_89 : vector<16xi32>
    %and3A_91 = arith.constant 7 : i32
    %and3A_92 = vector.broadcast %and3A_91 : i32 to vector<16xi32>
    %and3A_93 = arith.andi %add3A_87, %and3A_92 : vector<16xi32>
    tpu.vector_store_idx %arg14[%shift_right_logical3A_90, %and3A_93], %broadcast_in_dim3A_0 : memref<96x8xf32, #tpu.memory_space<vmem>>[vector<16xi32>, vector<16xi32>], vector<16xf32>,
    %add3A_94 = arith.constant 160 : i32
    %add3A_95 = vector.broadcast %add3A_94 : i32 to vector<16xi32>
    %add3A_96 = arith.addi %add3A_95, %iota3A : vector<16xi32>
    %shift_right_logical3A_97 = arith.constant 3 : i32
    %shift_right_logical3A_98 = vector.broadcast %shift_right_logical3A_97 : i32 to vector<16xi32>
    %shift_right_logical3A_99 = arith.shrui %add3A_96, %shift_right_logical3A_98 : vector<16xi32>
    %and3A_100 = arith.constant 7 : i32
    %and3A_101 = vector.broadcast %and3A_100 : i32 to vector<16xi32>
    %and3A_102 = arith.andi %add3A_96, %and3A_101 : vector<16xi32>
    tpu.vector_store_idx %arg14[%shift_right_logical3A_99, %and3A_102], %broadcast_in_dim3A_0 : memref<96x8xf32, #tpu.memory_space<vmem>>[vector<16xi32>, vector<16xi32>], vector<16xf32>,
    %add3A_103 = arith.constant 176 : i32
    %add3A_104 = vector.broadcast %add3A_103 : i32 to vector<16xi32>
    %add3A_105 = arith.addi %add3A_104, %iota3A : vector<16xi32>
    %shift_right_logical3A_106 = arith.constant 3 : i32
    %shift_right_logical3A_107 = vector.broadcast %shift_right_logical3A_106 : i32 to vector<16xi32>
    %shift_right_logical3A_108 = arith.shrui %add3A_105, %shift_right_logical3A_107 : vector<16xi32>
    %and3A_109 = arith.constant 7 : i32
    %and3A_110 = vector.broadcast %and3A_109 : i32 to vector<16xi32>
    %and3A_111 = arith.andi %add3A_105, %and3A_110 : vector<16xi32>
    tpu.vector_store_idx %arg14[%shift_right_logical3A_108, %and3A_111], %broadcast_in_dim3A_0 : memref<96x8xf32, #tpu.memory_space<vmem>>[vector<16xi32>, vector<16xi32>], vector<16xf32>,
    %add3A_112 = arith.constant 192 : i32
    %add3A_113 = vector.broadcast %add3A_112 : i32 to vector<16xi32>
    %add3A_114 = arith.addi %add3A_113, %iota3A : vector<16xi32>
    %shift_right_logical3A_115 = arith.constant 3 : i32
    %shift_right_logical3A_116 = vector.broadcast %shift_right_logical3A_115 : i32 to vector<16xi32>
    %shift_right_logical3A_117 = arith.shrui %add3A_114, %shift_right_logical3A_116 : vector<16xi32>
    %and3A_118 = arith.constant 7 : i32
    %and3A_119 = vector.broadcast %and3A_118 : i32 to vector<16xi32>
    %and3A_120 = arith.andi %add3A_114, %and3A_119 : vector<16xi32>
    tpu.vector_store_idx %arg14[%shift_right_logical3A_117, %and3A_120], %broadcast_in_dim3A_0 : memref<96x8xf32, #tpu.memory_space<vmem>>[vector<16xi32>, vector<16xi32>], vector<16xf32>,
    %add3A_121 = arith.constant 208 : i32
    %add3A_122 = vector.broadcast %add3A_121 : i32 to vector<16xi32>
    %add3A_123 = arith.addi %add3A_122, %iota3A : vector<16xi32>
    %shift_right_logical3A_124 = arith.constant 3 : i32
    %shift_right_logical3A_125 = vector.broadcast %shift_right_logical3A_124 : i32 to vector<16xi32>
    %shift_right_logical3A_126 = arith.shrui %add3A_123, %shift_right_logical3A_125 : vector<16xi32>
    %and3A_127 = arith.constant 7 : i32
    %and3A_128 = vector.broadcast %and3A_127 : i32 to vector<16xi32>
    %and3A_129 = arith.andi %add3A_123, %and3A_128 : vector<16xi32>
    tpu.vector_store_idx %arg14[%shift_right_logical3A_126, %and3A_129], %broadcast_in_dim3A_0 : memref<96x8xf32, #tpu.memory_space<vmem>>[vector<16xi32>, vector<16xi32>], vector<16xf32>,
    %add3A_130 = arith.constant 224 : i32
    %add3A_131 = vector.broadcast %add3A_130 : i32 to vector<16xi32>
    %add3A_132 = arith.addi %add3A_131, %iota3A : vector<16xi32>
    %shift_right_logical3A_133 = arith.constant 3 : i32
    %shift_right_logical3A_134 = vector.broadcast %shift_right_logical3A_133 : i32 to vector<16xi32>
    %shift_right_logical3A_135 = arith.shrui %add3A_132, %shift_right_logical3A_134 : vector<16xi32>
    %and3A_136 = arith.constant 7 : i32
    %and3A_137 = vector.broadcast %and3A_136 : i32 to vector<16xi32>
    %and3A_138 = arith.andi %add3A_132, %and3A_137 : vector<16xi32>
    tpu.vector_store_idx %arg14[%shift_right_logical3A_135, %and3A_138], %broadcast_in_dim3A_0 : memref<96x8xf32, #tpu.memory_space<vmem>>[vector<16xi32>, vector<16xi32>], vector<16xf32>,
    %add3A_139 = arith.constant 240 : i32
    %add3A_140 = vector.broadcast %add3A_139 : i32 to vector<16xi32>
    %add3A_141 = arith.addi %add3A_140, %iota3A : vector<16xi32>
    %shift_right_logical3A_142 = arith.constant 3 : i32
    %shift_right_logical3A_143 = vector.broadcast %shift_right_logical3A_142 : i32 to vector<16xi32>
    %shift_right_logical3A_144 = arith.shrui %add3A_141, %shift_right_logical3A_143 : vector<16xi32>
    %and3A_145 = arith.constant 7 : i32
    %and3A_146 = vector.broadcast %and3A_145 : i32 to vector<16xi32>
    %and3A_147 = arith.andi %add3A_141, %and3A_146 : vector<16xi32>
    tpu.vector_store_idx %arg14[%shift_right_logical3A_144, %and3A_147], %broadcast_in_dim3A_0 : memref<96x8xf32, #tpu.memory_space<vmem>>[vector<16xi32>, vector<16xi32>], vector<16xf32>,
    %add3A_148 = arith.constant 256 : i32
    %add3A_149 = vector.broadcast %add3A_148 : i32 to vector<16xi32>
    %add3A_150 = arith.addi %add3A_149, %iota3A : vector<16xi32>
    %shift_right_logical3A_151 = arith.constant 3 : i32
    %shift_right_logical3A_152 = vector.broadcast %shift_right_logical3A_151 : i32 to vector<16xi32>
    %shift_right_logical3A_153 = arith.shrui %add3A_150, %shift_right_logical3A_152 : vector<16xi32>
    %and3A_154 = arith.constant 7 : i32
    %and3A_155 = vector.broadcast %and3A_154 : i32 to vector<16xi32>
    %and3A_156 = arith.andi %add3A_150, %and3A_155 : vector<16xi32>
    tpu.vector_store_idx %arg14[%shift_right_logical3A_153, %and3A_156], %broadcast_in_dim3A_0 : memref<96x8xf32, #tpu.memory_space<vmem>>[vector<16xi32>, vector<16xi32>], vector<16xf32>,
    %add3A_157 = arith.constant 272 : i32
    %add3A_158 = vector.broadcast %add3A_157 : i32 to vector<16xi32>
    %add3A_159 = arith.addi %add3A_158, %iota3A : vector<16xi32>
    %shift_right_logical3A_160 = arith.constant 3 : i32
    %shift_right_logical3A_161 = vector.broadcast %shift_right_logical3A_160 : i32 to vector<16xi32>
    %shift_right_logical3A_162 = arith.shrui %add3A_159, %shift_right_logical3A_161 : vector<16xi32>
    %and3A_163 = arith.constant 7 : i32
    %and3A_164 = vector.broadcast %and3A_163 : i32 to vector<16xi32>
    %and3A_165 = arith.andi %add3A_159, %and3A_164 : vector<16xi32>
    tpu.vector_store_idx %arg14[%shift_right_logical3A_162, %and3A_165], %broadcast_in_dim3A_0 : memref<96x8xf32, #tpu.memory_space<vmem>>[vector<16xi32>, vector<16xi32>], vector<16xf32>,
    %add3A_166 = arith.constant 288 : i32
    %add3A_167 = vector.broadcast %add3A_166 : i32 to vector<16xi32>
    %add3A_168 = arith.addi %add3A_167, %iota3A : vector<16xi32>
    %shift_right_logical3A_169 = arith.constant 3 : i32
    %shift_right_logical3A_170 = vector.broadcast %shift_right_logical3A_169 : i32 to vector<16xi32>
    %shift_right_logical3A_171 = arith.shrui %add3A_168, %shift_right_logical3A_170 : vector<16xi32>
    %and3A_172 = arith.constant 7 : i32
    %and3A_173 = vector.broadcast %and3A_172 : i32 to vector<16xi32>
    %and3A_174 = arith.andi %add3A_168, %and3A_173 : vector<16xi32>
    tpu.vector_store_idx %arg14[%shift_right_logical3A_171, %and3A_174], %broadcast_in_dim3A_0 : memref<96x8xf32, #tpu.memory_space<vmem>>[vector<16xi32>, vector<16xi32>], vector<16xf32>,
    %add3A_175 = arith.constant 304 : i32
    %add3A_176 = vector.broadcast %add3A_175 : i32 to vector<16xi32>
    %add3A_177 = arith.addi %add3A_176, %iota3A : vector<16xi32>
    %shift_right_logical3A_178 = arith.constant 3 : i32
    %shift_right_logical3A_179 = vector.broadcast %shift_right_logical3A_178 : i32 to vector<16xi32>
    %shift_right_logical3A_180 = arith.shrui %add3A_177, %shift_right_logical3A_179 : vector<16xi32>
    %and3A_181 = arith.constant 7 : i32
    %and3A_182 = vector.broadcast %and3A_181 : i32 to vector<16xi32>
    %and3A_183 = arith.andi %add3A_177, %and3A_182 : vector<16xi32>
    tpu.vector_store_idx %arg14[%shift_right_logical3A_180, %and3A_183], %broadcast_in_dim3A_0 : memref<96x8xf32, #tpu.memory_space<vmem>>[vector<16xi32>, vector<16xi32>], vector<16xf32>,
    %add3A_184 = arith.constant 320 : i32
    %add3A_185 = vector.broadcast %add3A_184 : i32 to vector<16xi32>
    %add3A_186 = arith.addi %add3A_185, %iota3A : vector<16xi32>
    %shift_right_logical3A_187 = arith.constant 3 : i32
    %shift_right_logical3A_188 = vector.broadcast %shift_right_logical3A_187 : i32 to vector<16xi32>
    %shift_right_logical3A_189 = arith.shrui %add3A_186, %shift_right_logical3A_188 : vector<16xi32>
    %and3A_190 = arith.constant 7 : i32
    %and3A_191 = vector.broadcast %and3A_190 : i32 to vector<16xi32>
    %and3A_192 = arith.andi %add3A_186, %and3A_191 : vector<16xi32>
    tpu.vector_store_idx %arg14[%shift_right_logical3A_189, %and3A_192], %broadcast_in_dim3A_0 : memref<96x8xf32, #tpu.memory_space<vmem>>[vector<16xi32>, vector<16xi32>], vector<16xf32>,
    %add3A_193 = arith.constant 336 : i32
    %add3A_194 = vector.broadcast %add3A_193 : i32 to vector<16xi32>
    %add3A_195 = arith.addi %add3A_194, %iota3A : vector<16xi32>
    %shift_right_logical3A_196 = arith.constant 3 : i32
    %shift_right_logical3A_197 = vector.broadcast %shift_right_logical3A_196 : i32 to vector<16xi32>
    %shift_right_logical3A_198 = arith.shrui %add3A_195, %shift_right_logical3A_197 : vector<16xi32>
    %and3A_199 = arith.constant 7 : i32
    %and3A_200 = vector.broadcast %and3A_199 : i32 to vector<16xi32>
    %and3A_201 = arith.andi %add3A_195, %and3A_200 : vector<16xi32>
    tpu.vector_store_idx %arg14[%shift_right_logical3A_198, %and3A_201], %broadcast_in_dim3A_0 : memref<96x8xf32, #tpu.memory_space<vmem>>[vector<16xi32>, vector<16xi32>], vector<16xf32>,
    %add3A_202 = arith.constant 352 : i32
    %add3A_203 = vector.broadcast %add3A_202 : i32 to vector<16xi32>
    %add3A_204 = arith.addi %add3A_203, %iota3A : vector<16xi32>
    %shift_right_logical3A_205 = arith.constant 3 : i32
    %shift_right_logical3A_206 = vector.broadcast %shift_right_logical3A_205 : i32 to vector<16xi32>
    %shift_right_logical3A_207 = arith.shrui %add3A_204, %shift_right_logical3A_206 : vector<16xi32>
    %and3A_208 = arith.constant 7 : i32
    %and3A_209 = vector.broadcast %and3A_208 : i32 to vector<16xi32>
    %and3A_210 = arith.andi %add3A_204, %and3A_209 : vector<16xi32>
    tpu.vector_store_idx %arg14[%shift_right_logical3A_207, %and3A_210], %broadcast_in_dim3A_0 : memref<96x8xf32, #tpu.memory_space<vmem>>[vector<16xi32>, vector<16xi32>], vector<16xf32>,
    %add3A_211 = arith.constant 368 : i32
    %add3A_212 = vector.broadcast %add3A_211 : i32 to vector<16xi32>
    %add3A_213 = arith.addi %add3A_212, %iota3A : vector<16xi32>
    %shift_right_logical3A_214 = arith.constant 3 : i32
    %shift_right_logical3A_215 = vector.broadcast %shift_right_logical3A_214 : i32 to vector<16xi32>
    %shift_right_logical3A_216 = arith.shrui %add3A_213, %shift_right_logical3A_215 : vector<16xi32>
    %and3A_217 = arith.constant 7 : i32
    %and3A_218 = vector.broadcast %and3A_217 : i32 to vector<16xi32>
    %and3A_219 = arith.andi %add3A_213, %and3A_218 : vector<16xi32>
    tpu.vector_store_idx %arg14[%shift_right_logical3A_216, %and3A_219], %broadcast_in_dim3A_0 : memref<96x8xf32, #tpu.memory_space<vmem>>[vector<16xi32>, vector<16xi32>], vector<16xf32>,
    %add3A_220 = arith.constant 384 : i32
    %add3A_221 = vector.broadcast %add3A_220 : i32 to vector<16xi32>
    %add3A_222 = arith.addi %add3A_221, %iota3A : vector<16xi32>
    %shift_right_logical3A_223 = arith.constant 3 : i32
    %shift_right_logical3A_224 = vector.broadcast %shift_right_logical3A_223 : i32 to vector<16xi32>
    %shift_right_logical3A_225 = arith.shrui %add3A_222, %shift_right_logical3A_224 : vector<16xi32>
    %and3A_226 = arith.constant 7 : i32
    %and3A_227 = vector.broadcast %and3A_226 : i32 to vector<16xi32>
    %and3A_228 = arith.andi %add3A_222, %and3A_227 : vector<16xi32>
    tpu.vector_store_idx %arg14[%shift_right_logical3A_225, %and3A_228], %broadcast_in_dim3A_0 : memref<96x8xf32, #tpu.memory_space<vmem>>[vector<16xi32>, vector<16xi32>], vector<16xf32>,
    %add3A_229 = arith.constant 400 : i32
    %add3A_230 = vector.broadcast %add3A_229 : i32 to vector<16xi32>
    %add3A_231 = arith.addi %add3A_230, %iota3A : vector<16xi32>
    %shift_right_logical3A_232 = arith.constant 3 : i32
    %shift_right_logical3A_233 = vector.broadcast %shift_right_logical3A_232 : i32 to vector<16xi32>
    %shift_right_logical3A_234 = arith.shrui %add3A_231, %shift_right_logical3A_233 : vector<16xi32>
    %and3A_235 = arith.constant 7 : i32
    %and3A_236 = vector.broadcast %and3A_235 : i32 to vector<16xi32>
    %and3A_237 = arith.andi %add3A_231, %and3A_236 : vector<16xi32>
    tpu.vector_store_idx %arg14[%shift_right_logical3A_234, %and3A_237], %broadcast_in_dim3A_0 : memref<96x8xf32, #tpu.memory_space<vmem>>[vector<16xi32>, vector<16xi32>], vector<16xf32>,
    %add3A_238 = arith.constant 416 : i32
    %add3A_239 = vector.broadcast %add3A_238 : i32 to vector<16xi32>
    %add3A_240 = arith.addi %add3A_239, %iota3A : vector<16xi32>
    %shift_right_logical3A_241 = arith.constant 3 : i32
    %shift_right_logical3A_242 = vector.broadcast %shift_right_logical3A_241 : i32 to vector<16xi32>
    %shift_right_logical3A_243 = arith.shrui %add3A_240, %shift_right_logical3A_242 : vector<16xi32>
    %and3A_244 = arith.constant 7 : i32
    %and3A_245 = vector.broadcast %and3A_244 : i32 to vector<16xi32>
    %and3A_246 = arith.andi %add3A_240, %and3A_245 : vector<16xi32>
    tpu.vector_store_idx %arg14[%shift_right_logical3A_243, %and3A_246], %broadcast_in_dim3A_0 : memref<96x8xf32, #tpu.memory_space<vmem>>[vector<16xi32>, vector<16xi32>], vector<16xf32>,
    %add3A_247 = arith.constant 432 : i32
    %add3A_248 = vector.broadcast %add3A_247 : i32 to vector<16xi32>
    %add3A_249 = arith.addi %add3A_248, %iota3A : vector<16xi32>
    %shift_right_logical3A_250 = arith.constant 3 : i32
    %shift_right_logical3A_251 = vector.broadcast %shift_right_logical3A_250 : i32 to vector<16xi32>
    %shift_right_logical3A_252 = arith.shrui %add3A_249, %shift_right_logical3A_251 : vector<16xi32>
    %and3A_253 = arith.constant 7 : i32
    %and3A_254 = vector.broadcast %and3A_253 : i32 to vector<16xi32>
    %and3A_255 = arith.andi %add3A_249, %and3A_254 : vector<16xi32>
    tpu.vector_store_idx %arg14[%shift_right_logical3A_252, %and3A_255], %broadcast_in_dim3A_0 : memref<96x8xf32, #tpu.memory_space<vmem>>[vector<16xi32>, vector<16xi32>], vector<16xf32>,
    %add3A_256 = arith.constant 448 : i32
    %add3A_257 = vector.broadcast %add3A_256 : i32 to vector<16xi32>
    %add3A_258 = arith.addi %add3A_257, %iota3A : vector<16xi32>
    %shift_right_logical3A_259 = arith.constant 3 : i32
    %shift_right_logical3A_260 = vector.broadcast %shift_right_logical3A_259 : i32 to vector<16xi32>
    %shift_right_logical3A_261 = arith.shrui %add3A_258, %shift_right_logical3A_260 : vector<16xi32>
    %and3A_262 = arith.constant 7 : i32
    %and3A_263 = vector.broadcast %and3A_262 : i32 to vector<16xi32>
    %and3A_264 = arith.andi %add3A_258, %and3A_263 : vector<16xi32>
    tpu.vector_store_idx %arg14[%shift_right_logical3A_261, %and3A_264], %broadcast_in_dim3A_0 : memref<96x8xf32, #tpu.memory_space<vmem>>[vector<16xi32>, vector<16xi32>], vector<16xf32>,
    %add3A_265 = arith.constant 464 : i32
    %add3A_266 = vector.broadcast %add3A_265 : i32 to vector<16xi32>
    %add3A_267 = arith.addi %add3A_266, %iota3A : vector<16xi32>
    %shift_right_logical3A_268 = arith.constant 3 : i32
    %shift_right_logical3A_269 = vector.broadcast %shift_right_logical3A_268 : i32 to vector<16xi32>
    %shift_right_logical3A_270 = arith.shrui %add3A_267, %shift_right_logical3A_269 : vector<16xi32>
    %and3A_271 = arith.constant 7 : i32
    %and3A_272 = vector.broadcast %and3A_271 : i32 to vector<16xi32>
    %and3A_273 = arith.andi %add3A_267, %and3A_272 : vector<16xi32>
    tpu.vector_store_idx %arg14[%shift_right_logical3A_270, %and3A_273], %broadcast_in_dim3A_0 : memref<96x8xf32, #tpu.memory_space<vmem>>[vector<16xi32>, vector<16xi32>], vector<16xf32>,
    %add3A_274 = arith.constant 480 : i32
    %add3A_275 = vector.broadcast %add3A_274 : i32 to vector<16xi32>
    %add3A_276 = arith.addi %add3A_275, %iota3A : vector<16xi32>
    %shift_right_logical3A_277 = arith.constant 3 : i32
    %shift_right_logical3A_278 = vector.broadcast %shift_right_logical3A_277 : i32 to vector<16xi32>
    %shift_right_logical3A_279 = arith.shrui %add3A_276, %shift_right_logical3A_278 : vector<16xi32>
    %and3A_280 = arith.constant 7 : i32
    %and3A_281 = vector.broadcast %and3A_280 : i32 to vector<16xi32>
    %and3A_282 = arith.andi %add3A_276, %and3A_281 : vector<16xi32>
    tpu.vector_store_idx %arg14[%shift_right_logical3A_279, %and3A_282], %broadcast_in_dim3A_0 : memref<96x8xf32, #tpu.memory_space<vmem>>[vector<16xi32>, vector<16xi32>], vector<16xf32>,
    %add3A_283 = arith.constant 496 : i32
    %add3A_284 = vector.broadcast %add3A_283 : i32 to vector<16xi32>
    %add3A_285 = arith.addi %add3A_284, %iota3A : vector<16xi32>
    %shift_right_logical3A_286 = arith.constant 3 : i32
    %shift_right_logical3A_287 = vector.broadcast %shift_right_logical3A_286 : i32 to vector<16xi32>
    %shift_right_logical3A_288 = arith.shrui %add3A_285, %shift_right_logical3A_287 : vector<16xi32>
    %and3A_289 = arith.constant 7 : i32
    %and3A_290 = vector.broadcast %and3A_289 : i32 to vector<16xi32>
    %and3A_291 = arith.andi %add3A_285, %and3A_290 : vector<16xi32>
    tpu.vector_store_idx %arg14[%shift_right_logical3A_288, %and3A_291], %broadcast_in_dim3A_0 : memref<96x8xf32, #tpu.memory_space<vmem>>[vector<16xi32>, vector<16xi32>], vector<16xf32>,
    %add3A_292 = arith.constant 512 : i32
    %add3A_293 = vector.broadcast %add3A_292 : i32 to vector<16xi32>
    %add3A_294 = arith.addi %add3A_293, %iota3A : vector<16xi32>
    %shift_right_logical3A_295 = arith.constant 3 : i32
    %shift_right_logical3A_296 = vector.broadcast %shift_right_logical3A_295 : i32 to vector<16xi32>
    %shift_right_logical3A_297 = arith.shrui %add3A_294, %shift_right_logical3A_296 : vector<16xi32>
    %and3A_298 = arith.constant 7 : i32
    %and3A_299 = vector.broadcast %and3A_298 : i32 to vector<16xi32>
    %and3A_300 = arith.andi %add3A_294, %and3A_299 : vector<16xi32>
    tpu.vector_store_idx %arg14[%shift_right_logical3A_297, %and3A_300], %broadcast_in_dim3A_0 : memref<96x8xf32, #tpu.memory_space<vmem>>[vector<16xi32>, vector<16xi32>], vector<16xf32>,
    %add3A_301 = arith.constant 528 : i32
    %add3A_302 = vector.broadcast %add3A_301 : i32 to vector<16xi32>
    %add3A_303 = arith.addi %add3A_302, %iota3A : vector<16xi32>
    %shift_right_logical3A_304 = arith.constant 3 : i32
    %shift_right_logical3A_305 = vector.broadcast %shift_right_logical3A_304 : i32 to vector<16xi32>
    %shift_right_logical3A_306 = arith.shrui %add3A_303, %shift_right_logical3A_305 : vector<16xi32>
    %and3A_307 = arith.constant 7 : i32
    %and3A_308 = vector.broadcast %and3A_307 : i32 to vector<16xi32>
    %and3A_309 = arith.andi %add3A_303, %and3A_308 : vector<16xi32>
    tpu.vector_store_idx %arg14[%shift_right_logical3A_306, %and3A_309], %broadcast_in_dim3A_0 : memref<96x8xf32, #tpu.memory_space<vmem>>[vector<16xi32>, vector<16xi32>], vector<16xf32>,
    %add3A_310 = arith.constant 544 : i32
    %add3A_311 = vector.broadcast %add3A_310 : i32 to vector<16xi32>
    %add3A_312 = arith.addi %add3A_311, %iota3A : vector<16xi32>
    %shift_right_logical3A_313 = arith.constant 3 : i32
    %shift_right_logical3A_314 = vector.broadcast %shift_right_logical3A_313 : i32 to vector<16xi32>
    %shift_right_logical3A_315 = arith.shrui %add3A_312, %shift_right_logical3A_314 : vector<16xi32>
    %and3A_316 = arith.constant 7 : i32
    %and3A_317 = vector.broadcast %and3A_316 : i32 to vector<16xi32>
    %and3A_318 = arith.andi %add3A_312, %and3A_317 : vector<16xi32>
    tpu.vector_store_idx %arg14[%shift_right_logical3A_315, %and3A_318], %broadcast_in_dim3A_0 : memref<96x8xf32, #tpu.memory_space<vmem>>[vector<16xi32>, vector<16xi32>], vector<16xf32>,
    %add3A_319 = arith.constant 560 : i32
    %add3A_320 = vector.broadcast %add3A_319 : i32 to vector<16xi32>
    %add3A_321 = arith.addi %add3A_320, %iota3A : vector<16xi32>
    %shift_right_logical3A_322 = arith.constant 3 : i32
    %shift_right_logical3A_323 = vector.broadcast %shift_right_logical3A_322 : i32 to vector<16xi32>
    %shift_right_logical3A_324 = arith.shrui %add3A_321, %shift_right_logical3A_323 : vector<16xi32>
    %and3A_325 = arith.constant 7 : i32
    %and3A_326 = vector.broadcast %and3A_325 : i32 to vector<16xi32>
    %and3A_327 = arith.andi %add3A_321, %and3A_326 : vector<16xi32>
    tpu.vector_store_idx %arg14[%shift_right_logical3A_324, %and3A_327], %broadcast_in_dim3A_0 : memref<96x8xf32, #tpu.memory_space<vmem>>[vector<16xi32>, vector<16xi32>], vector<16xf32>,
    %add3A_328 = arith.constant 576 : i32
    %add3A_329 = vector.broadcast %add3A_328 : i32 to vector<16xi32>
    %add3A_330 = arith.addi %add3A_329, %iota3A : vector<16xi32>
    %shift_right_logical3A_331 = arith.constant 3 : i32
    %shift_right_logical3A_332 = vector.broadcast %shift_right_logical3A_331 : i32 to vector<16xi32>
    %shift_right_logical3A_333 = arith.shrui %add3A_330, %shift_right_logical3A_332 : vector<16xi32>
    %and3A_334 = arith.constant 7 : i32
    %and3A_335 = vector.broadcast %and3A_334 : i32 to vector<16xi32>
    %and3A_336 = arith.andi %add3A_330, %and3A_335 : vector<16xi32>
    tpu.vector_store_idx %arg14[%shift_right_logical3A_333, %and3A_336], %broadcast_in_dim3A_0 : memref<96x8xf32, #tpu.memory_space<vmem>>[vector<16xi32>, vector<16xi32>], vector<16xf32>,
    %add3A_337 = arith.constant 592 : i32
    %add3A_338 = vector.broadcast %add3A_337 : i32 to vector<16xi32>
    %add3A_339 = arith.addi %add3A_338, %iota3A : vector<16xi32>
    %shift_right_logical3A_340 = arith.constant 3 : i32
    %shift_right_logical3A_341 = vector.broadcast %shift_right_logical3A_340 : i32 to vector<16xi32>
    %shift_right_logical3A_342 = arith.shrui %add3A_339, %shift_right_logical3A_341 : vector<16xi32>
    %and3A_343 = arith.constant 7 : i32
    %and3A_344 = vector.broadcast %and3A_343 : i32 to vector<16xi32>
    %and3A_345 = arith.andi %add3A_339, %and3A_344 : vector<16xi32>
    tpu.vector_store_idx %arg14[%shift_right_logical3A_342, %and3A_345], %broadcast_in_dim3A_0 : memref<96x8xf32, #tpu.memory_space<vmem>>[vector<16xi32>, vector<16xi32>], vector<16xf32>,
    %add3A_346 = arith.constant 608 : i32
    %add3A_347 = vector.broadcast %add3A_346 : i32 to vector<16xi32>
    %add3A_348 = arith.addi %add3A_347, %iota3A : vector<16xi32>
    %shift_right_logical3A_349 = arith.constant 3 : i32
    %shift_right_logical3A_350 = vector.broadcast %shift_right_logical3A_349 : i32 to vector<16xi32>
    %shift_right_logical3A_351 = arith.shrui %add3A_348, %shift_right_logical3A_350 : vector<16xi32>
    %and3A_352 = arith.constant 7 : i32
    %and3A_353 = vector.broadcast %and3A_352 : i32 to vector<16xi32>
    %and3A_354 = arith.andi %add3A_348, %and3A_353 : vector<16xi32>
    tpu.vector_store_idx %arg14[%shift_right_logical3A_351, %and3A_354], %broadcast_in_dim3A_0 : memref<96x8xf32, #tpu.memory_space<vmem>>[vector<16xi32>, vector<16xi32>], vector<16xf32>,
    %add3A_355 = arith.constant 624 : i32
    %add3A_356 = vector.broadcast %add3A_355 : i32 to vector<16xi32>
    %add3A_357 = arith.addi %add3A_356, %iota3A : vector<16xi32>
    %shift_right_logical3A_358 = arith.constant 3 : i32
    %shift_right_logical3A_359 = vector.broadcast %shift_right_logical3A_358 : i32 to vector<16xi32>
    %shift_right_logical3A_360 = arith.shrui %add3A_357, %shift_right_logical3A_359 : vector<16xi32>
    %and3A_361 = arith.constant 7 : i32
    %and3A_362 = vector.broadcast %and3A_361 : i32 to vector<16xi32>
    %and3A_363 = arith.andi %add3A_357, %and3A_362 : vector<16xi32>
    tpu.vector_store_idx %arg14[%shift_right_logical3A_360, %and3A_363], %broadcast_in_dim3A_0 : memref<96x8xf32, #tpu.memory_space<vmem>>[vector<16xi32>, vector<16xi32>], vector<16xf32>,
    %add3A_364 = arith.constant 640 : i32
    %add3A_365 = vector.broadcast %add3A_364 : i32 to vector<16xi32>
    %add3A_366 = arith.addi %add3A_365, %iota3A : vector<16xi32>
    %shift_right_logical3A_367 = arith.constant 3 : i32
    %shift_right_logical3A_368 = vector.broadcast %shift_right_logical3A_367 : i32 to vector<16xi32>
    %shift_right_logical3A_369 = arith.shrui %add3A_366, %shift_right_logical3A_368 : vector<16xi32>
    %and3A_370 = arith.constant 7 : i32
    %and3A_371 = vector.broadcast %and3A_370 : i32 to vector<16xi32>
    %and3A_372 = arith.andi %add3A_366, %and3A_371 : vector<16xi32>
    tpu.vector_store_idx %arg14[%shift_right_logical3A_369, %and3A_372], %broadcast_in_dim3A_0 : memref<96x8xf32, #tpu.memory_space<vmem>>[vector<16xi32>, vector<16xi32>], vector<16xf32>,
    %add3A_373 = arith.constant 656 : i32
    %add3A_374 = vector.broadcast %add3A_373 : i32 to vector<16xi32>
    %add3A_375 = arith.addi %add3A_374, %iota3A : vector<16xi32>
    %shift_right_logical3A_376 = arith.constant 3 : i32
    %shift_right_logical3A_377 = vector.broadcast %shift_right_logical3A_376 : i32 to vector<16xi32>
    %shift_right_logical3A_378 = arith.shrui %add3A_375, %shift_right_logical3A_377 : vector<16xi32>
    %and3A_379 = arith.constant 7 : i32
    %and3A_380 = vector.broadcast %and3A_379 : i32 to vector<16xi32>
    %and3A_381 = arith.andi %add3A_375, %and3A_380 : vector<16xi32>
    tpu.vector_store_idx %arg14[%shift_right_logical3A_378, %and3A_381], %broadcast_in_dim3A_0 : memref<96x8xf32, #tpu.memory_space<vmem>>[vector<16xi32>, vector<16xi32>], vector<16xf32>,
    %add3A_382 = arith.constant 672 : i32
    %add3A_383 = vector.broadcast %add3A_382 : i32 to vector<16xi32>
    %add3A_384 = arith.addi %add3A_383, %iota3A : vector<16xi32>
    %shift_right_logical3A_385 = arith.constant 3 : i32
    %shift_right_logical3A_386 = vector.broadcast %shift_right_logical3A_385 : i32 to vector<16xi32>
    %shift_right_logical3A_387 = arith.shrui %add3A_384, %shift_right_logical3A_386 : vector<16xi32>
    %and3A_388 = arith.constant 7 : i32
    %and3A_389 = vector.broadcast %and3A_388 : i32 to vector<16xi32>
    %and3A_390 = arith.andi %add3A_384, %and3A_389 : vector<16xi32>
    tpu.vector_store_idx %arg14[%shift_right_logical3A_387, %and3A_390], %broadcast_in_dim3A_0 : memref<96x8xf32, #tpu.memory_space<vmem>>[vector<16xi32>, vector<16xi32>], vector<16xf32>,
    %add3A_391 = arith.constant 688 : i32
    %add3A_392 = vector.broadcast %add3A_391 : i32 to vector<16xi32>
    %add3A_393 = arith.addi %add3A_392, %iota3A : vector<16xi32>
    %shift_right_logical3A_394 = arith.constant 3 : i32
    %shift_right_logical3A_395 = vector.broadcast %shift_right_logical3A_394 : i32 to vector<16xi32>
    %shift_right_logical3A_396 = arith.shrui %add3A_393, %shift_right_logical3A_395 : vector<16xi32>
    %and3A_397 = arith.constant 7 : i32
    %and3A_398 = vector.broadcast %and3A_397 : i32 to vector<16xi32>
    %and3A_399 = arith.andi %add3A_393, %and3A_398 : vector<16xi32>
    tpu.vector_store_idx %arg14[%shift_right_logical3A_396, %and3A_399], %broadcast_in_dim3A_0 : memref<96x8xf32, #tpu.memory_space<vmem>>[vector<16xi32>, vector<16xi32>], vector<16xf32>,
    %add3A_400 = arith.constant 704 : i32
    %add3A_401 = vector.broadcast %add3A_400 : i32 to vector<16xi32>
    %add3A_402 = arith.addi %add3A_401, %iota3A : vector<16xi32>
    %shift_right_logical3A_403 = arith.constant 3 : i32
    %shift_right_logical3A_404 = vector.broadcast %shift_right_logical3A_403 : i32 to vector<16xi32>
    %shift_right_logical3A_405 = arith.shrui %add3A_402, %shift_right_logical3A_404 : vector<16xi32>
    %and3A_406 = arith.constant 7 : i32
    %and3A_407 = vector.broadcast %and3A_406 : i32 to vector<16xi32>
    %and3A_408 = arith.andi %add3A_402, %and3A_407 : vector<16xi32>
    tpu.vector_store_idx %arg14[%shift_right_logical3A_405, %and3A_408], %broadcast_in_dim3A_0 : memref<96x8xf32, #tpu.memory_space<vmem>>[vector<16xi32>, vector<16xi32>], vector<16xf32>,
    %add3A_409 = arith.constant 720 : i32
    %add3A_410 = vector.broadcast %add3A_409 : i32 to vector<16xi32>
    %add3A_411 = arith.addi %add3A_410, %iota3A : vector<16xi32>
    %shift_right_logical3A_412 = arith.constant 3 : i32
    %shift_right_logical3A_413 = vector.broadcast %shift_right_logical3A_412 : i32 to vector<16xi32>
    %shift_right_logical3A_414 = arith.shrui %add3A_411, %shift_right_logical3A_413 : vector<16xi32>
    %and3A_415 = arith.constant 7 : i32
    %and3A_416 = vector.broadcast %and3A_415 : i32 to vector<16xi32>
    %and3A_417 = arith.andi %add3A_411, %and3A_416 : vector<16xi32>
    tpu.vector_store_idx %arg14[%shift_right_logical3A_414, %and3A_417], %broadcast_in_dim3A_0 : memref<96x8xf32, #tpu.memory_space<vmem>>[vector<16xi32>, vector<16xi32>], vector<16xf32>,
    %add3A_418 = arith.constant 736 : i32
    %add3A_419 = vector.broadcast %add3A_418 : i32 to vector<16xi32>
    %add3A_420 = arith.addi %add3A_419, %iota3A : vector<16xi32>
    %shift_right_logical3A_421 = arith.constant 3 : i32
    %shift_right_logical3A_422 = vector.broadcast %shift_right_logical3A_421 : i32 to vector<16xi32>
    %shift_right_logical3A_423 = arith.shrui %add3A_420, %shift_right_logical3A_422 : vector<16xi32>
    %and3A_424 = arith.constant 7 : i32
    %and3A_425 = vector.broadcast %and3A_424 : i32 to vector<16xi32>
    %and3A_426 = arith.andi %add3A_420, %and3A_425 : vector<16xi32>
    tpu.vector_store_idx %arg14[%shift_right_logical3A_423, %and3A_426], %broadcast_in_dim3A_0 : memref<96x8xf32, #tpu.memory_space<vmem>>[vector<16xi32>, vector<16xi32>], vector<16xf32>,
    %add3A_427 = arith.constant 752 : i32
    %add3A_428 = vector.broadcast %add3A_427 : i32 to vector<16xi32>
    %add3A_429 = arith.addi %add3A_428, %iota3A : vector<16xi32>
    %shift_right_logical3A_430 = arith.constant 3 : i32
    %shift_right_logical3A_431 = vector.broadcast %shift_right_logical3A_430 : i32 to vector<16xi32>
    %shift_right_logical3A_432 = arith.shrui %add3A_429, %shift_right_logical3A_431 : vector<16xi32>
    %and3A_433 = arith.constant 7 : i32
    %and3A_434 = vector.broadcast %and3A_433 : i32 to vector<16xi32>
    %and3A_435 = arith.andi %add3A_429, %and3A_434 : vector<16xi32>
    tpu.vector_store_idx %arg14[%shift_right_logical3A_432, %and3A_435], %broadcast_in_dim3A_0 : memref<96x8xf32, #tpu.memory_space<vmem>>[vector<16xi32>, vector<16xi32>], vector<16xf32>,
    %scan3A_436 = arith.constant 0 : i32
    %scan3A_437 = arith.constant 0 : i32
    %scan3A_438 = arith.constant 13 : i32
    %scan3A_439 = arith.addi %scan3A_437, %scan3A_438 : i32
    %scan3A_440 = arith.constant 1 : i32
    %scan3A_441 = scf.for %scan3A_826 = %scan3A_437 to %scan3A_439 step %scan3A_440 iter_args(%scan3A_827 = %scan3A_436) -> (i32)  : i32 {
      %mul3A_828 = arith.constant 624 : i32
      %mul3A_829 = arith.muli %arg1, %mul3A_828 : i32
      %mul3A_830 = arith.constant 48 : i32
      %mul3A_831 = arith.muli %scan3A_826, %mul3A_830 : i32
      %add3A_832 = arith.addi %mul3A_829, %mul3A_831 : i32
      "tpu.region"() ({
        %run_scoped3A = tpu.sem_alloc : memref<!tpu.dma_semaphore, #tpu.memory_space<semaphore_mem>>
        %dma_start3A_834 = arith.constant 0 : i32
        %dma_start3A_835 = tpu.memref_slice %arg17[%add3A_832, %dma_start3A_834] : memref<10000x64xf32, #tpu.memory_space<vmem_shared>> -> memref<48x64xf32, #tpu.memory_space<vmem_shared>>
        %dma_start3A_836 = arith.constant 0 : i32
        %dma_start3A_837 = tpu.memref_slice %arg17[%add3A_832, %dma_start3A_836] : memref<10000x64xf32, #tpu.memory_space<vmem_shared>> -> memref<48x64xf32, #tpu.memory_space<vmem_shared>>
        tpu.enqueue_dma source(%arg12 : memref<48x64xf32, #tpu.memory_space<vmem>>) target(%dma_start3A_837 : memref<48x64xf32, #tpu.memory_space<vmem_shared>>) target_semaphore(%run_scoped3A : memref<!tpu.dma_semaphore, #tpu.memory_space<semaphore_mem>>)
        %dma_wait3A_838 = arith.constant 0 : i32
        %dma_wait3A_839 = tpu.memref_slice %arg17[%add3A_832, %dma_wait3A_838] : memref<10000x64xf32, #tpu.memory_space<vmem_shared>> -> memref<48x64xf32, #tpu.memory_space<vmem_shared>>
        %dma_wait3A_840 = arith.constant 0 : i32
        %dma_wait3A_841 = tpu.memref_slice %arg17[%add3A_832, %dma_wait3A_840] : memref<10000x64xf32, #tpu.memory_space<vmem_shared>> -> memref<48x64xf32, #tpu.memory_space<vmem_shared>>
        tpu.wait_dma2 semaphore(%run_scoped3A : memref<!tpu.dma_semaphore, #tpu.memory_space<semaphore_mem>>) src(%arg12 : memref<48x64xf32, #tpu.memory_space<vmem>>) dst(%dma_wait3A_841 : memref<48x64xf32, #tpu.memory_space<vmem_shared>>)
        tpu.yield
      }) : () -> ()
      %scan3A_833 = arith.constant 0 : i32
      scf.yield %scan3A_833 : i32
    }
    %scan3A_442 = arith.constant 13 : i32
    %scan3A_443 = arith.constant 0 : i32
    %scan3A_444 = arith.constant 0 : i32
    %scan3A_445 = arith.constant 3 : i32
    %scan3A_446 = arith.addi %scan3A_444, %scan3A_445 : i32
    %scan3A_447 = arith.constant 1 : i32
    %scan3A_448 = scf.for %scan3A_826 = %scan3A_444 to %scan3A_446 step %scan3A_447 iter_args(%scan3A_827 = %scan3A_443) -> (i32)  : i32 {
      %mul3A_828 = arith.constant 152 : i32
      %mul3A_829 = arith.muli %arg1, %mul3A_828 : i32
      %mul3A_830 = arith.constant 48 : i32
      %mul3A_831 = arith.muli %scan3A_826, %mul3A_830 : i32
      %add3A_832 = arith.addi %mul3A_829, %mul3A_831 : i32
      "tpu.region"() ({
        %run_scoped3A = tpu.sem_alloc : memref<!tpu.dma_semaphore, #tpu.memory_space<semaphore_mem>>
        %dma_start3A_834 = arith.constant 0 : i32
        %dma_start3A_835 = arith.constant 0 : i32
        %dma_start3A_836 = tpu.memref_slice %arg14[%dma_start3A_834, %dma_start3A_835] : memref<96x8xf32, #tpu.memory_space<vmem>> -> memref<48x8xf32, #tpu.memory_space<vmem>>
        %dma_start3A_837 = arith.constant 0 : i32
        %dma_start3A_838 = tpu.memref_slice %arg18[%add3A_832, %dma_start3A_837] : memref<2504x8xf32, #tpu.memory_space<vmem_shared>> -> memref<48x8xf32, #tpu.memory_space<vmem_shared>>
        %dma_start3A_839 = arith.constant 0 : i32
        %dma_start3A_840 = tpu.memref_slice %arg18[%add3A_832, %dma_start3A_839] : memref<2504x8xf32, #tpu.memory_space<vmem_shared>> -> memref<48x8xf32, #tpu.memory_space<vmem_shared>>
        %dma_start3A_841 = arith.constant 0 : i32
        %dma_start3A_842 = arith.constant 0 : i32
        %dma_start3A_843 = tpu.memref_slice %arg14[%dma_start3A_841, %dma_start3A_842] : memref<96x8xf32, #tpu.memory_space<vmem>> -> memref<48x8xf32, #tpu.memory_space<vmem>>
        tpu.enqueue_dma source(%dma_start3A_843 : memref<48x8xf32, #tpu.memory_space<vmem>>) target(%dma_start3A_840 : memref<48x8xf32, #tpu.memory_space<vmem_shared>>) target_semaphore(%run_scoped3A : memref<!tpu.dma_semaphore, #tpu.memory_space<semaphore_mem>>)
        %dma_wait3A_844 = arith.constant 0 : i32
        %dma_wait3A_845 = arith.constant 0 : i32
        %dma_wait3A_846 = tpu.memref_slice %arg14[%dma_wait3A_844, %dma_wait3A_845] : memref<96x8xf32, #tpu.memory_space<vmem>> -> memref<48x8xf32, #tpu.memory_space<vmem>>
        %dma_wait3A_847 = arith.constant 0 : i32
        %dma_wait3A_848 = tpu.memref_slice %arg18[%add3A_832, %dma_wait3A_847] : memref<2504x8xf32, #tpu.memory_space<vmem_shared>> -> memref<48x8xf32, #tpu.memory_space<vmem_shared>>
        %dma_wait3A_849 = arith.constant 0 : i32
        %dma_wait3A_850 = tpu.memref_slice %arg18[%add3A_832, %dma_wait3A_849] : memref<2504x8xf32, #tpu.memory_space<vmem_shared>> -> memref<48x8xf32, #tpu.memory_space<vmem_shared>>
        %dma_wait3A_851 = arith.constant 0 : i32
        %dma_wait3A_852 = arith.constant 0 : i32
        %dma_wait3A_853 = tpu.memref_slice %arg14[%dma_wait3A_851, %dma_wait3A_852] : memref<96x8xf32, #tpu.memory_space<vmem>> -> memref<48x8xf32, #tpu.memory_space<vmem>>
        tpu.wait_dma2 semaphore(%run_scoped3A : memref<!tpu.dma_semaphore, #tpu.memory_space<semaphore_mem>>) src(%dma_wait3A_853 : memref<48x8xf32, #tpu.memory_space<vmem>>) dst(%dma_wait3A_850 : memref<48x8xf32, #tpu.memory_space<vmem_shared>>)
        tpu.yield
      }) : () -> ()
      %scan3A_833 = arith.constant 0 : i32
      scf.yield %scan3A_833 : i32
    }
    %scan3A_449 = arith.constant 3 : i32
    %mul3A = arith.constant 152 : i32
    %mul3A_450 = arith.muli %arg1, %mul3A : i32
    %add3A_451 = arith.constant 152 : i32
    %add3A_452 = arith.addi %mul3A_450, %add3A_451 : i32
    %sub3A = arith.constant 8 : i32
    %sub3A_453 = arith.subi %add3A_452, %sub3A : i32
    "tpu.region"() ({
      %run_scoped3A = tpu.sem_alloc : memref<!tpu.dma_semaphore, #tpu.memory_space<semaphore_mem>>
      %dma_start3A_826 = arith.constant 0 : i32
      %dma_start3A_827 = arith.constant 0 : i32
      %dma_start3A_828 = tpu.memref_slice %arg14[%dma_start3A_826, %dma_start3A_827] : memref<96x8xf32, #tpu.memory_space<vmem>> -> memref<8x8xf32, #tpu.memory_space<vmem>>
      %dma_start3A_829 = arith.constant 0 : i32
      %dma_start3A_830 = tpu.memref_slice %arg18[%sub3A_453, %dma_start3A_829] : memref<2504x8xf32, #tpu.memory_space<vmem_shared>> -> memref<8x8xf32, #tpu.memory_space<vmem_shared>>
      %dma_start3A_831 = arith.constant 0 : i32
      %dma_start3A_832 = tpu.memref_slice %arg18[%sub3A_453, %dma_start3A_831] : memref<2504x8xf32, #tpu.memory_space<vmem_shared>> -> memref<8x8xf32, #tpu.memory_space<vmem_shared>>
      %dma_start3A_833 = arith.constant 0 : i32
      %dma_start3A_834 = arith.constant 0 : i32
      %dma_start3A_835 = tpu.memref_slice %arg14[%dma_start3A_833, %dma_start3A_834] : memref<96x8xf32, #tpu.memory_space<vmem>> -> memref<8x8xf32, #tpu.memory_space<vmem>>
      tpu.enqueue_dma source(%dma_start3A_835 : memref<8x8xf32, #tpu.memory_space<vmem>>) target(%dma_start3A_832 : memref<8x8xf32, #tpu.memory_space<vmem_shared>>) target_semaphore(%run_scoped3A : memref<!tpu.dma_semaphore, #tpu.memory_space<semaphore_mem>>)
      %dma_wait3A_836 = arith.constant 0 : i32
      %dma_wait3A_837 = arith.constant 0 : i32
      %dma_wait3A_838 = tpu.memref_slice %arg14[%dma_wait3A_836, %dma_wait3A_837] : memref<96x8xf32, #tpu.memory_space<vmem>> -> memref<8x8xf32, #tpu.memory_space<vmem>>
      %dma_wait3A_839 = arith.constant 0 : i32
      %dma_wait3A_840 = tpu.memref_slice %arg18[%sub3A_453, %dma_wait3A_839] : memref<2504x8xf32, #tpu.memory_space<vmem_shared>> -> memref<8x8xf32, #tpu.memory_space<vmem_shared>>
      %dma_wait3A_841 = arith.constant 0 : i32
      %dma_wait3A_842 = tpu.memref_slice %arg18[%sub3A_453, %dma_wait3A_841] : memref<2504x8xf32, #tpu.memory_space<vmem_shared>> -> memref<8x8xf32, #tpu.memory_space<vmem_shared>>
      %dma_wait3A_843 = arith.constant 0 : i32
      %dma_wait3A_844 = arith.constant 0 : i32
      %dma_wait3A_845 = tpu.memref_slice %arg14[%dma_wait3A_843, %dma_wait3A_844] : memref<96x8xf32, #tpu.memory_space<vmem>> -> memref<8x8xf32, #tpu.memory_space<vmem>>
      tpu.wait_dma2 semaphore(%run_scoped3A : memref<!tpu.dma_semaphore, #tpu.memory_space<semaphore_mem>>) src(%dma_wait3A_845 : memref<8x8xf32, #tpu.memory_space<vmem>>) dst(%dma_wait3A_842 : memref<8x8xf32, #tpu.memory_space<vmem_shared>>)
      tpu.yield
    }) : () -> ()
    %eq3A = arith.constant 15 : i32
    %eq3A_454 = arith.cmpi eq, %arg1, %eq3A : i32
    %convert_element_type3A = arith.extui %eq3A_454 : i1 to i32
    %cond3A = arith.constant 0 : i32
    %cond3A_455 = arith.cmpi ne, %convert_element_type3A, %cond3A : i32
    scf.if %cond3A_455 {
      "tpu.region"() ({
        %run_scoped3A = tpu.sem_alloc : memref<!tpu.dma_semaphore, #tpu.memory_space<semaphore_mem>>
        %dma_start3A_826 = arith.constant 0 : i32
        %dma_start3A_827 = arith.constant 0 : i32
        %dma_start3A_828 = tpu.memref_slice %arg12[%dma_start3A_826, %dma_start3A_827] : memref<48x64xf32, #tpu.memory_space<vmem>> -> memref<16x64xf32, #tpu.memory_space<vmem>>
        %dma_start3A_829 = arith.constant 9984 : i32
        %dma_start3A_830 = arith.constant 0 : i32
        %dma_start3A_831 = tpu.memref_slice %arg17[%dma_start3A_829, %dma_start3A_830] : memref<10000x64xf32, #tpu.memory_space<vmem_shared>> -> memref<16x64xf32, #tpu.memory_space<vmem_shared>>
        %dma_start3A_832 = arith.constant 9984 : i32
        %dma_start3A_833 = arith.constant 0 : i32
        %dma_start3A_834 = tpu.memref_slice %arg17[%dma_start3A_832, %dma_start3A_833] : memref<10000x64xf32, #tpu.memory_space<vmem_shared>> -> memref<16x64xf32, #tpu.memory_space<vmem_shared>>
        %dma_start3A_835 = arith.constant 0 : i32
        %dma_start3A_836 = arith.constant 0 : i32
        %dma_start3A_837 = tpu.memref_slice %arg12[%dma_start3A_835, %dma_start3A_836] : memref<48x64xf32, #tpu.memory_space<vmem>> -> memref<16x64xf32, #tpu.memory_space<vmem>>
        tpu.enqueue_dma source(%dma_start3A_837 : memref<16x64xf32, #tpu.memory_space<vmem>>) target(%dma_start3A_834 : memref<16x64xf32, #tpu.memory_space<vmem_shared>>) target_semaphore(%run_scoped3A : memref<!tpu.dma_semaphore, #tpu.memory_space<semaphore_mem>>)
        %dma_wait3A_838 = arith.constant 0 : i32
        %dma_wait3A_839 = arith.constant 0 : i32
        %dma_wait3A_840 = tpu.memref_slice %arg12[%dma_wait3A_838, %dma_wait3A_839] : memref<48x64xf32, #tpu.memory_space<vmem>> -> memref<16x64xf32, #tpu.memory_space<vmem>>
        %dma_wait3A_841 = arith.constant 9984 : i32
        %dma_wait3A_842 = arith.constant 0 : i32
        %dma_wait3A_843 = tpu.memref_slice %arg17[%dma_wait3A_841, %dma_wait3A_842] : memref<10000x64xf32, #tpu.memory_space<vmem_shared>> -> memref<16x64xf32, #tpu.memory_space<vmem_shared>>
        %dma_wait3A_844 = arith.constant 9984 : i32
        %dma_wait3A_845 = arith.constant 0 : i32
        %dma_wait3A_846 = tpu.memref_slice %arg17[%dma_wait3A_844, %dma_wait3A_845] : memref<10000x64xf32, #tpu.memory_space<vmem_shared>> -> memref<16x64xf32, #tpu.memory_space<vmem_shared>>
        %dma_wait3A_847 = arith.constant 0 : i32
        %dma_wait3A_848 = arith.constant 0 : i32
        %dma_wait3A_849 = tpu.memref_slice %arg12[%dma_wait3A_847, %dma_wait3A_848] : memref<48x64xf32, #tpu.memory_space<vmem>> -> memref<16x64xf32, #tpu.memory_space<vmem>>
        tpu.wait_dma2 semaphore(%run_scoped3A : memref<!tpu.dma_semaphore, #tpu.memory_space<semaphore_mem>>) src(%dma_wait3A_849 : memref<16x64xf32, #tpu.memory_space<vmem>>) dst(%dma_wait3A_846 : memref<16x64xf32, #tpu.memory_space<vmem_shared>>)
        tpu.yield
      }) : () -> ()
      "tpu.region"() ({
        %run_scoped3A = tpu.sem_alloc : memref<!tpu.dma_semaphore, #tpu.memory_space<semaphore_mem>>
        %dma_start3A_826 = arith.constant 0 : i32
        %dma_start3A_827 = arith.constant 0 : i32
        %dma_start3A_828 = tpu.memref_slice %arg14[%dma_start3A_826, %dma_start3A_827] : memref<96x8xf32, #tpu.memory_space<vmem>> -> memref<72x8xf32, #tpu.memory_space<vmem>>
        %dma_start3A_829 = arith.constant 2432 : i32
        %dma_start3A_830 = arith.constant 0 : i32
        %dma_start3A_831 = tpu.memref_slice %arg18[%dma_start3A_829, %dma_start3A_830] : memref<2504x8xf32, #tpu.memory_space<vmem_shared>> -> memref<72x8xf32, #tpu.memory_space<vmem_shared>>
        %dma_start3A_832 = arith.constant 2432 : i32
        %dma_start3A_833 = arith.constant 0 : i32
        %dma_start3A_834 = tpu.memref_slice %arg18[%dma_start3A_832, %dma_start3A_833] : memref<2504x8xf32, #tpu.memory_space<vmem_shared>> -> memref<72x8xf32, #tpu.memory_space<vmem_shared>>
        %dma_start3A_835 = arith.constant 0 : i32
        %dma_start3A_836 = arith.constant 0 : i32
        %dma_start3A_837 = tpu.memref_slice %arg14[%dma_start3A_835, %dma_start3A_836] : memref<96x8xf32, #tpu.memory_space<vmem>> -> memref<72x8xf32, #tpu.memory_space<vmem>>
        tpu.enqueue_dma source(%dma_start3A_837 : memref<72x8xf32, #tpu.memory_space<vmem>>) target(%dma_start3A_834 : memref<72x8xf32, #tpu.memory_space<vmem_shared>>) target_semaphore(%run_scoped3A : memref<!tpu.dma_semaphore, #tpu.memory_space<semaphore_mem>>)
        %dma_wait3A_838 = arith.constant 0 : i32
        %dma_wait3A_839 = arith.constant 0 : i32
        %dma_wait3A_840 = tpu.memref_slice %arg14[%dma_wait3A_838, %dma_wait3A_839] : memref<96x8xf32, #tpu.memory_space<vmem>> -> memref<72x8xf32, #tpu.memory_space<vmem>>
        %dma_wait3A_841 = arith.constant 2432 : i32
        %dma_wait3A_842 = arith.constant 0 : i32
        %dma_wait3A_843 = tpu.memref_slice %arg18[%dma_wait3A_841, %dma_wait3A_842] : memref<2504x8xf32, #tpu.memory_space<vmem_shared>> -> memref<72x8xf32, #tpu.memory_space<vmem_shared>>
        %dma_wait3A_844 = arith.constant 2432 : i32
        %dma_wait3A_845 = arith.constant 0 : i32
        %dma_wait3A_846 = tpu.memref_slice %arg18[%dma_wait3A_844, %dma_wait3A_845] : memref<2504x8xf32, #tpu.memory_space<vmem_shared>> -> memref<72x8xf32, #tpu.memory_space<vmem_shared>>
        %dma_wait3A_847 = arith.constant 0 : i32
        %dma_wait3A_848 = arith.constant 0 : i32
        %dma_wait3A_849 = tpu.memref_slice %arg14[%dma_wait3A_847, %dma_wait3A_848] : memref<96x8xf32, #tpu.memory_space<vmem>> -> memref<72x8xf32, #tpu.memory_space<vmem>>
        tpu.wait_dma2 semaphore(%run_scoped3A : memref<!tpu.dma_semaphore, #tpu.memory_space<semaphore_mem>>) src(%dma_wait3A_849 : memref<72x8xf32, #tpu.memory_space<vmem>>) dst(%dma_wait3A_846 : memref<72x8xf32, #tpu.memory_space<vmem_shared>>)
        tpu.yield
      }) : () -> ()
    } else {
    }
    "tpu.region"() ({
      %run_scoped3A = tpu.sem_alloc : memref<!tpu.dma_semaphore, #tpu.memory_space<semaphore_mem>>
      %dma_start3A_826 = arith.constant 0 : i32
      %dma_start3A_827 = arith.constant 0 : i32
      %dma_start3A_828 = tpu.memref_slice %arg4[%arg0, %dma_start3A_826, %dma_start3A_827] : memref<2x10000x4xf32, #tpu.memory_space<hbm>> -> memref<1x10000x4xf32, #tpu.memory_space<hbm>>
      %dma_start3A_829 = tpu.memref_squeeze %dma_start3A_828 : memref<1x10000x4xf32, #tpu.memory_space<hbm>> -> memref<10000x4xf32, #tpu.memory_space<hbm>>
      %dma_start3A_830 = arith.constant 0 : i32
      %dma_start3A_831 = arith.constant 0 : i32
      %dma_start3A_832 = tpu.memref_slice %arg4[%arg0, %dma_start3A_830, %dma_start3A_831] : memref<2x10000x4xf32, #tpu.memory_space<hbm>> -> memref<1x10000x4xf32, #tpu.memory_space<hbm>>
      %dma_start3A_833 = tpu.memref_squeeze %dma_start3A_832 : memref<1x10000x4xf32, #tpu.memory_space<hbm>> -> memref<10000x4xf32, #tpu.memory_space<hbm>>
      tpu.enqueue_dma source(%dma_start3A_833 : memref<10000x4xf32, #tpu.memory_space<hbm>>) target(%arg7 : memref<10000x4xf32, #tpu.memory_space<vmem>>) target_semaphore(%run_scoped3A : memref<!tpu.dma_semaphore, #tpu.memory_space<semaphore_mem>>)
      %dma_wait3A_834 = arith.constant 0 : i32
      %dma_wait3A_835 = arith.constant 0 : i32
      %dma_wait3A_836 = tpu.memref_slice %arg4[%arg0, %dma_wait3A_834, %dma_wait3A_835] : memref<2x10000x4xf32, #tpu.memory_space<hbm>> -> memref<1x10000x4xf32, #tpu.memory_space<hbm>>
      %dma_wait3A_837 = tpu.memref_squeeze %dma_wait3A_836 : memref<1x10000x4xf32, #tpu.memory_space<hbm>> -> memref<10000x4xf32, #tpu.memory_space<hbm>>
      %dma_wait3A_838 = arith.constant 0 : i32
      %dma_wait3A_839 = arith.constant 0 : i32
      %dma_wait3A_840 = tpu.memref_slice %arg4[%arg0, %dma_wait3A_838, %dma_wait3A_839] : memref<2x10000x4xf32, #tpu.memory_space<hbm>> -> memref<1x10000x4xf32, #tpu.memory_space<hbm>>
      %dma_wait3A_841 = tpu.memref_squeeze %dma_wait3A_840 : memref<1x10000x4xf32, #tpu.memory_space<hbm>> -> memref<10000x4xf32, #tpu.memory_space<hbm>>
      tpu.wait_dma2 semaphore(%run_scoped3A : memref<!tpu.dma_semaphore, #tpu.memory_space<semaphore_mem>>) src(%dma_wait3A_841 : memref<10000x4xf32, #tpu.memory_space<hbm>>) dst(%arg7 : memref<10000x4xf32, #tpu.memory_space<vmem>>)
      tpu.yield
    }) : () -> ()
    %barrier3A = arith.constant 0 : index
    tpu.barrier barrier_id(%barrier3A)
    %mul3A_456 = arith.constant 20736 : i32
    %mul3A_457 = arith.muli %arg1, %mul3A_456 : i32
    %mul3A_458 = arith.constant 10000 : i32
    %mul3A_459 = arith.muli %arg0, %mul3A_458 : i32
    %add3A_460 = arith.constant 0 : i32
    %add3A_461 = arith.addi %mul3A_457, %add3A_460 : i32
    %get3A = arith.constant 0 : index
    %get3A_462 = tpu.vector_load %arg9[%get3A] {strides = array<i32>} : memref<96xi32, #tpu.memory_space<vmem>>, vector<16xi32>,
    %add3A_463 = arith.constant 0 : i32
    %add3A_464 = vector.broadcast %add3A_463 : i32 to vector<16xi32>
    %add3A_465 = arith.addi %add3A_464, %iota3A : vector<16xi32>
    %and3A_466 = arith.constant 3 : i32
    %and3A_467 = vector.broadcast %and3A_466 : i32 to vector<16xi32>
    %and3A_468 = arith.andi %get3A_462, %and3A_467 : vector<16xi32>
    %mul3A_469 = arith.constant 2 : i32
    %mul3A_470 = vector.broadcast %mul3A_469 : i32 to vector<16xi32>
    %mul3A_471 = arith.muli %and3A_468, %mul3A_470 : vector<16xi32>
    %add3A_472 = arith.constant 0 : i32
    %add3A_473 = vector.broadcast %add3A_472 : i32 to vector<16xi32>
    %add3A_474 = arith.addi %add3A_473, %add3A_465 : vector<16xi32>
    %add3A_475 = arith.constant 0 : i32
    %add3A_476 = vector.broadcast %add3A_475 : i32 to vector<16xi32>
    %add3A_477 = arith.addi %mul3A_471, %add3A_476 : vector<16xi32>
    tpu.vector_store_idx %arg14[%add3A_474, %add3A_477], %broadcast_in_dim3A_0 : memref<96x8xf32, #tpu.memory_space<vmem>>[vector<16xi32>, vector<16xi32>], vector<16xf32>,
    %add3A_478 = arith.constant 0 : i32
    %add3A_479 = vector.broadcast %add3A_478 : i32 to vector<16xi32>
    %add3A_480 = arith.addi %add3A_479, %add3A_465 : vector<16xi32>
    %add3A_481 = arith.constant 1 : i32
    %add3A_482 = vector.broadcast %add3A_481 : i32 to vector<16xi32>
    %add3A_483 = arith.addi %mul3A_471, %add3A_482 : vector<16xi32>
    tpu.vector_store_idx %arg14[%add3A_480, %add3A_483], %broadcast_in_dim3A_0 : memref<96x8xf32, #tpu.memory_space<vmem>>[vector<16xi32>, vector<16xi32>], vector<16xf32>,
    %get3A_484 = arith.constant 16 : index
    %get3A_485 = tpu.vector_load %arg9[%get3A_484] {strides = array<i32>} : memref<96xi32, #tpu.memory_space<vmem>>, vector<16xi32>,
    %add3A_486 = arith.constant 16 : i32
    %add3A_487 = vector.broadcast %add3A_486 : i32 to vector<16xi32>
    %add3A_488 = arith.addi %add3A_487, %iota3A : vector<16xi32>
    %and3A_489 = arith.constant 3 : i32
    %and3A_490 = vector.broadcast %and3A_489 : i32 to vector<16xi32>
    %and3A_491 = arith.andi %get3A_485, %and3A_490 : vector<16xi32>
    %mul3A_492 = arith.constant 2 : i32
    %mul3A_493 = vector.broadcast %mul3A_492 : i32 to vector<16xi32>
    %mul3A_494 = arith.muli %and3A_491, %mul3A_493 : vector<16xi32>
    %add3A_495 = arith.constant 0 : i32
    %add3A_496 = vector.broadcast %add3A_495 : i32 to vector<16xi32>
    %add3A_497 = arith.addi %add3A_496, %add3A_488 : vector<16xi32>
    %add3A_498 = arith.constant 0 : i32
    %add3A_499 = vector.broadcast %add3A_498 : i32 to vector<16xi32>
    %add3A_500 = arith.addi %mul3A_494, %add3A_499 : vector<16xi32>
    tpu.vector_store_idx %arg14[%add3A_497, %add3A_500], %broadcast_in_dim3A_0 : memref<96x8xf32, #tpu.memory_space<vmem>>[vector<16xi32>, vector<16xi32>], vector<16xf32>,
    %add3A_501 = arith.constant 0 : i32
    %add3A_502 = vector.broadcast %add3A_501 : i32 to vector<16xi32>
    %add3A_503 = arith.addi %add3A_502, %add3A_488 : vector<16xi32>
    %add3A_504 = arith.constant 1 : i32
    %add3A_505 = vector.broadcast %add3A_504 : i32 to vector<16xi32>
    %add3A_506 = arith.addi %mul3A_494, %add3A_505 : vector<16xi32>
    tpu.vector_store_idx %arg14[%add3A_503, %add3A_506], %broadcast_in_dim3A_0 : memref<96x8xf32, #tpu.memory_space<vmem>>[vector<16xi32>, vector<16xi32>], vector<16xf32>,
    %get3A_507 = arith.constant 32 : index
    %get3A_508 = tpu.vector_load %arg9[%get3A_507] {strides = array<i32>} : memref<96xi32, #tpu.memory_space<vmem>>, vector<16xi32>,
    %add3A_509 = arith.constant 32 : i32
    %add3A_510 = vector.broadcast %add3A_509 : i32 to vector<16xi32>
    %add3A_511 = arith.addi %add3A_510, %iota3A : vector<16xi32>
    %and3A_512 = arith.constant 3 : i32
    %and3A_513 = vector.broadcast %and3A_512 : i32 to vector<16xi32>
    %and3A_514 = arith.andi %get3A_508, %and3A_513 : vector<16xi32>
    %mul3A_515 = arith.constant 2 : i32
    %mul3A_516 = vector.broadcast %mul3A_515 : i32 to vector<16xi32>
    %mul3A_517 = arith.muli %and3A_514, %mul3A_516 : vector<16xi32>
    %add3A_518 = arith.constant 0 : i32
    %add3A_519 = vector.broadcast %add3A_518 : i32 to vector<16xi32>
    %add3A_520 = arith.addi %add3A_519, %add3A_511 : vector<16xi32>
    %add3A_521 = arith.constant 0 : i32
    %add3A_522 = vector.broadcast %add3A_521 : i32 to vector<16xi32>
    %add3A_523 = arith.addi %mul3A_517, %add3A_522 : vector<16xi32>
    tpu.vector_store_idx %arg14[%add3A_520, %add3A_523], %broadcast_in_dim3A_0 : memref<96x8xf32, #tpu.memory_space<vmem>>[vector<16xi32>, vector<16xi32>], vector<16xf32>,
    %add3A_524 = arith.constant 0 : i32
    %add3A_525 = vector.broadcast %add3A_524 : i32 to vector<16xi32>
    %add3A_526 = arith.addi %add3A_525, %add3A_511 : vector<16xi32>
    %add3A_527 = arith.constant 1 : i32
    %add3A_528 = vector.broadcast %add3A_527 : i32 to vector<16xi32>
    %add3A_529 = arith.addi %mul3A_517, %add3A_528 : vector<16xi32>
    tpu.vector_store_idx %arg14[%add3A_526, %add3A_529], %broadcast_in_dim3A_0 : memref<96x8xf32, #tpu.memory_space<vmem>>[vector<16xi32>, vector<16xi32>], vector<16xf32>,
    "tpu.region"() ({
      %run_scoped3A = tpu.sem_alloc : memref<!tpu.dma_semaphore, #tpu.memory_space<semaphore_mem>>
      %dma_start3A_826 = arith.constant 0 : i32
      %dma_start3A_827 = tpu.memref_slice %arg8[%dma_start3A_826] : memref<96xi32, #tpu.memory_space<vmem>> -> memref<48xi32, #tpu.memory_space<vmem>>
      %dma_start3A_828 = tpu.memref_slice %arg2[%add3A_461] : memref<331776xi32, #tpu.memory_space<hbm>> -> memref<48xi32, #tpu.memory_space<hbm>>
      %dma_start3A_829 = arith.constant 0 : i32
      %dma_start3A_830 = tpu.memref_slice %arg8[%dma_start3A_829] : memref<96xi32, #tpu.memory_space<vmem>> -> memref<48xi32, #tpu.memory_space<vmem>>
      %dma_start3A_831 = tpu.memref_slice %arg2[%add3A_461] : memref<331776xi32, #tpu.memory_space<hbm>> -> memref<48xi32, #tpu.memory_space<hbm>>
      tpu.enqueue_dma source(%dma_start3A_831 : memref<48xi32, #tpu.memory_space<hbm>>) target(%dma_start3A_830 : memref<48xi32, #tpu.memory_space<vmem>>) target_semaphore(%run_scoped3A : memref<!tpu.dma_semaphore, #tpu.memory_space<semaphore_mem>>)
      %dma_wait3A_832 = arith.constant 0 : i32
      %dma_wait3A_833 = tpu.memref_slice %arg8[%dma_wait3A_832] : memref<96xi32, #tpu.memory_space<vmem>> -> memref<48xi32, #tpu.memory_space<vmem>>
      %dma_wait3A_834 = tpu.memref_slice %arg2[%add3A_461] : memref<331776xi32, #tpu.memory_space<hbm>> -> memref<48xi32, #tpu.memory_space<hbm>>
      %dma_wait3A_835 = arith.constant 0 : i32
      %dma_wait3A_836 = tpu.memref_slice %arg8[%dma_wait3A_835] : memref<96xi32, #tpu.memory_space<vmem>> -> memref<48xi32, #tpu.memory_space<vmem>>
      %dma_wait3A_837 = tpu.memref_slice %arg2[%add3A_461] : memref<331776xi32, #tpu.memory_space<hbm>> -> memref<48xi32, #tpu.memory_space<hbm>>
      tpu.wait_dma2 semaphore(%run_scoped3A : memref<!tpu.dma_semaphore, #tpu.memory_space<semaphore_mem>>) src(%dma_wait3A_837 : memref<48xi32, #tpu.memory_space<hbm>>) dst(%dma_wait3A_836 : memref<48xi32, #tpu.memory_space<vmem>>)
      tpu.yield
    }) : () -> ()
    %get3A_530 = arith.constant 0 : index
    %get3A_531 = tpu.vector_load %arg8[%get3A_530] {strides = array<i32>} : memref<96xi32, #tpu.memory_space<vmem>>, vector<16xi32>,
    %and3A_532 = arith.constant 65535 : i32
    %and3A_533 = vector.broadcast %and3A_532 : i32 to vector<16xi32>
    %and3A_534 = arith.andi %get3A_531, %and3A_533 : vector<16xi32>
    %shift_right_logical3A_535 = arith.constant 16 : i32
    %shift_right_logical3A_536 = vector.broadcast %shift_right_logical3A_535 : i32 to vector<16xi32>
    %shift_right_logical3A_537 = arith.shrui %get3A_531, %shift_right_logical3A_536 : vector<16xi32>
    %add3A_538 = vector.broadcast %mul3A_459 : i32 to vector<16xi32>
    %add3A_539 = arith.addi %and3A_534, %add3A_538 : vector<16xi32>
    %swap3A = arith.constant 0 : index
    %swap3A_540 = tpu.vector_load %arg11[%swap3A] {strides = array<i32>} : memref<96xi32, #tpu.memory_space<vmem>>, vector<16xi32>,
    tpu.vector_store %arg11[%swap3A], %add3A_539 {strides = array<i32>} : memref<96xi32, #tpu.memory_space<vmem>>, vector<16xi32>,
    %swap3A_541 = arith.constant 0 : index
    %swap3A_542 = tpu.vector_load %arg9[%swap3A_541] {strides = array<i32>} : memref<96xi32, #tpu.memory_space<vmem>>, vector<16xi32>,
    tpu.vector_store %arg9[%swap3A_541], %shift_right_logical3A_537 {strides = array<i32>} : memref<96xi32, #tpu.memory_space<vmem>>, vector<16xi32>,
    %shift_right_logical3A_543 = arith.constant 2 : i32
    %shift_right_logical3A_544 = vector.broadcast %shift_right_logical3A_543 : i32 to vector<16xi32>
    %shift_right_logical3A_545 = arith.shrui %shift_right_logical3A_537, %shift_right_logical3A_544 : vector<16xi32>
    %swap3A_546 = arith.constant 0 : index
    %swap3A_547 = tpu.vector_load %arg10[%swap3A_546] {strides = array<i32>} : memref<96xi32, #tpu.memory_space<vmem>>, vector<16xi32>,
    tpu.vector_store %arg10[%swap3A_546], %shift_right_logical3A_545 {strides = array<i32>} : memref<96xi32, #tpu.memory_space<vmem>>, vector<16xi32>,
    %add3A_548 = arith.constant 0 : i32
    %add3A_549 = arith.addi %add3A_461, %add3A_548 : i32
    %add3A_550 = vector.broadcast %add3A_549 : i32 to vector<16xi32>
    %add3A_551 = arith.addi %add3A_550, %iota3A : vector<16xi32>
    %lt3A = arith.constant 330000 : i32
    %lt3A_552 = vector.broadcast %lt3A : i32 to vector<16xi32>
    %lt3A_553 = arith.cmpi slt, %add3A_551, %lt3A_552 : vector<16xi32>
    %add3A_554 = arith.constant 0 : i32
    %add3A_555 = vector.broadcast %add3A_554 : i32 to vector<16xi32>
    %add3A_556 = arith.addi %add3A_555, %iota3A : vector<16xi32>
    %and3A_557 = arith.constant 3 : i32
    %and3A_558 = vector.broadcast %and3A_557 : i32 to vector<16xi32>
    %and3A_559 = arith.andi %shift_right_logical3A_537, %and3A_558 : vector<16xi32>
    %mul3A_560 = arith.constant 2 : i32
    %mul3A_561 = vector.broadcast %mul3A_560 : i32 to vector<16xi32>
    %mul3A_562 = arith.muli %and3A_559, %mul3A_561 : vector<16xi32>
    %broadcast_in_dim3A_563 = arith.constant 0 : i32
    %broadcast_in_dim3A_564 = vector.broadcast %broadcast_in_dim3A_563 : i32 to vector<16xi32>
    %gather3A = tpu.vector_load_idx %arg7[%and3A_534, %broadcast_in_dim3A_564] : memref<10000x4xf32, #tpu.memory_space<vmem>>[vector<16xi32>, vector<16xi32>], vector<16xf32>,
    %broadcast_in_dim3A_565 = arith.constant 2 : i32
    %broadcast_in_dim3A_566 = vector.broadcast %broadcast_in_dim3A_565 : i32 to vector<16xi32>
    %gather3A_567 = tpu.vector_load_idx %arg7[%shift_right_logical3A_537, %broadcast_in_dim3A_566] : memref<10000x4xf32, #tpu.memory_space<vmem>>[vector<16xi32>, vector<16xi32>], vector<16xf32>,
    %add3A_568 = arith.addf %gather3A, %gather3A_567 : vector<16xf32>
    %mul3A_569 = arith.constant 2.000000e-01 : f32
    %mul3A_570 = vector.broadcast %mul3A_569 : f32 to vector<16xf32>
    %mul3A_571 = arith.mulf %mul3A_570, %add3A_568 : vector<16xf32>
    %max3A = arith.maximumf %add3A_568, %mul3A_571 : vector<16xf32>
    %exp3A = math.exp %max3A : vector<16xf32>
    %jit3A = arith.constant 0.000000e+00 : f32
    %broadcast_in_dim3A_572 = vector.broadcast %jit3A : f32 to vector<16xf32>
    %select_n3A = arith.select %lt3A_553, %exp3A, %broadcast_in_dim3A_572 : vector<16xi1>, vector<16xf32>
    %swap3A_573 = arith.constant 0 : i32
    %swap3A_574 = arith.index_cast %swap3A_573 : i32 to index
    %swap3A_575 = arith.constant 0 : index
    %swap3A_576 = tpu.vector_load %arg15[%swap3A_574, %swap3A_575] {strides = array<i32>} : memref<2x64xf32, #tpu.memory_space<vmem>>, vector<16xf32>,
    tpu.vector_store %arg15[%swap3A_574, %swap3A_575], %select_n3A {strides = array<i32>} : memref<2x64xf32, #tpu.memory_space<vmem>>, vector<16xf32>,
    %add3A_577 = arith.constant 0 : i32
    %add3A_578 = vector.broadcast %add3A_577 : i32 to vector<16xi32>
    %add3A_579 = arith.addi %add3A_578, %add3A_556 : vector<16xi32>
    %add3A_580 = arith.constant 0 : i32
    %add3A_581 = vector.broadcast %add3A_580 : i32 to vector<16xi32>
    %add3A_582 = arith.addi %mul3A_562, %add3A_581 : vector<16xi32>
    tpu.vector_store_idx %arg14[%add3A_579, %add3A_582], %select_n3A : memref<96x8xf32, #tpu.memory_space<vmem>>[vector<16xi32>, vector<16xi32>], vector<16xf32>,
    %broadcast_in_dim3A_583 = arith.constant 1 : i32
    %broadcast_in_dim3A_584 = vector.broadcast %broadcast_in_dim3A_583 : i32 to vector<16xi32>
    %gather3A_585 = tpu.vector_load_idx %arg7[%and3A_534, %broadcast_in_dim3A_584] : memref<10000x4xf32, #tpu.memory_space<vmem>>[vector<16xi32>, vector<16xi32>], vector<16xf32>,
    %broadcast_in_dim3A_586 = arith.constant 3 : i32
    %broadcast_in_dim3A_587 = vector.broadcast %broadcast_in_dim3A_586 : i32 to vector<16xi32>
    %gather3A_588 = tpu.vector_load_idx %arg7[%shift_right_logical3A_537, %broadcast_in_dim3A_587] : memref<10000x4xf32, #tpu.memory_space<vmem>>[vector<16xi32>, vector<16xi32>], vector<16xf32>,
    %add3A_589 = arith.addf %gather3A_585, %gather3A_588 : vector<16xf32>
    %mul3A_590 = arith.constant 2.000000e-01 : f32
    %mul3A_591 = vector.broadcast %mul3A_590 : f32 to vector<16xf32>
    %mul3A_592 = arith.mulf %mul3A_591, %add3A_589 : vector<16xf32>
    %max3A_593 = arith.maximumf %add3A_589, %mul3A_592 : vector<16xf32>
    %exp3A_594 = math.exp %max3A_593 : vector<16xf32>
    %jit3A_595 = arith.constant 0.000000e+00 : f32
    %broadcast_in_dim3A_596 = vector.broadcast %jit3A_595 : f32 to vector<16xf32>
    %select_n3A_597 = arith.select %lt3A_553, %exp3A_594, %broadcast_in_dim3A_596 : vector<16xi1>, vector<16xf32>
    %swap3A_598 = arith.constant 1 : i32
    %swap3A_599 = arith.index_cast %swap3A_598 : i32 to index
    %swap3A_600 = arith.constant 0 : index
    %swap3A_601 = tpu.vector_load %arg15[%swap3A_599, %swap3A_600] {strides = array<i32>} : memref<2x64xf32, #tpu.memory_space<vmem>>, vector<16xf32>,
    tpu.vector_store %arg15[%swap3A_599, %swap3A_600], %select_n3A_597 {strides = array<i32>} : memref<2x64xf32, #tpu.memory_space<vmem>>, vector<16xf32>,
    %add3A_602 = arith.constant 0 : i32
    %add3A_603 = vector.broadcast %add3A_602 : i32 to vector<16xi32>
    %add3A_604 = arith.addi %add3A_603, %add3A_556 : vector<16xi32>
    %add3A_605 = arith.constant 1 : i32
    %add3A_606 = vector.broadcast %add3A_605 : i32 to vector<16xi32>
    %add3A_607 = arith.addi %mul3A_562, %add3A_606 : vector<16xi32>
    tpu.vector_store_idx %arg14[%add3A_604, %add3A_607], %select_n3A_597 : memref<96x8xf32, #tpu.memory_space<vmem>>[vector<16xi32>, vector<16xi32>], vector<16xf32>,
    %get3A_608 = arith.constant 16 : index
    %get3A_609 = tpu.vector_load %arg8[%get3A_608] {strides = array<i32>} : memref<96xi32, #tpu.memory_space<vmem>>, vector<16xi32>,
    %and3A_610 = arith.constant 65535 : i32
    %and3A_611 = vector.broadcast %and3A_610 : i32 to vector<16xi32>
    %and3A_612 = arith.andi %get3A_609, %and3A_611 : vector<16xi32>
    %shift_right_logical3A_613 = arith.constant 16 : i32
    %shift_right_logical3A_614 = vector.broadcast %shift_right_logical3A_613 : i32 to vector<16xi32>
    %shift_right_logical3A_615 = arith.shrui %get3A_609, %shift_right_logical3A_614 : vector<16xi32>
    %add3A_616 = vector.broadcast %mul3A_459 : i32 to vector<16xi32>
    %add3A_617 = arith.addi %and3A_612, %add3A_616 : vector<16xi32>
    %swap3A_618 = arith.constant 16 : index
    %swap3A_619 = tpu.vector_load %arg11[%swap3A_618] {strides = array<i32>} : memref<96xi32, #tpu.memory_space<vmem>>, vector<16xi32>,
    tpu.vector_store %arg11[%swap3A_618], %add3A_617 {strides = array<i32>} : memref<96xi32, #tpu.memory_space<vmem>>, vector<16xi32>,
    %swap3A_620 = arith.constant 16 : index
    %swap3A_621 = tpu.vector_load %arg9[%swap3A_620] {strides = array<i32>} : memref<96xi32, #tpu.memory_space<vmem>>, vector<16xi32>,
    tpu.vector_store %arg9[%swap3A_620], %shift_right_logical3A_615 {strides = array<i32>} : memref<96xi32, #tpu.memory_space<vmem>>, vector<16xi32>,
    %shift_right_logical3A_622 = arith.constant 2 : i32
    %shift_right_logical3A_623 = vector.broadcast %shift_right_logical3A_622 : i32 to vector<16xi32>
    %shift_right_logical3A_624 = arith.shrui %shift_right_logical3A_615, %shift_right_logical3A_623 : vector<16xi32>
    %swap3A_625 = arith.constant 16 : index
    %swap3A_626 = tpu.vector_load %arg10[%swap3A_625] {strides = array<i32>} : memref<96xi32, #tpu.memory_space<vmem>>, vector<16xi32>,
    tpu.vector_store %arg10[%swap3A_625], %shift_right_logical3A_624 {strides = array<i32>} : memref<96xi32, #tpu.memory_space<vmem>>, vector<16xi32>,
    %add3A_627 = arith.constant 16 : i32
    %add3A_628 = arith.addi %add3A_461, %add3A_627 : i32
    %add3A_629 = vector.broadcast %add3A_628 : i32 to vector<16xi32>
    %add3A_630 = arith.addi %add3A_629, %iota3A : vector<16xi32>
    %lt3A_631 = arith.constant 330000 : i32
    %lt3A_632 = vector.broadcast %lt3A_631 : i32 to vector<16xi32>
    %lt3A_633 = arith.cmpi slt, %add3A_630, %lt3A_632 : vector<16xi32>
    %add3A_634 = arith.constant 16 : i32
    %add3A_635 = vector.broadcast %add3A_634 : i32 to vector<16xi32>
    %add3A_636 = arith.addi %add3A_635, %iota3A : vector<16xi32>
    %and3A_637 = arith.constant 3 : i32
    %and3A_638 = vector.broadcast %and3A_637 : i32 to vector<16xi32>
    %and3A_639 = arith.andi %shift_right_logical3A_615, %and3A_638 : vector<16xi32>
    %mul3A_640 = arith.constant 2 : i32
    %mul3A_641 = vector.broadcast %mul3A_640 : i32 to vector<16xi32>
    %mul3A_642 = arith.muli %and3A_639, %mul3A_641 : vector<16xi32>
    %broadcast_in_dim3A_643 = arith.constant 0 : i32
    %broadcast_in_dim3A_644 = vector.broadcast %broadcast_in_dim3A_643 : i32 to vector<16xi32>
    %gather3A_645 = tpu.vector_load_idx %arg7[%and3A_612, %broadcast_in_dim3A_644] : memref<10000x4xf32, #tpu.memory_space<vmem>>[vector<16xi32>, vector<16xi32>], vector<16xf32>,
    %broadcast_in_dim3A_646 = arith.constant 2 : i32
    %broadcast_in_dim3A_647 = vector.broadcast %broadcast_in_dim3A_646 : i32 to vector<16xi32>
    %gather3A_648 = tpu.vector_load_idx %arg7[%shift_right_logical3A_615, %broadcast_in_dim3A_647] : memref<10000x4xf32, #tpu.memory_space<vmem>>[vector<16xi32>, vector<16xi32>], vector<16xf32>,
    %add3A_649 = arith.addf %gather3A_645, %gather3A_648 : vector<16xf32>
    %mul3A_650 = arith.constant 2.000000e-01 : f32
    %mul3A_651 = vector.broadcast %mul3A_650 : f32 to vector<16xf32>
    %mul3A_652 = arith.mulf %mul3A_651, %add3A_649 : vector<16xf32>
    %max3A_653 = arith.maximumf %add3A_649, %mul3A_652 : vector<16xf32>
    %exp3A_654 = math.exp %max3A_653 : vector<16xf32>
    %jit3A_655 = arith.constant 0.000000e+00 : f32
    %broadcast_in_dim3A_656 = vector.broadcast %jit3A_655 : f32 to vector<16xf32>
    %select_n3A_657 = arith.select %lt3A_633, %exp3A_654, %broadcast_in_dim3A_656 : vector<16xi1>, vector<16xf32>
    %swap3A_658 = arith.constant 0 : i32
    %swap3A_659 = arith.index_cast %swap3A_658 : i32 to index
    %swap3A_660 = arith.constant 16 : index
    %swap3A_661 = tpu.vector_load %arg15[%swap3A_659, %swap3A_660] {strides = array<i32>} : memref<2x64xf32, #tpu.memory_space<vmem>>, vector<16xf32>,
    tpu.vector_store %arg15[%swap3A_659, %swap3A_660], %select_n3A_657 {strides = array<i32>} : memref<2x64xf32, #tpu.memory_space<vmem>>, vector<16xf32>,
    %add3A_662 = arith.constant 0 : i32
    %add3A_663 = vector.broadcast %add3A_662 : i32 to vector<16xi32>
    %add3A_664 = arith.addi %add3A_663, %add3A_636 : vector<16xi32>
    %add3A_665 = arith.constant 0 : i32
    %add3A_666 = vector.broadcast %add3A_665 : i32 to vector<16xi32>
    %add3A_667 = arith.addi %mul3A_642, %add3A_666 : vector<16xi32>
    tpu.vector_store_idx %arg14[%add3A_664, %add3A_667], %select_n3A_657 : memref<96x8xf32, #tpu.memory_space<vmem>>[vector<16xi32>, vector<16xi32>], vector<16xf32>,
    %broadcast_in_dim3A_668 = arith.constant 1 : i32
    %broadcast_in_dim3A_669 = vector.broadcast %broadcast_in_dim3A_668 : i32 to vector<16xi32>
    %gather3A_670 = tpu.vector_load_idx %arg7[%and3A_612, %broadcast_in_dim3A_669] : memref<10000x4xf32, #tpu.memory_space<vmem>>[vector<16xi32>, vector<16xi32>], vector<16xf32>,
    %broadcast_in_dim3A_671 = arith.constant 3 : i32
    %broadcast_in_dim3A_672 = vector.broadcast %broadcast_in_dim3A_671 : i32 to vector<16xi32>
    %gather3A_673 = tpu.vector_load_idx %arg7[%shift_right_logical3A_615, %broadcast_in_dim3A_672] : memref<10000x4xf32, #tpu.memory_space<vmem>>[vector<16xi32>, vector<16xi32>], vector<16xf32>,
    %add3A_674 = arith.addf %gather3A_670, %gather3A_673 : vector<16xf32>
    %mul3A_675 = arith.constant 2.000000e-01 : f32
    %mul3A_676 = vector.broadcast %mul3A_675 : f32 to vector<16xf32>
    %mul3A_677 = arith.mulf %mul3A_676, %add3A_674 : vector<16xf32>
    %max3A_678 = arith.maximumf %add3A_674, %mul3A_677 : vector<16xf32>
    %exp3A_679 = math.exp %max3A_678 : vector<16xf32>
    %jit3A_680 = arith.constant 0.000000e+00 : f32
    %broadcast_in_dim3A_681 = vector.broadcast %jit3A_680 : f32 to vector<16xf32>
    %select_n3A_682 = arith.select %lt3A_633, %exp3A_679, %broadcast_in_dim3A_681 : vector<16xi1>, vector<16xf32>
    %swap3A_683 = arith.constant 1 : i32
    %swap3A_684 = arith.index_cast %swap3A_683 : i32 to index
    %swap3A_685 = arith.constant 16 : index
    %swap3A_686 = tpu.vector_load %arg15[%swap3A_684, %swap3A_685] {strides = array<i32>} : memref<2x64xf32, #tpu.memory_space<vmem>>, vector<16xf32>,
    tpu.vector_store %arg15[%swap3A_684, %swap3A_685], %select_n3A_682 {strides = array<i32>} : memref<2x64xf32, #tpu.memory_space<vmem>>, vector<16xf32>,
    %add3A_687 = arith.constant 0 : i32
    %add3A_688 = vector.broadcast %add3A_687 : i32 to vector<16xi32>
    %add3A_689 = arith.addi %add3A_688, %add3A_636 : vector<16xi32>
    %add3A_690 = arith.constant 1 : i32
    %add3A_691 = vector.broadcast %add3A_690 : i32 to vector<16xi32>
    %add3A_692 = arith.addi %mul3A_642, %add3A_691 : vector<16xi32>
    tpu.vector_store_idx %arg14[%add3A_689, %add3A_692], %select_n3A_682 : memref<96x8xf32, #tpu.memory_space<vmem>>[vector<16xi32>, vector<16xi32>], vector<16xf32>,
    %get3A_693 = arith.constant 32 : index
    %get3A_694 = tpu.vector_load %arg8[%get3A_693] {strides = array<i32>} : memref<96xi32, #tpu.memory_space<vmem>>, vector<16xi32>,
    %and3A_695 = arith.constant 65535 : i32
    %and3A_696 = vector.broadcast %and3A_695 : i32 to vector<16xi32>
    %and3A_697 = arith.andi %get3A_694, %and3A_696 : vector<16xi32>
    %shift_right_logical3A_698 = arith.constant 16 : i32
    %shift_right_logical3A_699 = vector.broadcast %shift_right_logical3A_698 : i32 to vector<16xi32>
    %shift_right_logical3A_700 = arith.shrui %get3A_694, %shift_right_logical3A_699 : vector<16xi32>
    %add3A_701 = vector.broadcast %mul3A_459 : i32 to vector<16xi32>
    %add3A_702 = arith.addi %and3A_697, %add3A_701 : vector<16xi32>
    %swap3A_703 = arith.constant 32 : index
    %swap3A_704 = tpu.vector_load %arg11[%swap3A_703] {strides = array<i32>} : memref<96xi32, #tpu.memory_space<vmem>>, vector<16xi32>,
    tpu.vector_store %arg11[%swap3A_703], %add3A_702 {strides = array<i32>} : memref<96xi32, #tpu.memory_space<vmem>>, vector<16xi32>,
    %swap3A_705 = arith.constant 32 : index
    %swap3A_706 = tpu.vector_load %arg9[%swap3A_705] {strides = array<i32>} : memref<96xi32, #tpu.memory_space<vmem>>, vector<16xi32>,
    tpu.vector_store %arg9[%swap3A_705], %shift_right_logical3A_700 {strides = array<i32>} : memref<96xi32, #tpu.memory_space<vmem>>, vector<16xi32>,
    %shift_right_logical3A_707 = arith.constant 2 : i32
    %shift_right_logical3A_708 = vector.broadcast %shift_right_logical3A_707 : i32 to vector<16xi32>
    %shift_right_logical3A_709 = arith.shrui %shift_right_logical3A_700, %shift_right_logical3A_708 : vector<16xi32>
    %swap3A_710 = arith.constant 32 : index
    %swap3A_711 = tpu.vector_load %arg10[%swap3A_710] {strides = array<i32>} : memref<96xi32, #tpu.memory_space<vmem>>, vector<16xi32>,
    tpu.vector_store %arg10[%swap3A_710], %shift_right_logical3A_709 {strides = array<i32>} : memref<96xi32, #tpu.memory_space<vmem>>, vector<16xi32>,
    %add3A_712 = arith.constant 32 : i32
    %add3A_713 = arith.addi %add3A_461, %add3A_712 : i32
    %add3A_714 = vector.broadcast %add3A_713 : i32 to vector<16xi32>
    %add3A_715 = arith.addi %add3A_714, %iota3A : vector<16xi32>
    %lt3A_716 = arith.constant 330000 : i32
    %lt3A_717 = vector.broadcast %lt3A_716 : i32 to vector<16xi32>
    %lt3A_718 = arith.cmpi slt, %add3A_715, %lt3A_717 : vector<16xi32>
    %add3A_719 = arith.constant 32 : i32
    %add3A_720 = vector.broadcast %add3A_719 : i32 to vector<16xi32>
    %add3A_721 = arith.addi %add3A_720, %iota3A : vector<16xi32>
    %and3A_722 = arith.constant 3 : i32
    %and3A_723 = vector.broadcast %and3A_722 : i32 to vector<16xi32>
    %and3A_724 = arith.andi %shift_right_logical3A_700, %and3A_723 : vector<16xi32>
    %mul3A_725 = arith.constant 2 : i32
    %mul3A_726 = vector.broadcast %mul3A_725 : i32 to vector<16xi32>
    %mul3A_727 = arith.muli %and3A_724, %mul3A_726 : vector<16xi32>
    %broadcast_in_dim3A_728 = arith.constant 0 : i32
    %broadcast_in_dim3A_729 = vector.broadcast %broadcast_in_dim3A_728 : i32 to vector<16xi32>
    %gather3A_730 = tpu.vector_load_idx %arg7[%and3A_697, %broadcast_in_dim3A_729] : memref<10000x4xf32, #tpu.memory_space<vmem>>[vector<16xi32>, vector<16xi32>], vector<16xf32>,
    %broadcast_in_dim3A_731 = arith.constant 2 : i32
    %broadcast_in_dim3A_732 = vector.broadcast %broadcast_in_dim3A_731 : i32 to vector<16xi32>
    %gather3A_733 = tpu.vector_load_idx %arg7[%shift_right_logical3A_700, %broadcast_in_dim3A_732] : memref<10000x4xf32, #tpu.memory_space<vmem>>[vector<16xi32>, vector<16xi32>], vector<16xf32>,
    %add3A_734 = arith.addf %gather3A_730, %gather3A_733 : vector<16xf32>
    %mul3A_735 = arith.constant 2.000000e-01 : f32
    %mul3A_736 = vector.broadcast %mul3A_735 : f32 to vector<16xf32>
    %mul3A_737 = arith.mulf %mul3A_736, %add3A_734 : vector<16xf32>
    %max3A_738 = arith.maximumf %add3A_734, %mul3A_737 : vector<16xf32>
    %exp3A_739 = math.exp %max3A_738 : vector<16xf32>
    %jit3A_740 = arith.constant 0.000000e+00 : f32
    %broadcast_in_dim3A_741 = vector.broadcast %jit3A_740 : f32 to vector<16xf32>
    %select_n3A_742 = arith.select %lt3A_718, %exp3A_739, %broadcast_in_dim3A_741 : vector<16xi1>, vector<16xf32>
    %swap3A_743 = arith.constant 0 : i32
    %swap3A_744 = arith.index_cast %swap3A_743 : i32 to index
    %swap3A_745 = arith.constant 32 : index
    %swap3A_746 = tpu.vector_load %arg15[%swap3A_744, %swap3A_745] {strides = array<i32>} : memref<2x64xf32, #tpu.memory_space<vmem>>, vector<16xf32>,
    tpu.vector_store %arg15[%swap3A_744, %swap3A_745], %select_n3A_742 {strides = array<i32>} : memref<2x64xf32, #tpu.memory_space<vmem>>, vector<16xf32>,
    %add3A_747 = arith.constant 0 : i32
    %add3A_748 = vector.broadcast %add3A_747 : i32 to vector<16xi32>
    %add3A_749 = arith.addi %add3A_748, %add3A_721 : vector<16xi32>
    %add3A_750 = arith.constant 0 : i32
    %add3A_751 = vector.broadcast %add3A_750 : i32 to vector<16xi32>
    %add3A_752 = arith.addi %mul3A_727, %add3A_751 : vector<16xi32>
    tpu.vector_store_idx %arg14[%add3A_749, %add3A_752], %select_n3A_742 : memref<96x8xf32, #tpu.memory_space<vmem>>[vector<16xi32>, vector<16xi32>], vector<16xf32>,
    %broadcast_in_dim3A_753 = arith.constant 1 : i32
    %broadcast_in_dim3A_754 = vector.broadcast %broadcast_in_dim3A_753 : i32 to vector<16xi32>
    %gather3A_755 = tpu.vector_load_idx %arg7[%and3A_697, %broadcast_in_dim3A_754] : memref<10000x4xf32, #tpu.memory_space<vmem>>[vector<16xi32>, vector<16xi32>], vector<16xf32>,
    %broadcast_in_dim3A_756 = arith.constant 3 : i32
    %broadcast_in_dim3A_757 = vector.broadcast %broadcast_in_dim3A_756 : i32 to vector<16xi32>
    %gather3A_758 = tpu.vector_load_idx %arg7[%shift_right_logical3A_700, %broadcast_in_dim3A_757] : memref<10000x4xf32, #tpu.memory_space<vmem>>[vector<16xi32>, vector<16xi32>], vector<16xf32>,
    %add3A_759 = arith.addf %gather3A_755, %gather3A_758 : vector<16xf32>
    %mul3A_760 = arith.constant 2.000000e-01 : f32
    %mul3A_761 = vector.broadcast %mul3A_760 : f32 to vector<16xf32>
    %mul3A_762 = arith.mulf %mul3A_761, %add3A_759 : vector<16xf32>
    %max3A_763 = arith.maximumf %add3A_759, %mul3A_762 : vector<16xf32>
    %exp3A_764 = math.exp %max3A_763 : vector<16xf32>
    %jit3A_765 = arith.constant 0.000000e+00 : f32
    %broadcast_in_dim3A_766 = vector.broadcast %jit3A_765 : f32 to vector<16xf32>
    %select_n3A_767 = arith.select %lt3A_718, %exp3A_764, %broadcast_in_dim3A_766 : vector<16xi1>, vector<16xf32>
    %swap3A_768 = arith.constant 1 : i32
    %swap3A_769 = arith.index_cast %swap3A_768 : i32 to index
    %swap3A_770 = arith.constant 32 : index
    %swap3A_771 = tpu.vector_load %arg15[%swap3A_769, %swap3A_770] {strides = array<i32>} : memref<2x64xf32, #tpu.memory_space<vmem>>, vector<16xf32>,
    tpu.vector_store %arg15[%swap3A_769, %swap3A_770], %select_n3A_767 {strides = array<i32>} : memref<2x64xf32, #tpu.memory_space<vmem>>, vector<16xf32>,
    %add3A_772 = arith.constant 0 : i32
    %add3A_773 = vector.broadcast %add3A_772 : i32 to vector<16xi32>
    %add3A_774 = arith.addi %add3A_773, %add3A_721 : vector<16xi32>
    %add3A_775 = arith.constant 1 : i32
    %add3A_776 = vector.broadcast %add3A_775 : i32 to vector<16xi32>
    %add3A_777 = arith.addi %mul3A_727, %add3A_776 : vector<16xi32>
    tpu.vector_store_idx %arg14[%add3A_774, %add3A_777], %select_n3A_767 : memref<96x8xf32, #tpu.memory_space<vmem>>[vector<16xi32>, vector<16xi32>], vector<16xf32>,
    %dma_start3A = arith.constant 0 : i32
    %dma_start3A_778 = tpu.memref_slice %arg11[%dma_start3A] : memref<96xi32, #tpu.memory_space<vmem>> -> memref<48xi32, #tpu.memory_space<vmem>>
    %dma_start3A_779 = arith.constant 0 : i32
    %dma_start3A_780 = arith.constant 0 : i32
    %dma_start3A_781 = tpu.memref_slice %arg3[%dma_start3A_779, %dma_start3A_780] : memref<20000x64xf32, #tpu.memory_space<hbm>> -> memref<20000x64xf32, #tpu.memory_space<hbm>>
    tpu.enqueue_indirect_dma source(%dma_start3A_781 : memref<20000x64xf32, #tpu.memory_space<hbm>>) target(%arg12 : memref<48x64xf32, #tpu.memory_space<vmem>>) offsets(%dma_start3A_778 : memref<48xi32, #tpu.memory_space<vmem>>) semaphore(%arg19 : memref<!tpu.dma_semaphore, #tpu.memory_space<semaphore_mem>>)
    %dma_start3A_782 = arith.constant 0 : i32
    %dma_start3A_783 = arith.constant 0 : i32
    %dma_start3A_784 = tpu.memref_slice %arg14[%dma_start3A_782, %dma_start3A_783] : memref<96x8xf32, #tpu.memory_space<vmem>> -> memref<48x8xf32, #tpu.memory_space<vmem>>
    %dma_start3A_785 = arith.constant 0 : i32
    %dma_start3A_786 = tpu.memref_slice %arg10[%dma_start3A_785] : memref<96xi32, #tpu.memory_space<vmem>> -> memref<48xi32, #tpu.memory_space<vmem>>
    %dma_start3A_787 = arith.constant 0 : i32
    %dma_start3A_788 = arith.constant 0 : i32
    %dma_start3A_789 = tpu.memref_slice %arg18[%dma_start3A_787, %dma_start3A_788] : memref<2504x8xf32, #tpu.memory_space<vmem_shared>> -> memref<2504x8xf32, #tpu.memory_space<vmem_shared>>
    tpu.enqueue_indirect_dma source(%dma_start3A_784 : memref<48x8xf32, #tpu.memory_space<vmem>>) target(%dma_start3A_789 : memref<2504x8xf32, #tpu.memory_space<vmem_shared>>) offsets(%dma_start3A_786 : memref<48xi32, #tpu.memory_space<vmem>>) semaphore(%arg21 : memref<!tpu.dma_semaphore, #tpu.memory_space<semaphore_mem>>) {add = true}
    %scan3A_790 = arith.constant 0 : i32
    %scan3A_791 = arith.constant 0 : i32
    %scan3A_792 = arith.constant 216 : i32
    %scan3A_793 = arith.addi %scan3A_791, %scan3A_792 : i32
    %scan3A_794 = arith.constant 1 : i32
    %scan3A_795 = scf.for %scan3A_826 = %scan3A_791 to %scan3A_793 step %scan3A_794 iter_args(%scan3A_827 = %scan3A_790) -> (i32)  : i32 {
      %mul3A_828 = arith.constant 2 : i32
      %mul3A_829 = arith.muli %mul3A_828, %scan3A_826 : i32
      %add3A_830 = arith.constant 1 : i32
      %add3A_831 = arith.addi %mul3A_829, %add3A_830 : i32
      %mul3A_832 = arith.constant 48 : i32
      %mul3A_833 = arith.muli %add3A_831, %mul3A_832 : i32
      %add3A_834 = arith.addi %mul3A_457, %mul3A_833 : i32
      %ge3A = arith.constant 2 : i32
      %ge3A_835 = arith.cmpi sge, %add3A_831, %ge3A : i32
      %convert_element_type3A_836 = arith.extui %ge3A_835 : i1 to i32
      %cond3A_837 = arith.constant 0 : i32
      %cond3A_838 = arith.cmpi ne, %convert_element_type3A_836, %cond3A_837 : i32
      scf.if %cond3A_838 {
        %dma_wait3A_1197 = arith.constant 48 : i32
        %dma_wait3A_1198 = arith.constant 0 : i32
        %dma_wait3A_1199 = tpu.memref_slice %arg14[%dma_wait3A_1197, %dma_wait3A_1198] : memref<96x8xf32, #tpu.memory_space<vmem>> -> memref<48x8xf32, #tpu.memory_space<vmem>>
        %dma_wait3A_1200 = arith.constant 48 : i32
        %dma_wait3A_1201 = tpu.memref_slice %arg10[%dma_wait3A_1200] : memref<96xi32, #tpu.memory_space<vmem>> -> memref<48xi32, #tpu.memory_space<vmem>>
        %dma_wait3A_1202 = arith.constant 0 : i32
        %dma_wait3A_1203 = arith.constant 0 : i32
        %dma_wait3A_1204 = tpu.memref_slice %arg18[%dma_wait3A_1202, %dma_wait3A_1203] : memref<2504x8xf32, #tpu.memory_space<vmem_shared>> -> memref<2504x8xf32, #tpu.memory_space<vmem_shared>>
        tpu.wait_indirect_dma semaphore(%arg22 : memref<!tpu.dma_semaphore, #tpu.memory_space<semaphore_mem>>) src(%dma_wait3A_1199 : memref<48x8xf32, #tpu.memory_space<vmem>>) dst(%dma_wait3A_1204 : memref<2504x8xf32, #tpu.memory_space<vmem_shared>>)
      } else {
      }
      %get3A_839 = arith.constant 48 : index
      %get3A_840 = tpu.vector_load %arg9[%get3A_839] {strides = array<i32>} : memref<96xi32, #tpu.memory_space<vmem>>, vector<16xi32>,
      %add3A_841 = arith.constant 0 : i32
      %add3A_842 = vector.broadcast %add3A_841 : i32 to vector<16xi32>
      %add3A_843 = arith.addi %add3A_842, %iota3A : vector<16xi32>
      %and3A_844 = arith.constant 3 : i32
      %and3A_845 = vector.broadcast %and3A_844 : i32 to vector<16xi32>
      %and3A_846 = arith.andi %get3A_840, %and3A_845 : vector<16xi32>
      %mul3A_847 = arith.constant 2 : i32
      %mul3A_848 = vector.broadcast %mul3A_847 : i32 to vector<16xi32>
      %mul3A_849 = arith.muli %and3A_846, %mul3A_848 : vector<16xi32>
      %add3A_850 = arith.constant 48 : i32
      %add3A_851 = vector.broadcast %add3A_850 : i32 to vector<16xi32>
      %add3A_852 = arith.addi %add3A_851, %add3A_843 : vector<16xi32>
      %add3A_853 = arith.constant 0 : i32
      %add3A_854 = vector.broadcast %add3A_853 : i32 to vector<16xi32>
      %add3A_855 = arith.addi %mul3A_849, %add3A_854 : vector<16xi32>
      tpu.vector_store_idx %arg14[%add3A_852, %add3A_855], %broadcast_in_dim3A_0 : memref<96x8xf32, #tpu.memory_space<vmem>>[vector<16xi32>, vector<16xi32>], vector<16xf32>,
      %add3A_856 = arith.constant 48 : i32
      %add3A_857 = vector.broadcast %add3A_856 : i32 to vector<16xi32>
      %add3A_858 = arith.addi %add3A_857, %add3A_843 : vector<16xi32>
      %add3A_859 = arith.constant 1 : i32
      %add3A_860 = vector.broadcast %add3A_859 : i32 to vector<16xi32>
      %add3A_861 = arith.addi %mul3A_849, %add3A_860 : vector<16xi32>
      tpu.vector_store_idx %arg14[%add3A_858, %add3A_861], %broadcast_in_dim3A_0 : memref<96x8xf32, #tpu.memory_space<vmem>>[vector<16xi32>, vector<16xi32>], vector<16xf32>,
      %get3A_862 = arith.constant 64 : index
      %get3A_863 = tpu.vector_load %arg9[%get3A_862] {strides = array<i32>} : memref<96xi32, #tpu.memory_space<vmem>>, vector<16xi32>,
      %add3A_864 = arith.constant 16 : i32
      %add3A_865 = vector.broadcast %add3A_864 : i32 to vector<16xi32>
      %add3A_866 = arith.addi %add3A_865, %iota3A : vector<16xi32>
      %and3A_867 = arith.constant 3 : i32
      %and3A_868 = vector.broadcast %and3A_867 : i32 to vector<16xi32>
      %and3A_869 = arith.andi %get3A_863, %and3A_868 : vector<16xi32>
      %mul3A_870 = arith.constant 2 : i32
      %mul3A_871 = vector.broadcast %mul3A_870 : i32 to vector<16xi32>
      %mul3A_872 = arith.muli %and3A_869, %mul3A_871 : vector<16xi32>
      %add3A_873 = arith.constant 48 : i32
      %add3A_874 = vector.broadcast %add3A_873 : i32 to vector<16xi32>
      %add3A_875 = arith.addi %add3A_874, %add3A_866 : vector<16xi32>
      %add3A_876 = arith.constant 0 : i32
      %add3A_877 = vector.broadcast %add3A_876 : i32 to vector<16xi32>
      %add3A_878 = arith.addi %mul3A_872, %add3A_877 : vector<16xi32>
      tpu.vector_store_idx %arg14[%add3A_875, %add3A_878], %broadcast_in_dim3A_0 : memref<96x8xf32, #tpu.memory_space<vmem>>[vector<16xi32>, vector<16xi32>], vector<16xf32>,
      %add3A_879 = arith.constant 48 : i32
      %add3A_880 = vector.broadcast %add3A_879 : i32 to vector<16xi32>
      %add3A_881 = arith.addi %add3A_880, %add3A_866 : vector<16xi32>
      %add3A_882 = arith.constant 1 : i32
      %add3A_883 = vector.broadcast %add3A_882 : i32 to vector<16xi32>
      %add3A_884 = arith.addi %mul3A_872, %add3A_883 : vector<16xi32>
      tpu.vector_store_idx %arg14[%add3A_881, %add3A_884], %broadcast_in_dim3A_0 : memref<96x8xf32, #tpu.memory_space<vmem>>[vector<16xi32>, vector<16xi32>], vector<16xf32>,
      %get3A_885 = arith.constant 80 : index
      %get3A_886 = tpu.vector_load %arg9[%get3A_885] {strides = array<i32>} : memref<96xi32, #tpu.memory_space<vmem>>, vector<16xi32>,
      %add3A_887 = arith.constant 32 : i32
      %add3A_888 = vector.broadcast %add3A_887 : i32 to vector<16xi32>
      %add3A_889 = arith.addi %add3A_888, %iota3A : vector<16xi32>
      %and3A_890 = arith.constant 3 : i32
      %and3A_891 = vector.broadcast %and3A_890 : i32 to vector<16xi32>
      %and3A_892 = arith.andi %get3A_886, %and3A_891 : vector<16xi32>
      %mul3A_893 = arith.constant 2 : i32
      %mul3A_894 = vector.broadcast %mul3A_893 : i32 to vector<16xi32>
      %mul3A_895 = arith.muli %and3A_892, %mul3A_894 : vector<16xi32>
      %add3A_896 = arith.constant 48 : i32
      %add3A_897 = vector.broadcast %add3A_896 : i32 to vector<16xi32>
      %add3A_898 = arith.addi %add3A_897, %add3A_889 : vector<16xi32>
      %add3A_899 = arith.constant 0 : i32
      %add3A_900 = vector.broadcast %add3A_899 : i32 to vector<16xi32>
      %add3A_901 = arith.addi %mul3A_895, %add3A_900 : vector<16xi32>
      tpu.vector_store_idx %arg14[%add3A_898, %add3A_901], %broadcast_in_dim3A_0 : memref<96x8xf32, #tpu.memory_space<vmem>>[vector<16xi32>, vector<16xi32>], vector<16xf32>,
      %add3A_902 = arith.constant 48 : i32
      %add3A_903 = vector.broadcast %add3A_902 : i32 to vector<16xi32>
      %add3A_904 = arith.addi %add3A_903, %add3A_889 : vector<16xi32>
      %add3A_905 = arith.constant 1 : i32
      %add3A_906 = vector.broadcast %add3A_905 : i32 to vector<16xi32>
      %add3A_907 = arith.addi %mul3A_895, %add3A_906 : vector<16xi32>
      tpu.vector_store_idx %arg14[%add3A_904, %add3A_907], %broadcast_in_dim3A_0 : memref<96x8xf32, #tpu.memory_space<vmem>>[vector<16xi32>, vector<16xi32>], vector<16xf32>,
      "tpu.region"() ({
        %run_scoped3A = tpu.sem_alloc : memref<!tpu.dma_semaphore, #tpu.memory_space<semaphore_mem>>
        %dma_start3A_1197 = arith.constant 48 : i32
        %dma_start3A_1198 = tpu.memref_slice %arg8[%dma_start3A_1197] : memref<96xi32, #tpu.memory_space<vmem>> -> memref<48xi32, #tpu.memory_space<vmem>>
        %dma_start3A_1199 = tpu.memref_slice %arg2[%add3A_834] : memref<331776xi32, #tpu.memory_space<hbm>> -> memref<48xi32, #tpu.memory_space<hbm>>
        %dma_start3A_1200 = arith.constant 48 : i32
        %dma_start3A_1201 = tpu.memref_slice %arg8[%dma_start3A_1200] : memref<96xi32, #tpu.memory_space<vmem>> -> memref<48xi32, #tpu.memory_space<vmem>>
        %dma_start3A_1202 = tpu.memref_slice %arg2[%add3A_834] : memref<331776xi32, #tpu.memory_space<hbm>> -> memref<48xi32, #tpu.memory_space<hbm>>
        tpu.enqueue_dma source(%dma_start3A_1202 : memref<48xi32, #tpu.memory_space<hbm>>) target(%dma_start3A_1201 : memref<48xi32, #tpu.memory_space<vmem>>) target_semaphore(%run_scoped3A : memref<!tpu.dma_semaphore, #tpu.memory_space<semaphore_mem>>)
        %dma_wait3A_1203 = arith.constant 48 : i32
        %dma_wait3A_1204 = tpu.memref_slice %arg8[%dma_wait3A_1203] : memref<96xi32, #tpu.memory_space<vmem>> -> memref<48xi32, #tpu.memory_space<vmem>>
        %dma_wait3A_1205 = tpu.memref_slice %arg2[%add3A_834] : memref<331776xi32, #tpu.memory_space<hbm>> -> memref<48xi32, #tpu.memory_space<hbm>>
        %dma_wait3A_1206 = arith.constant 48 : i32
        %dma_wait3A_1207 = tpu.memref_slice %arg8[%dma_wait3A_1206] : memref<96xi32, #tpu.memory_space<vmem>> -> memref<48xi32, #tpu.memory_space<vmem>>
        %dma_wait3A_1208 = tpu.memref_slice %arg2[%add3A_834] : memref<331776xi32, #tpu.memory_space<hbm>> -> memref<48xi32, #tpu.memory_space<hbm>>
        tpu.wait_dma2 semaphore(%run_scoped3A : memref<!tpu.dma_semaphore, #tpu.memory_space<semaphore_mem>>) src(%dma_wait3A_1208 : memref<48xi32, #tpu.memory_space<hbm>>) dst(%dma_wait3A_1207 : memref<48xi32, #tpu.memory_space<vmem>>)
        tpu.yield
      }) : () -> ()
      %get3A_908 = arith.constant 48 : index
      %get3A_909 = tpu.vector_load %arg8[%get3A_908] {strides = array<i32>} : memref<96xi32, #tpu.memory_space<vmem>>, vector<16xi32>,
      %and3A_910 = arith.constant 65535 : i32
      %and3A_911 = vector.broadcast %and3A_910 : i32 to vector<16xi32>
      %and3A_912 = arith.andi %get3A_909, %and3A_911 : vector<16xi32>
      %shift_right_logical3A_913 = arith.constant 16 : i32
      %shift_right_logical3A_914 = vector.broadcast %shift_right_logical3A_913 : i32 to vector<16xi32>
      %shift_right_logical3A_915 = arith.shrui %get3A_909, %shift_right_logical3A_914 : vector<16xi32>
      %add3A_916 = vector.broadcast %mul3A_459 : i32 to vector<16xi32>
      %add3A_917 = arith.addi %and3A_912, %add3A_916 : vector<16xi32>
      %swap3A_918 = arith.constant 48 : index
      %swap3A_919 = tpu.vector_load %arg11[%swap3A_918] {strides = array<i32>} : memref<96xi32, #tpu.memory_space<vmem>>, vector<16xi32>,
      tpu.vector_store %arg11[%swap3A_918], %add3A_917 {strides = array<i32>} : memref<96xi32, #tpu.memory_space<vmem>>, vector<16xi32>,
      %swap3A_920 = arith.constant 48 : index
      %swap3A_921 = tpu.vector_load %arg9[%swap3A_920] {strides = array<i32>} : memref<96xi32, #tpu.memory_space<vmem>>, vector<16xi32>,
      tpu.vector_store %arg9[%swap3A_920], %shift_right_logical3A_915 {strides = array<i32>} : memref<96xi32, #tpu.memory_space<vmem>>, vector<16xi32>,
      %shift_right_logical3A_922 = arith.constant 2 : i32
      %shift_right_logical3A_923 = vector.broadcast %shift_right_logical3A_922 : i32 to vector<16xi32>
      %shift_right_logical3A_924 = arith.shrui %shift_right_logical3A_915, %shift_right_logical3A_923 : vector<16xi32>
      %swap3A_925 = arith.constant 48 : index
      %swap3A_926 = tpu.vector_load %arg10[%swap3A_925] {strides = array<i32>} : memref<96xi32, #tpu.memory_space<vmem>>, vector<16xi32>,
      tpu.vector_store %arg10[%swap3A_925], %shift_right_logical3A_924 {strides = array<i32>} : memref<96xi32, #tpu.memory_space<vmem>>, vector<16xi32>,
      %add3A_927 = arith.constant 0 : i32
      %add3A_928 = arith.addi %add3A_834, %add3A_927 : i32
      %add3A_929 = vector.broadcast %add3A_928 : i32 to vector<16xi32>
      %add3A_930 = arith.addi %add3A_929, %iota3A : vector<16xi32>
      %lt3A_931 = arith.constant 330000 : i32
      %lt3A_932 = vector.broadcast %lt3A_931 : i32 to vector<16xi32>
      %lt3A_933 = arith.cmpi slt, %add3A_930, %lt3A_932 : vector<16xi32>
      %add3A_934 = arith.constant 0 : i32
      %add3A_935 = vector.broadcast %add3A_934 : i32 to vector<16xi32>
      %add3A_936 = arith.addi %add3A_935, %iota3A : vector<16xi32>
      %and3A_937 = arith.constant 3 : i32
      %and3A_938 = vector.broadcast %and3A_937 : i32 to vector<16xi32>
      %and3A_939 = arith.andi %shift_right_logical3A_915, %and3A_938 : vector<16xi32>
      %mul3A_940 = arith.constant 2 : i32
      %mul3A_941 = vector.broadcast %mul3A_940 : i32 to vector<16xi32>
      %mul3A_942 = arith.muli %and3A_939, %mul3A_941 : vector<16xi32>
      %broadcast_in_dim3A_943 = arith.constant 0 : i32
      %broadcast_in_dim3A_944 = vector.broadcast %broadcast_in_dim3A_943 : i32 to vector<16xi32>
      %gather3A_945 = tpu.vector_load_idx %arg7[%and3A_912, %broadcast_in_dim3A_944] : memref<10000x4xf32, #tpu.memory_space<vmem>>[vector<16xi32>, vector<16xi32>], vector<16xf32>,
      %broadcast_in_dim3A_946 = arith.constant 2 : i32
      %broadcast_in_dim3A_947 = vector.broadcast %broadcast_in_dim3A_946 : i32 to vector<16xi32>
      %gather3A_948 = tpu.vector_load_idx %arg7[%shift_right_logical3A_915, %broadcast_in_dim3A_947] : memref<10000x4xf32, #tpu.memory_space<vmem>>[vector<16xi32>, vector<16xi32>], vector<16xf32>,
      %add3A_949 = arith.addf %gather3A_945, %gather3A_948 : vector<16xf32>
      %mul3A_950 = arith.constant 2.000000e-01 : f32
      %mul3A_951 = vector.broadcast %mul3A_950 : f32 to vector<16xf32>
      %mul3A_952 = arith.mulf %mul3A_951, %add3A_949 : vector<16xf32>
      %max3A_953 = arith.maximumf %add3A_949, %mul3A_952 : vector<16xf32>
      %exp3A_954 = math.exp %max3A_953 : vector<16xf32>
      %jit3A_955 = arith.constant 0.000000e+00 : f32
      %broadcast_in_dim3A_956 = vector.broadcast %jit3A_955 : f32 to vector<16xf32>
      %select_n3A_957 = arith.select %lt3A_933, %exp3A_954, %broadcast_in_dim3A_956 : vector<16xi1>, vector<16xf32>
      %swap3A_958 = arith.constant 0 : i32
      %swap3A_959 = arith.index_cast %swap3A_958 : i32 to index
      %swap3A_960 = arith.constant 0 : index
      %swap3A_961 = tpu.vector_load %arg16[%swap3A_959, %swap3A_960] {strides = array<i32>} : memref<2x64xf32, #tpu.memory_space<vmem>>, vector<16xf32>,
      tpu.vector_store %arg16[%swap3A_959, %swap3A_960], %select_n3A_957 {strides = array<i32>} : memref<2x64xf32, #tpu.memory_space<vmem>>, vector<16xf32>,
      %add3A_962 = arith.constant 48 : i32
      %add3A_963 = vector.broadcast %add3A_962 : i32 to vector<16xi32>
      %add3A_964 = arith.addi %add3A_963, %add3A_936 : vector<16xi32>
      %add3A_965 = arith.constant 0 : i32
      %add3A_966 = vector.broadcast %add3A_965 : i32 to vector<16xi32>
      %add3A_967 = arith.addi %mul3A_942, %add3A_966 : vector<16xi32>
      tpu.vector_store_idx %arg14[%add3A_964, %add3A_967], %select_n3A_957 : memref<96x8xf32, #tpu.memory_space<vmem>>[vector<16xi32>, vector<16xi32>], vector<16xf32>,
      %broadcast_in_dim3A_968 = arith.constant 1 : i32
      %broadcast_in_dim3A_969 = vector.broadcast %broadcast_in_dim3A_968 : i32 to vector<16xi32>
      %gather3A_970 = tpu.vector_load_idx %arg7[%and3A_912, %broadcast_in_dim3A_969] : memref<10000x4xf32, #tpu.memory_space<vmem>>[vector<16xi32>, vector<16xi32>], vector<16xf32>,
      %broadcast_in_dim3A_971 = arith.constant 3 : i32
      %broadcast_in_dim3A_972 = vector.broadcast %broadcast_in_dim3A_971 : i32 to vector<16xi32>
      %gather3A_973 = tpu.vector_load_idx %arg7[%shift_right_logical3A_915, %broadcast_in_dim3A_972] : memref<10000x4xf32, #tpu.memory_space<vmem>>[vector<16xi32>, vector<16xi32>], vector<16xf32>,
      %add3A_974 = arith.addf %gather3A_970, %gather3A_973 : vector<16xf32>
      %mul3A_975 = arith.constant 2.000000e-01 : f32
      %mul3A_976 = vector.broadcast %mul3A_975 : f32 to vector<16xf32>
      %mul3A_977 = arith.mulf %mul3A_976, %add3A_974 : vector<16xf32>
      %max3A_978 = arith.maximumf %add3A_974, %mul3A_977 : vector<16xf32>
      %exp3A_979 = math.exp %max3A_978 : vector<16xf32>
      %jit3A_980 = arith.constant 0.000000e+00 : f32
      %broadcast_in_dim3A_981 = vector.broadcast %jit3A_980 : f32 to vector<16xf32>
      %select_n3A_982 = arith.select %lt3A_933, %exp3A_979, %broadcast_in_dim3A_981 : vector<16xi1>, vector<16xf32>
      %swap3A_983 = arith.constant 1 : i32
      %swap3A_984 = arith.index_cast %swap3A_983 : i32 to index
      %swap3A_985 = arith.constant 0 : index
      %swap3A_986 = tpu.vector_load %arg16[%swap3A_984, %swap3A_985] {strides = array<i32>} : memref<2x64xf32, #tpu.memory_space<vmem>>, vector<16xf32>,
      tpu.vector_store %arg16[%swap3A_984, %swap3A_985], %select_n3A_982 {strides = array<i32>} : memref<2x64xf32, #tpu.memory_space<vmem>>, vector<16xf32>,
      %add3A_987 = arith.constant 48 : i32
      %add3A_988 = vector.broadcast %add3A_987 : i32 to vector<16xi32>
      %add3A_989 = arith.addi %add3A_988, %add3A_936 : vector<16xi32>
      %add3A_990 = arith.constant 1 : i32
      %add3A_991 = vector.broadcast %add3A_990 : i32 to vector<16xi32>
      %add3A_992 = arith.addi %mul3A_942, %add3A_991 : vector<16xi32>
      tpu.vector_store_idx %arg14[%add3A_989, %add3A_992], %select_n3A_982 : memref<96x8xf32, #tpu.memory_space<vmem>>[vector<16xi32>, vector<16xi32>], vector<16xf32>,
      %get3A_993 = arith.constant 64 : index
      %get3A_994 = tpu.vector_load %arg8[%get3A_993] {strides = array<i32>} : memref<96xi32, #tpu.memory_space<vmem>>, vector<16xi32>,
      %and3A_995 = arith.constant 65535 : i32
      %and3A_996 = vector.broadcast %and3A_995 : i32 to vector<16xi32>
      %and3A_997 = arith.andi %get3A_994, %and3A_996 : vector<16xi32>
      %shift_right_logical3A_998 = arith.constant 16 : i32
      %shift_right_logical3A_999 = vector.broadcast %shift_right_logical3A_998 : i32 to vector<16xi32>
      %shift_right_logical3A_1000 = arith.shrui %get3A_994, %shift_right_logical3A_999 : vector<16xi32>
      %add3A_1001 = vector.broadcast %mul3A_459 : i32 to vector<16xi32>
      %add3A_1002 = arith.addi %and3A_997, %add3A_1001 : vector<16xi32>
      %swap3A_1003 = arith.constant 64 : index
      %swap3A_1004 = tpu.vector_load %arg11[%swap3A_1003] {strides = array<i32>} : memref<96xi32, #tpu.memory_space<vmem>>, vector<16xi32>,
      tpu.vector_store %arg11[%swap3A_1003], %add3A_1002 {strides = array<i32>} : memref<96xi32, #tpu.memory_space<vmem>>, vector<16xi32>,
      %swap3A_1005 = arith.constant 64 : index
      %swap3A_1006 = tpu.vector_load %arg9[%swap3A_1005] {strides = array<i32>} : memref<96xi32, #tpu.memory_space<vmem>>, vector<16xi32>,
      tpu.vector_store %arg9[%swap3A_1005], %shift_right_logical3A_1000 {strides = array<i32>} : memref<96xi32, #tpu.memory_space<vmem>>, vector<16xi32>,
      %shift_right_logical3A_1007 = arith.constant 2 : i32
      %shift_right_logical3A_1008 = vector.broadcast %shift_right_logical3A_1007 : i32 to vector<16xi32>
      %shift_right_logical3A_1009 = arith.shrui %shift_right_logical3A_1000, %shift_right_logical3A_1008 : vector<16xi32>
      %swap3A_1010 = arith.constant 64 : index
      %swap3A_1011 = tpu.vector_load %arg10[%swap3A_1010] {strides = array<i32>} : memref<96xi32, #tpu.memory_space<vmem>>, vector<16xi32>,
      tpu.vector_store %arg10[%swap3A_1010], %shift_right_logical3A_1009 {strides = array<i32>} : memref<96xi32, #tpu.memory_space<vmem>>, vector<16xi32>,
      %add3A_1012 = arith.constant 16 : i32
      %add3A_1013 = arith.addi %add3A_834, %add3A_1012 : i32
      %add3A_1014 = vector.broadcast %add3A_1013 : i32 to vector<16xi32>
      %add3A_1015 = arith.addi %add3A_1014, %iota3A : vector<16xi32>
      %lt3A_1016 = arith.constant 330000 : i32
      %lt3A_1017 = vector.broadcast %lt3A_1016 : i32 to vector<16xi32>
      %lt3A_1018 = arith.cmpi slt, %add3A_1015, %lt3A_1017 : vector<16xi32>
      %add3A_1019 = arith.constant 16 : i32
      %add3A_1020 = vector.broadcast %add3A_1019 : i32 to vector<16xi32>
      %add3A_1021 = arith.addi %add3A_1020, %iota3A : vector<16xi32>
      %and3A_1022 = arith.constant 3 : i32
      %and3A_1023 = vector.broadcast %and3A_1022 : i32 to vector<16xi32>
      %and3A_1024 = arith.andi %shift_right_logical3A_1000, %and3A_1023 : vector<16xi32>
      %mul3A_1025 = arith.constant 2 : i32
      %mul3A_1026 = vector.broadcast %mul3A_1025 : i32 to vector<16xi32>
      %mul3A_1027 = arith.muli %and3A_1024, %mul3A_1026 : vector<16xi32>
      %broadcast_in_dim3A_1028 = arith.constant 0 : i32
      %broadcast_in_dim3A_1029 = vector.broadcast %broadcast_in_dim3A_1028 : i32 to vector<16xi32>
      %gather3A_1030 = tpu.vector_load_idx %arg7[%and3A_997, %broadcast_in_dim3A_1029] : memref<10000x4xf32, #tpu.memory_space<vmem>>[vector<16xi32>, vector<16xi32>], vector<16xf32>,
      %broadcast_in_dim3A_1031 = arith.constant 2 : i32
      %broadcast_in_dim3A_1032 = vector.broadcast %broadcast_in_dim3A_1031 : i32 to vector<16xi32>
      %gather3A_1033 = tpu.vector_load_idx %arg7[%shift_right_logical3A_1000, %broadcast_in_dim3A_1032] : memref<10000x4xf32, #tpu.memory_space<vmem>>[vector<16xi32>, vector<16xi32>], vector<16xf32>,
      %add3A_1034 = arith.addf %gather3A_1030, %gather3A_1033 : vector<16xf32>
      %mul3A_1035 = arith.constant 2.000000e-01 : f32
      %mul3A_1036 = vector.broadcast %mul3A_1035 : f32 to vector<16xf32>
      %mul3A_1037 = arith.mulf %mul3A_1036, %add3A_1034 : vector<16xf32>
      %max3A_1038 = arith.maximumf %add3A_1034, %mul3A_1037 : vector<16xf32>
      %exp3A_1039 = math.exp %max3A_1038 : vector<16xf32>
      %jit3A_1040 = arith.constant 0.000000e+00 : f32
      %broadcast_in_dim3A_1041 = vector.broadcast %jit3A_1040 : f32 to vector<16xf32>
      %select_n3A_1042 = arith.select %lt3A_1018, %exp3A_1039, %broadcast_in_dim3A_1041 : vector<16xi1>, vector<16xf32>
      %swap3A_1043 = arith.constant 0 : i32
      %swap3A_1044 = arith.index_cast %swap3A_1043 : i32 to index
      %swap3A_1045 = arith.constant 16 : index
      %swap3A_1046 = tpu.vector_load %arg16[%swap3A_1044, %swap3A_1045] {strides = array<i32>} : memref<2x64xf32, #tpu.memory_space<vmem>>, vector<16xf32>,
      tpu.vector_store %arg16[%swap3A_1044, %swap3A_1045], %select_n3A_1042 {strides = array<i32>} : memref<2x64xf32, #tpu.memory_space<vmem>>, vector<16xf32>,
      %add3A_1047 = arith.constant 48 : i32
      %add3A_1048 = vector.broadcast %add3A_1047 : i32 to vector<16xi32>
      %add3A_1049 = arith.addi %add3A_1048, %add3A_1021 : vector<16xi32>
      %add3A_1050 = arith.constant 0 : i32
      %add3A_1051 = vector.broadcast %add3A_1050 : i32 to vector<16xi32>
      %add3A_1052 = arith.addi %mul3A_1027, %add3A_1051 : vector<16xi32>
      tpu.vector_store_idx %arg14[%add3A_1049, %add3A_1052], %select_n3A_1042 : memref<96x8xf32, #tpu.memory_space<vmem>>[vector<16xi32>, vector<16xi32>], vector<16xf32>,
      %broadcast_in_dim3A_1053 = arith.constant 1 : i32
      %broadcast_in_dim3A_1054 = vector.broadcast %broadcast_in_dim3A_1053 : i32 to vector<16xi32>
      %gather3A_1055 = tpu.vector_load_idx %arg7[%and3A_997, %broadcast_in_dim3A_1054] : memref<10000x4xf32, #tpu.memory_space<vmem>>[vector<16xi32>, vector<16xi32>], vector<16xf32>,
      %broadcast_in_dim3A_1056 = arith.constant 3 : i32
      %broadcast_in_dim3A_1057 = vector.broadcast %broadcast_in_dim3A_1056 : i32 to vector<16xi32>
      %gather3A_1058 = tpu.vector_load_idx %arg7[%shift_right_logical3A_1000, %broadcast_in_dim3A_1057] : memref<10000x4xf32, #tpu.memory_space<vmem>>[vector<16xi32>, vector<16xi32>], vector<16xf32>,
      %add3A_1059 = arith.addf %gather3A_1055, %gather3A_1058 : vector<16xf32>
      %mul3A_1060 = arith.constant 2.000000e-01 : f32
      %mul3A_1061 = vector.broadcast %mul3A_1060 : f32 to vector<16xf32>
      %mul3A_1062 = arith.mulf %mul3A_1061, %add3A_1059 : vector<16xf32>
      %max3A_1063 = arith.maximumf %add3A_1059, %mul3A_1062 : vector<16xf32>
      %exp3A_1064 = math.exp %max3A_1063 : vector<16xf32>
      %jit3A_1065 = arith.constant 0.000000e+00 : f32
      %broadcast_in_dim3A_1066 = vector.broadcast %jit3A_1065 : f32 to vector<16xf32>
      %select_n3A_1067 = arith.select %lt3A_1018, %exp3A_1064, %broadcast_in_dim3A_1066 : vector<16xi1>, vector<16xf32>
      %swap3A_1068 = arith.constant 1 : i32
      %swap3A_1069 = arith.index_cast %swap3A_1068 : i32 to index
      %swap3A_1070 = arith.constant 16 : index
      %swap3A_1071 = tpu.vector_load %arg16[%swap3A_1069, %swap3A_1070] {strides = array<i32>} : memref<2x64xf32, #tpu.memory_space<vmem>>, vector<16xf32>,
      tpu.vector_store %arg16[%swap3A_1069, %swap3A_1070], %select_n3A_1067 {strides = array<i32>} : memref<2x64xf32, #tpu.memory_space<vmem>>, vector<16xf32>,
      %add3A_1072 = arith.constant 48 : i32
      %add3A_1073 = vector.broadcast %add3A_1072 : i32 to vector<16xi32>
      %add3A_1074 = arith.addi %add3A_1073, %add3A_1021 : vector<16xi32>
      %add3A_1075 = arith.constant 1 : i32
      %add3A_1076 = vector.broadcast %add3A_1075 : i32 to vector<16xi32>
      %add3A_1077 = arith.addi %mul3A_1027, %add3A_1076 : vector<16xi32>
      tpu.vector_store_idx %arg14[%add3A_1074, %add3A_1077], %select_n3A_1067 : memref<96x8xf32, #tpu.memory_space<vmem>>[vector<16xi32>, vector<16xi32>], vector<16xf32>,
      %get3A_1078 = arith.constant 80 : index
      %get3A_1079 = tpu.vector_load %arg8[%get3A_1078] {strides = array<i32>} : memref<96xi32, #tpu.memory_space<vmem>>, vector<16xi32>,
      %and3A_1080 = arith.constant 65535 : i32
      %and3A_1081 = vector.broadcast %and3A_1080 : i32 to vector<16xi32>
      %and3A_1082 = arith.andi %get3A_1079, %and3A_1081 : vector<16xi32>
      %shift_right_logical3A_1083 = arith.constant 16 : i32
      %shift_right_logical3A_1084 = vector.broadcast %shift_right_logical3A_1083 : i32 to vector<16xi32>
      %shift_right_logical3A_1085 = arith.shrui %get3A_1079, %shift_right_logical3A_1084 : vector<16xi32>
      %add3A_1086 = vector.broadcast %mul3A_459 : i32 to vector<16xi32>
      %add3A_1087 = arith.addi %and3A_1082, %add3A_1086 : vector<16xi32>
      %swap3A_1088 = arith.constant 80 : index
      %swap3A_1089 = tpu.vector_load %arg11[%swap3A_1088] {strides = array<i32>} : memref<96xi32, #tpu.memory_space<vmem>>, vector<16xi32>,
      tpu.vector_store %arg11[%swap3A_1088], %add3A_1087 {strides = array<i32>} : memref<96xi32, #tpu.memory_space<vmem>>, vector<16xi32>,
      %swap3A_1090 = arith.constant 80 : index
      %swap3A_1091 = tpu.vector_load %arg9[%swap3A_1090] {strides = array<i32>} : memref<96xi32, #tpu.memory_space<vmem>>, vector<16xi32>,
      tpu.vector_store %arg9[%swap3A_1090], %shift_right_logical3A_1085 {strides = array<i32>} : memref<96xi32, #tpu.memory_space<vmem>>, vector<16xi32>,
      %shift_right_logical3A_1092 = arith.constant 2 : i32
      %shift_right_logical3A_1093 = vector.broadcast %shift_right_logical3A_1092 : i32 to vector<16xi32>
      %shift_right_logical3A_1094 = arith.shrui %shift_right_logical3A_1085, %shift_right_logical3A_1093 : vector<16xi32>
      %swap3A_1095 = arith.constant 80 : index
      %swap3A_1096 = tpu.vector_load %arg10[%swap3A_1095] {strides = array<i32>} : memref<96xi32, #tpu.memory_space<vmem>>, vector<16xi32>,
      tpu.vector_store %arg10[%swap3A_1095], %shift_right_logical3A_1094 {strides = array<i32>} : memref<96xi32, #tpu.memory_space<vmem>>, vector<16xi32>,
      %add3A_1097 = arith.constant 32 : i32
      %add3A_1098 = arith.addi %add3A_834, %add3A_1097 : i32
      %add3A_1099 = vector.broadcast %add3A_1098 : i32 to vector<16xi32>
      %add3A_1100 = arith.addi %add3A_1099, %iota3A : vector<16xi32>
      %lt3A_1101 = arith.constant 330000 : i32
      %lt3A_1102 = vector.broadcast %lt3A_1101 : i32 to vector<16xi32>
      %lt3A_1103 = arith.cmpi slt, %add3A_1100, %lt3A_1102 : vector<16xi32>
      %add3A_1104 = arith.constant 32 : i32
      %add3A_1105 = vector.broadcast %add3A_1104 : i32 to vector<16xi32>
      %add3A_1106 = arith.addi %add3A_1105, %iota3A : vector<16xi32>
      %and3A_1107 = arith.constant 3 : i32
      %and3A_1108 = vector.broadcast %and3A_1107 : i32 to vector<16xi32>
      %and3A_1109 = arith.andi %shift_right_logical3A_1085, %and3A_1108 : vector<16xi32>
      %mul3A_1110 = arith.constant 2 : i32
      %mul3A_1111 = vector.broadcast %mul3A_1110 : i32 to vector<16xi32>
      %mul3A_1112 = arith.muli %and3A_1109, %mul3A_1111 : vector<16xi32>
      %broadcast_in_dim3A_1113 = arith.constant 0 : i32
      %broadcast_in_dim3A_1114 = vector.broadcast %broadcast_in_dim3A_1113 : i32 to vector<16xi32>
      %gather3A_1115 = tpu.vector_load_idx %arg7[%and3A_1082, %broadcast_in_dim3A_1114] : memref<10000x4xf32, #tpu.memory_space<vmem>>[vector<16xi32>, vector<16xi32>], vector<16xf32>,
      %broadcast_in_dim3A_1116 = arith.constant 2 : i32
      %broadcast_in_dim3A_1117 = vector.broadcast %broadcast_in_dim3A_1116 : i32 to vector<16xi32>
      %gather3A_1118 = tpu.vector_load_idx %arg7[%shift_right_logical3A_1085, %broadcast_in_dim3A_1117] : memref<10000x4xf32, #tpu.memory_space<vmem>>[vector<16xi32>, vector<16xi32>], vector<16xf32>,
      %add3A_1119 = arith.addf %gather3A_1115, %gather3A_1118 : vector<16xf32>
      %mul3A_1120 = arith.constant 2.000000e-01 : f32
      %mul3A_1121 = vector.broadcast %mul3A_1120 : f32 to vector<16xf32>
      %mul3A_1122 = arith.mulf %mul3A_1121, %add3A_1119 : vector<16xf32>
      %max3A_1123 = arith.maximumf %add3A_1119, %mul3A_1122 : vector<16xf32>
      %exp3A_1124 = math.exp %max3A_1123 : vector<16xf32>
      %jit3A_1125 = arith.constant 0.000000e+00 : f32
      %broadcast_in_dim3A_1126 = vector.broadcast %jit3A_1125 : f32 to vector<16xf32>
      %select_n3A_1127 = arith.select %lt3A_1103, %exp3A_1124, %broadcast_in_dim3A_1126 : vector<16xi1>, vector<16xf32>
      %swap3A_1128 = arith.constant 0 : i32
      %swap3A_1129 = arith.index_cast %swap3A_1128 : i32 to index
      %swap3A_1130 = arith.constant 32 : index
      %swap3A_1131 = tpu.vector_load %arg16[%swap3A_1129, %swap3A_1130] {strides = array<i32>} : memref<2x64xf32, #tpu.memory_space<vmem>>, vector<16xf32>,
      tpu.vector_store %arg16[%swap3A_1129, %swap3A_1130], %select_n3A_1127 {strides = array<i32>} : memref<2x64xf32, #tpu.memory_space<vmem>>, vector<16xf32>,
      %add3A_1132 = arith.constant 48 : i32
      %add3A_1133 = vector.broadcast %add3A_1132 : i32 to vector<16xi32>
      %add3A_1134 = arith.addi %add3A_1133, %add3A_1106 : vector<16xi32>
      %add3A_1135 = arith.constant 0 : i32
      %add3A_1136 = vector.broadcast %add3A_1135 : i32 to vector<16xi32>
      %add3A_1137 = arith.addi %mul3A_1112, %add3A_1136 : vector<16xi32>
      tpu.vector_store_idx %arg14[%add3A_1134, %add3A_1137], %select_n3A_1127 : memref<96x8xf32, #tpu.memory_space<vmem>>[vector<16xi32>, vector<16xi32>], vector<16xf32>,
      %broadcast_in_dim3A_1138 = arith.constant 1 : i32
      %broadcast_in_dim3A_1139 = vector.broadcast %broadcast_in_dim3A_1138 : i32 to vector<16xi32>
      %gather3A_1140 = tpu.vector_load_idx %arg7[%and3A_1082, %broadcast_in_dim3A_1139] : memref<10000x4xf32, #tpu.memory_space<vmem>>[vector<16xi32>, vector<16xi32>], vector<16xf32>,
      %broadcast_in_dim3A_1141 = arith.constant 3 : i32
      %broadcast_in_dim3A_1142 = vector.broadcast %broadcast_in_dim3A_1141 : i32 to vector<16xi32>
      %gather3A_1143 = tpu.vector_load_idx %arg7[%shift_right_logical3A_1085, %broadcast_in_dim3A_1142] : memref<10000x4xf32, #tpu.memory_space<vmem>>[vector<16xi32>, vector<16xi32>], vector<16xf32>,
      %add3A_1144 = arith.addf %gather3A_1140, %gather3A_1143 : vector<16xf32>
      %mul3A_1145 = arith.constant 2.000000e-01 : f32
      %mul3A_1146 = vector.broadcast %mul3A_1145 : f32 to vector<16xf32>
      %mul3A_1147 = arith.mulf %mul3A_1146, %add3A_1144 : vector<16xf32>
      %max3A_1148 = arith.maximumf %add3A_1144, %mul3A_1147 : vector<16xf32>
      %exp3A_1149 = math.exp %max3A_1148 : vector<16xf32>
      %jit3A_1150 = arith.constant 0.000000e+00 : f32
      %broadcast_in_dim3A_1151 = vector.broadcast %jit3A_1150 : f32 to vector<16xf32>
      %select_n3A_1152 = arith.select %lt3A_1103, %exp3A_1149, %broadcast_in_dim3A_1151 : vector<16xi1>, vector<16xf32>
      %swap3A_1153 = arith.constant 1 : i32
      %swap3A_1154 = arith.index_cast %swap3A_1153 : i32 to index
      %swap3A_1155 = arith.constant 32 : index
      %swap3A_1156 = tpu.vector_load %arg16[%swap3A_1154, %swap3A_1155] {strides = array<i32>} : memref<2x64xf32, #tpu.memory_space<vmem>>, vector<16xf32>,
      tpu.vector_store %arg16[%swap3A_1154, %swap3A_1155], %select_n3A_1152 {strides = array<i32>} : memref<2x64xf32, #tpu.memory_space<vmem>>, vector<16xf32>,
      %add3A_1157 = arith.constant 48 : i32
      %add3A_1158 = vector.broadcast %add3A_1157 : i32 to vector<16xi32>
      %add3A_1159 = arith.addi %add3A_1158, %add3A_1106 : vector<16xi32>
      %add3A_1160 = arith.constant 1 : i32
      %add3A_1161 = vector.broadcast %add3A_1160 : i32 to vector<16xi32>
      %add3A_1162 = arith.addi %mul3A_1112, %add3A_1161 : vector<16xi32>
      tpu.vector_store_idx %arg14[%add3A_1159, %add3A_1162], %select_n3A_1152 : memref<96x8xf32, #tpu.memory_space<vmem>>[vector<16xi32>, vector<16xi32>], vector<16xf32>,
      %dma_start3A_1163 = arith.constant 48 : i32
      %dma_start3A_1164 = tpu.memref_slice %arg11[%dma_start3A_1163] : memref<96xi32, #tpu.memory_space<vmem>> -> memref<48xi32, #tpu.memory_space<vmem>>
      %dma_start3A_1165 = arith.constant 0 : i32
      %dma_start3A_1166 = arith.constant 0 : i32
      %dma_start3A_1167 = tpu.memref_slice %arg3[%dma_start3A_1165, %dma_start3A_1166] : memref<20000x64xf32, #tpu.memory_space<hbm>> -> memref<20000x64xf32, #tpu.memory_space<hbm>>
      tpu.enqueue_indirect_dma source(%dma_start3A_1167 : memref<20000x64xf32, #tpu.memory_space<hbm>>) target(%arg13 : memref<48x64xf32, #tpu.memory_space<vmem>>) offsets(%dma_start3A_1164 : memref<48xi32, #tpu.memory_space<vmem>>) semaphore(%arg20 : memref<!tpu.dma_semaphore, #tpu.memory_space<semaphore_mem>>)
      %dma_start3A_1168 = arith.constant 48 : i32
      %dma_start3A_1169 = arith.constant 0 : i32
      %dma_start3A_1170 = tpu.memref_slice %arg14[%dma_start3A_1168, %dma_start3A_1169] : memref<96x8xf32, #tpu.memory_space<vmem>> -> memref<48x8xf32, #tpu.memory_space<vmem>>
      %dma_start3A_1171 = arith.constant 48 : i32
      %dma_start3A_1172 = tpu.memref_slice %arg10[%dma_start3A_1171] : memref<96xi32, #tpu.memory_space<vmem>> -> memref<48xi32, #tpu.memory_space<vmem>>
      %dma_start3A_1173 = arith.constant 0 : i32
      %dma_start3A_1174 = arith.constant 0 : i32
      %dma_start3A_1175 = tpu.memref_slice %arg18[%dma_start3A_1173, %dma_start3A_1174] : memref<2504x8xf32, #tpu.memory_space<vmem_shared>> -> memref<2504x8xf32, #tpu.memory_space<vmem_shared>>
      tpu.enqueue_indirect_dma source(%dma_start3A_1170 : memref<48x8xf32, #tpu.memory_space<vmem>>) target(%dma_start3A_1175 : memref<2504x8xf32, #tpu.memory_space<vmem_shared>>) offsets(%dma_start3A_1172 : memref<48xi32, #tpu.memory_space<vmem>>) semaphore(%arg22 : memref<!tpu.dma_semaphore, #tpu.memory_space<semaphore_mem>>) {add = true}
      %dma_wait3A_1176 = arith.constant 0 : i32
      %dma_wait3A_1177 = tpu.memref_slice %arg11[%dma_wait3A_1176] : memref<96xi32, #tpu.memory_space<vmem>> -> memref<48xi32, #tpu.memory_space<vmem>>
      %dma_wait3A_1178 = arith.constant 0 : i32
      %dma_wait3A_1179 = arith.constant 0 : i32
      %dma_wait3A_1180 = tpu.memref_slice %arg3[%dma_wait3A_1178, %dma_wait3A_1179] : memref<20000x64xf32, #tpu.memory_space<hbm>> -> memref<20000x64xf32, #tpu.memory_space<hbm>>
      tpu.wait_indirect_dma semaphore(%arg19 : memref<!tpu.dma_semaphore, #tpu.memory_space<semaphore_mem>>) src(%dma_wait3A_1180 : memref<20000x64xf32, #tpu.memory_space<hbm>>) dst(%arg12 : memref<48x64xf32, #tpu.memory_space<vmem>>)
      %parallel_loop3A = arith.constant 0 : i32
      %parallel_loop3A_1181 = arith.constant 48 : i32
      %parallel_loop3A_1182 = arith.constant 1 : i32
      scf.for %parallel_loop3A_1197 = %parallel_loop3A to %parallel_loop3A_1181 step %parallel_loop3A_1182  : i32 {
        %parallel_loop3A_1198 = arith.constant 0 : i32
        %parallel_loop3A_1199 = arith.index_cast %parallel_loop3A_1198 : i32 to index
        %parallel_loop3A_1200 = arith.index_cast %parallel_loop3A_1197 : i32 to index
        %parallel_loop3A_1201 = tpu.vector_load %arg15[%parallel_loop3A_1199, %parallel_loop3A_1200] {strides = array<i32>} : memref<2x64xf32, #tpu.memory_space<vmem>>, vector<16xf32>,
        %parallel_loop3A_1202 = vector.extract_strided_slice %parallel_loop3A_1201 {offsets = [0], sizes = [1], strides = [1]} : vector<16xf32> to vector<1xf32>
        %parallel_loop3A_1203 = vector.extract %parallel_loop3A_1202[0] : f32 from vector<1xf32>
        %parallel_loop3A_1204 = vector.broadcast %parallel_loop3A_1203 : f32 to vector<16xf32>
        %parallel_loop3A_1205 = arith.index_cast %parallel_loop3A_1197 : i32 to index
        %parallel_loop3A_1206 = arith.constant 0 : index
        %parallel_loop3A_1207 = tpu.vector_load %arg12[%parallel_loop3A_1205, %parallel_loop3A_1206] {strides = array<i32>} : memref<48x64xf32, #tpu.memory_space<vmem>>, vector<16xf32>,
        %parallel_loop3A_1208 = arith.mulf %parallel_loop3A_1207, %parallel_loop3A_1204 : vector<16xf32>
        %parallel_loop3A_1209 = arith.index_cast %parallel_loop3A_1197 : i32 to index
        %parallel_loop3A_1210 = arith.constant 0 : index
        %parallel_loop3A_1211 = tpu.vector_load %arg12[%parallel_loop3A_1209, %parallel_loop3A_1210] {strides = array<i32>} : memref<48x64xf32, #tpu.memory_space<vmem>>, vector<16xf32>,
        tpu.vector_store %arg12[%parallel_loop3A_1209, %parallel_loop3A_1210], %parallel_loop3A_1208 {strides = array<i32>} : memref<48x64xf32, #tpu.memory_space<vmem>>, vector<16xf32>,
        %parallel_loop3A_1212 = arith.index_cast %parallel_loop3A_1197 : i32 to index
        %parallel_loop3A_1213 = arith.constant 16 : index
        %parallel_loop3A_1214 = tpu.vector_load %arg12[%parallel_loop3A_1212, %parallel_loop3A_1213] {strides = array<i32>} : memref<48x64xf32, #tpu.memory_space<vmem>>, vector<16xf32>,
        %parallel_loop3A_1215 = arith.mulf %parallel_loop3A_1214, %parallel_loop3A_1204 : vector<16xf32>
        %parallel_loop3A_1216 = arith.index_cast %parallel_loop3A_1197 : i32 to index
        %parallel_loop3A_1217 = arith.constant 16 : index
        %parallel_loop3A_1218 = tpu.vector_load %arg12[%parallel_loop3A_1216, %parallel_loop3A_1217] {strides = array<i32>} : memref<48x64xf32, #tpu.memory_space<vmem>>, vector<16xf32>,
        tpu.vector_store %arg12[%parallel_loop3A_1216, %parallel_loop3A_1217], %parallel_loop3A_1215 {strides = array<i32>} : memref<48x64xf32, #tpu.memory_space<vmem>>, vector<16xf32>,
        %parallel_loop3A_1219 = arith.constant 1 : i32
        %parallel_loop3A_1220 = arith.index_cast %parallel_loop3A_1219 : i32 to index
        %parallel_loop3A_1221 = arith.index_cast %parallel_loop3A_1197 : i32 to index
        %parallel_loop3A_1222 = tpu.vector_load %arg15[%parallel_loop3A_1220, %parallel_loop3A_1221] {strides = array<i32>} : memref<2x64xf32, #tpu.memory_space<vmem>>, vector<16xf32>,
        %parallel_loop3A_1223 = vector.extract_strided_slice %parallel_loop3A_1222 {offsets = [0], sizes = [1], strides = [1]} : vector<16xf32> to vector<1xf32>
        %parallel_loop3A_1224 = vector.extract %parallel_loop3A_1223[0] : f32 from vector<1xf32>
        %parallel_loop3A_1225 = vector.broadcast %parallel_loop3A_1224 : f32 to vector<16xf32>
        %parallel_loop3A_1226 = arith.index_cast %parallel_loop3A_1197 : i32 to index
        %parallel_loop3A_1227 = arith.constant 32 : index
        %parallel_loop3A_1228 = tpu.vector_load %arg12[%parallel_loop3A_1226, %parallel_loop3A_1227] {strides = array<i32>} : memref<48x64xf32, #tpu.memory_space<vmem>>, vector<16xf32>,
        %parallel_loop3A_1229 = arith.mulf %parallel_loop3A_1228, %parallel_loop3A_1225 : vector<16xf32>
        %parallel_loop3A_1230 = arith.index_cast %parallel_loop3A_1197 : i32 to index
        %parallel_loop3A_1231 = arith.constant 32 : index
        %parallel_loop3A_1232 = tpu.vector_load %arg12[%parallel_loop3A_1230, %parallel_loop3A_1231] {strides = array<i32>} : memref<48x64xf32, #tpu.memory_space<vmem>>, vector<16xf32>,
        tpu.vector_store %arg12[%parallel_loop3A_1230, %parallel_loop3A_1231], %parallel_loop3A_1229 {strides = array<i32>} : memref<48x64xf32, #tpu.memory_space<vmem>>, vector<16xf32>,
        %parallel_loop3A_1233 = arith.index_cast %parallel_loop3A_1197 : i32 to index
        %parallel_loop3A_1234 = arith.constant 48 : index
        %parallel_loop3A_1235 = tpu.vector_load %arg12[%parallel_loop3A_1233, %parallel_loop3A_1234] {strides = array<i32>} : memref<48x64xf32, #tpu.memory_space<vmem>>, vector<16xf32>,
        %parallel_loop3A_1236 = arith.mulf %parallel_loop3A_1235, %parallel_loop3A_1225 : vector<16xf32>
        %parallel_loop3A_1237 = arith.index_cast %parallel_loop3A_1197 : i32 to index
        %parallel_loop3A_1238 = arith.constant 48 : index
        %parallel_loop3A_1239 = tpu.vector_load %arg12[%parallel_loop3A_1237, %parallel_loop3A_1238] {strides = array<i32>} : memref<48x64xf32, #tpu.memory_space<vmem>>, vector<16xf32>,
        tpu.vector_store %arg12[%parallel_loop3A_1237, %parallel_loop3A_1238], %parallel_loop3A_1236 {strides = array<i32>} : memref<48x64xf32, #tpu.memory_space<vmem>>, vector<16xf32>,
      } {sc.loop_unroll_factor = 8 : i64, sc.parallel_access}
      "tpu.region"() ({
        %run_scoped3A = tpu.sem_alloc : memref<!tpu.dma_semaphore, #tpu.memory_space<semaphore_mem>>
        %dma_start3A_1197 = arith.constant 0 : i32
        %dma_start3A_1198 = tpu.memref_slice %arg9[%dma_start3A_1197] : memref<96xi32, #tpu.memory_space<vmem>> -> memref<48xi32, #tpu.memory_space<vmem>>
        %dma_start3A_1199 = arith.constant 0 : i32
        %dma_start3A_1200 = arith.constant 0 : i32
        %dma_start3A_1201 = tpu.memref_slice %arg17[%dma_start3A_1199, %dma_start3A_1200] : memref<10000x64xf32, #tpu.memory_space<vmem_shared>> -> memref<10000x64xf32, #tpu.memory_space<vmem_shared>>
        tpu.enqueue_indirect_dma source(%arg12 : memref<48x64xf32, #tpu.memory_space<vmem>>) target(%dma_start3A_1201 : memref<10000x64xf32, #tpu.memory_space<vmem_shared>>) offsets(%dma_start3A_1198 : memref<48xi32, #tpu.memory_space<vmem>>) semaphore(%run_scoped3A : memref<!tpu.dma_semaphore, #tpu.memory_space<semaphore_mem>>) {add = true}
        %dma_wait3A_1202 = arith.constant 0 : i32
        %dma_wait3A_1203 = tpu.memref_slice %arg9[%dma_wait3A_1202] : memref<96xi32, #tpu.memory_space<vmem>> -> memref<48xi32, #tpu.memory_space<vmem>>
        %dma_wait3A_1204 = arith.constant 0 : i32
        %dma_wait3A_1205 = arith.constant 0 : i32
        %dma_wait3A_1206 = tpu.memref_slice %arg17[%dma_wait3A_1204, %dma_wait3A_1205] : memref<10000x64xf32, #tpu.memory_space<vmem_shared>> -> memref<10000x64xf32, #tpu.memory_space<vmem_shared>>
        tpu.wait_indirect_dma semaphore(%run_scoped3A : memref<!tpu.dma_semaphore, #tpu.memory_space<semaphore_mem>>) src(%arg12 : memref<48x64xf32, #tpu.memory_space<vmem>>) dst(%dma_wait3A_1206 : memref<10000x64xf32, #tpu.memory_space<vmem_shared>>)
        tpu.yield
      }) : () -> ()
      %lt3A_1183 = arith.constant 215 : i32
      %lt3A_1184 = arith.cmpi slt, %scan3A_826, %lt3A_1183 : i32
      %convert_element_type3A_1185 = arith.extui %lt3A_1184 : i1 to i32
      %cond3A_1186 = arith.constant 0 : i32
      %cond3A_1187 = arith.cmpi ne, %convert_element_type3A_1185, %cond3A_1186 : i32
      scf.if %cond3A_1187 {
        %mul3A_1197 = arith.constant 2 : i32
        %mul3A_1198 = arith.muli %mul3A_1197, %scan3A_826 : i32
        %add3A_1199 = arith.constant 2 : i32
        %add3A_1200 = arith.addi %mul3A_1198, %add3A_1199 : i32
        %mul3A_1201 = arith.constant 48 : i32
        %mul3A_1202 = arith.muli %add3A_1200, %mul3A_1201 : i32
        %add3A_1203 = arith.addi %mul3A_457, %mul3A_1202 : i32
        %ge3A_1204 = arith.constant 2 : i32
        %ge3A_1205 = arith.cmpi sge, %add3A_1200, %ge3A_1204 : i32
        %convert_element_type3A_1206 = arith.extui %ge3A_1205 : i1 to i32
        %cond3A_1207 = arith.constant 0 : i32
        %cond3A_1208 = arith.cmpi ne, %convert_element_type3A_1206, %cond3A_1207 : i32
        scf.if %cond3A_1208 {
          %dma_wait3A_1546 = arith.constant 0 : i32
          %dma_wait3A_1547 = arith.constant 0 : i32
          %dma_wait3A_1548 = tpu.memref_slice %arg14[%dma_wait3A_1546, %dma_wait3A_1547] : memref<96x8xf32, #tpu.memory_space<vmem>> -> memref<48x8xf32, #tpu.memory_space<vmem>>
          %dma_wait3A_1549 = arith.constant 0 : i32
          %dma_wait3A_1550 = tpu.memref_slice %arg10[%dma_wait3A_1549] : memref<96xi32, #tpu.memory_space<vmem>> -> memref<48xi32, #tpu.memory_space<vmem>>
          %dma_wait3A_1551 = arith.constant 0 : i32
          %dma_wait3A_1552 = arith.constant 0 : i32
          %dma_wait3A_1553 = tpu.memref_slice %arg18[%dma_wait3A_1551, %dma_wait3A_1552] : memref<2504x8xf32, #tpu.memory_space<vmem_shared>> -> memref<2504x8xf32, #tpu.memory_space<vmem_shared>>
          tpu.wait_indirect_dma semaphore(%arg21 : memref<!tpu.dma_semaphore, #tpu.memory_space<semaphore_mem>>) src(%dma_wait3A_1548 : memref<48x8xf32, #tpu.memory_space<vmem>>) dst(%dma_wait3A_1553 : memref<2504x8xf32, #tpu.memory_space<vmem_shared>>)
        } else {
        }
        %get3A_1209 = arith.constant 0 : index
        %get3A_1210 = tpu.vector_load %arg9[%get3A_1209] {strides = array<i32>} : memref<96xi32, #tpu.memory_space<vmem>>, vector<16xi32>,
        %add3A_1211 = arith.constant 0 : i32
        %add3A_1212 = vector.broadcast %add3A_1211 : i32 to vector<16xi32>
        %add3A_1213 = arith.addi %add3A_1212, %iota3A : vector<16xi32>
        %and3A_1214 = arith.constant 3 : i32
        %and3A_1215 = vector.broadcast %and3A_1214 : i32 to vector<16xi32>
        %and3A_1216 = arith.andi %get3A_1210, %and3A_1215 : vector<16xi32>
        %mul3A_1217 = arith.constant 2 : i32
        %mul3A_1218 = vector.broadcast %mul3A_1217 : i32 to vector<16xi32>
        %mul3A_1219 = arith.muli %and3A_1216, %mul3A_1218 : vector<16xi32>
        %add3A_1220 = arith.constant 0 : i32
        %add3A_1221 = vector.broadcast %add3A_1220 : i32 to vector<16xi32>
        %add3A_1222 = arith.addi %add3A_1221, %add3A_1213 : vector<16xi32>
        %add3A_1223 = arith.constant 0 : i32
        %add3A_1224 = vector.broadcast %add3A_1223 : i32 to vector<16xi32>
        %add3A_1225 = arith.addi %mul3A_1219, %add3A_1224 : vector<16xi32>
        tpu.vector_store_idx %arg14[%add3A_1222, %add3A_1225], %broadcast_in_dim3A_0 : memref<96x8xf32, #tpu.memory_space<vmem>>[vector<16xi32>, vector<16xi32>], vector<16xf32>,
        %add3A_1226 = arith.constant 0 : i32
        %add3A_1227 = vector.broadcast %add3A_1226 : i32 to vector<16xi32>
        %add3A_1228 = arith.addi %add3A_1227, %add3A_1213 : vector<16xi32>
        %add3A_1229 = arith.constant 1 : i32
        %add3A_1230 = vector.broadcast %add3A_1229 : i32 to vector<16xi32>
        %add3A_1231 = arith.addi %mul3A_1219, %add3A_1230 : vector<16xi32>
        tpu.vector_store_idx %arg14[%add3A_1228, %add3A_1231], %broadcast_in_dim3A_0 : memref<96x8xf32, #tpu.memory_space<vmem>>[vector<16xi32>, vector<16xi32>], vector<16xf32>,
        %get3A_1232 = arith.constant 16 : index
        %get3A_1233 = tpu.vector_load %arg9[%get3A_1232] {strides = array<i32>} : memref<96xi32, #tpu.memory_space<vmem>>, vector<16xi32>,
        %add3A_1234 = arith.constant 16 : i32
        %add3A_1235 = vector.broadcast %add3A_1234 : i32 to vector<16xi32>
        %add3A_1236 = arith.addi %add3A_1235, %iota3A : vector<16xi32>
        %and3A_1237 = arith.constant 3 : i32
        %and3A_1238 = vector.broadcast %and3A_1237 : i32 to vector<16xi32>
        %and3A_1239 = arith.andi %get3A_1233, %and3A_1238 : vector<16xi32>
        %mul3A_1240 = arith.constant 2 : i32
        %mul3A_1241 = vector.broadcast %mul3A_1240 : i32 to vector<16xi32>
        %mul3A_1242 = arith.muli %and3A_1239, %mul3A_1241 : vector<16xi32>
        %add3A_1243 = arith.constant 0 : i32
        %add3A_1244 = vector.broadcast %add3A_1243 : i32 to vector<16xi32>
        %add3A_1245 = arith.addi %add3A_1244, %add3A_1236 : vector<16xi32>
        %add3A_1246 = arith.constant 0 : i32
        %add3A_1247 = vector.broadcast %add3A_1246 : i32 to vector<16xi32>
        %add3A_1248 = arith.addi %mul3A_1242, %add3A_1247 : vector<16xi32>
        tpu.vector_store_idx %arg14[%add3A_1245, %add3A_1248], %broadcast_in_dim3A_0 : memref<96x8xf32, #tpu.memory_space<vmem>>[vector<16xi32>, vector<16xi32>], vector<16xf32>,
        %add3A_1249 = arith.constant 0 : i32
        %add3A_1250 = vector.broadcast %add3A_1249 : i32 to vector<16xi32>
        %add3A_1251 = arith.addi %add3A_1250, %add3A_1236 : vector<16xi32>
        %add3A_1252 = arith.constant 1 : i32
        %add3A_1253 = vector.broadcast %add3A_1252 : i32 to vector<16xi32>
        %add3A_1254 = arith.addi %mul3A_1242, %add3A_1253 : vector<16xi32>
        tpu.vector_store_idx %arg14[%add3A_1251, %add3A_1254], %broadcast_in_dim3A_0 : memref<96x8xf32, #tpu.memory_space<vmem>>[vector<16xi32>, vector<16xi32>], vector<16xf32>,
        %get3A_1255 = arith.constant 32 : index
        %get3A_1256 = tpu.vector_load %arg9[%get3A_1255] {strides = array<i32>} : memref<96xi32, #tpu.memory_space<vmem>>, vector<16xi32>,
        %add3A_1257 = arith.constant 32 : i32
        %add3A_1258 = vector.broadcast %add3A_1257 : i32 to vector<16xi32>
        %add3A_1259 = arith.addi %add3A_1258, %iota3A : vector<16xi32>
        %and3A_1260 = arith.constant 3 : i32
        %and3A_1261 = vector.broadcast %and3A_1260 : i32 to vector<16xi32>
        %and3A_1262 = arith.andi %get3A_1256, %and3A_1261 : vector<16xi32>
        %mul3A_1263 = arith.constant 2 : i32
        %mul3A_1264 = vector.broadcast %mul3A_1263 : i32 to vector<16xi32>
        %mul3A_1265 = arith.muli %and3A_1262, %mul3A_1264 : vector<16xi32>
        %add3A_1266 = arith.constant 0 : i32
        %add3A_1267 = vector.broadcast %add3A_1266 : i32 to vector<16xi32>
        %add3A_1268 = arith.addi %add3A_1267, %add3A_1259 : vector<16xi32>
        %add3A_1269 = arith.constant 0 : i32
        %add3A_1270 = vector.broadcast %add3A_1269 : i32 to vector<16xi32>
        %add3A_1271 = arith.addi %mul3A_1265, %add3A_1270 : vector<16xi32>
        tpu.vector_store_idx %arg14[%add3A_1268, %add3A_1271], %broadcast_in_dim3A_0 : memref<96x8xf32, #tpu.memory_space<vmem>>[vector<16xi32>, vector<16xi32>], vector<16xf32>,
        %add3A_1272 = arith.constant 0 : i32
        %add3A_1273 = vector.broadcast %add3A_1272 : i32 to vector<16xi32>
        %add3A_1274 = arith.addi %add3A_1273, %add3A_1259 : vector<16xi32>
        %add3A_1275 = arith.constant 1 : i32
        %add3A_1276 = vector.broadcast %add3A_1275 : i32 to vector<16xi32>
        %add3A_1277 = arith.addi %mul3A_1265, %add3A_1276 : vector<16xi32>
        tpu.vector_store_idx %arg14[%add3A_1274, %add3A_1277], %broadcast_in_dim3A_0 : memref<96x8xf32, #tpu.memory_space<vmem>>[vector<16xi32>, vector<16xi32>], vector<16xf32>,
        "tpu.region"() ({
          %run_scoped3A = tpu.sem_alloc : memref<!tpu.dma_semaphore, #tpu.memory_space<semaphore_mem>>
          %dma_start3A_1546 = arith.constant 0 : i32
          %dma_start3A_1547 = tpu.memref_slice %arg8[%dma_start3A_1546] : memref<96xi32, #tpu.memory_space<vmem>> -> memref<48xi32, #tpu.memory_space<vmem>>
          %dma_start3A_1548 = tpu.memref_slice %arg2[%add3A_1203] : memref<331776xi32, #tpu.memory_space<hbm>> -> memref<48xi32, #tpu.memory_space<hbm>>
          %dma_start3A_1549 = arith.constant 0 : i32
          %dma_start3A_1550 = tpu.memref_slice %arg8[%dma_start3A_1549] : memref<96xi32, #tpu.memory_space<vmem>> -> memref<48xi32, #tpu.memory_space<vmem>>
          %dma_start3A_1551 = tpu.memref_slice %arg2[%add3A_1203] : memref<331776xi32, #tpu.memory_space<hbm>> -> memref<48xi32, #tpu.memory_space<hbm>>
          tpu.enqueue_dma source(%dma_start3A_1551 : memref<48xi32, #tpu.memory_space<hbm>>) target(%dma_start3A_1550 : memref<48xi32, #tpu.memory_space<vmem>>) target_semaphore(%run_scoped3A : memref<!tpu.dma_semaphore, #tpu.memory_space<semaphore_mem>>)
          %dma_wait3A_1552 = arith.constant 0 : i32
          %dma_wait3A_1553 = tpu.memref_slice %arg8[%dma_wait3A_1552] : memref<96xi32, #tpu.memory_space<vmem>> -> memref<48xi32, #tpu.memory_space<vmem>>
          %dma_wait3A_1554 = tpu.memref_slice %arg2[%add3A_1203] : memref<331776xi32, #tpu.memory_space<hbm>> -> memref<48xi32, #tpu.memory_space<hbm>>
          %dma_wait3A_1555 = arith.constant 0 : i32
          %dma_wait3A_1556 = tpu.memref_slice %arg8[%dma_wait3A_1555] : memref<96xi32, #tpu.memory_space<vmem>> -> memref<48xi32, #tpu.memory_space<vmem>>
          %dma_wait3A_1557 = tpu.memref_slice %arg2[%add3A_1203] : memref<331776xi32, #tpu.memory_space<hbm>> -> memref<48xi32, #tpu.memory_space<hbm>>
          tpu.wait_dma2 semaphore(%run_scoped3A : memref<!tpu.dma_semaphore, #tpu.memory_space<semaphore_mem>>) src(%dma_wait3A_1557 : memref<48xi32, #tpu.memory_space<hbm>>) dst(%dma_wait3A_1556 : memref<48xi32, #tpu.memory_space<vmem>>)
          tpu.yield
        }) : () -> ()
        %get3A_1278 = arith.constant 0 : index
        %get3A_1279 = tpu.vector_load %arg8[%get3A_1278] {strides = array<i32>} : memref<96xi32, #tpu.memory_space<vmem>>, vector<16xi32>,
        %and3A_1280 = arith.constant 65535 : i32
        %and3A_1281 = vector.broadcast %and3A_1280 : i32 to vector<16xi32>
        %and3A_1282 = arith.andi %get3A_1279, %and3A_1281 : vector<16xi32>
        %shift_right_logical3A_1283 = arith.constant 16 : i32
        %shift_right_logical3A_1284 = vector.broadcast %shift_right_logical3A_1283 : i32 to vector<16xi32>
        %shift_right_logical3A_1285 = arith.shrui %get3A_1279, %shift_right_logical3A_1284 : vector<16xi32>
        %add3A_1286 = vector.broadcast %mul3A_459 : i32 to vector<16xi32>
        %add3A_1287 = arith.addi %and3A_1282, %add3A_1286 : vector<16xi32>
        %swap3A_1288 = arith.constant 0 : index
        %swap3A_1289 = tpu.vector_load %arg11[%swap3A_1288] {strides = array<i32>} : memref<96xi32, #tpu.memory_space<vmem>>, vector<16xi32>,
        tpu.vector_store %arg11[%swap3A_1288], %add3A_1287 {strides = array<i32>} : memref<96xi32, #tpu.memory_space<vmem>>, vector<16xi32>,
        %swap3A_1290 = arith.constant 0 : index
        %swap3A_1291 = tpu.vector_load %arg9[%swap3A_1290] {strides = array<i32>} : memref<96xi32, #tpu.memory_space<vmem>>, vector<16xi32>,
        tpu.vector_store %arg9[%swap3A_1290], %shift_right_logical3A_1285 {strides = array<i32>} : memref<96xi32, #tpu.memory_space<vmem>>, vector<16xi32>,
        %shift_right_logical3A_1292 = arith.constant 2 : i32
        %shift_right_logical3A_1293 = vector.broadcast %shift_right_logical3A_1292 : i32 to vector<16xi32>
        %shift_right_logical3A_1294 = arith.shrui %shift_right_logical3A_1285, %shift_right_logical3A_1293 : vector<16xi32>
        %swap3A_1295 = arith.constant 0 : index
        %swap3A_1296 = tpu.vector_load %arg10[%swap3A_1295] {strides = array<i32>} : memref<96xi32, #tpu.memory_space<vmem>>, vector<16xi32>,
        tpu.vector_store %arg10[%swap3A_1295], %shift_right_logical3A_1294 {strides = array<i32>} : memref<96xi32, #tpu.memory_space<vmem>>, vector<16xi32>,
        %add3A_1297 = arith.constant 0 : i32
        %add3A_1298 = arith.addi %add3A_1203, %add3A_1297 : i32
        %add3A_1299 = vector.broadcast %add3A_1298 : i32 to vector<16xi32>
        %add3A_1300 = arith.addi %add3A_1299, %iota3A : vector<16xi32>
        %lt3A_1301 = arith.constant 330000 : i32
        %lt3A_1302 = vector.broadcast %lt3A_1301 : i32 to vector<16xi32>
        %lt3A_1303 = arith.cmpi slt, %add3A_1300, %lt3A_1302 : vector<16xi32>
        %add3A_1304 = arith.constant 0 : i32
        %add3A_1305 = vector.broadcast %add3A_1304 : i32 to vector<16xi32>
        %add3A_1306 = arith.addi %add3A_1305, %iota3A : vector<16xi32>
        %and3A_1307 = arith.constant 3 : i32
        %and3A_1308 = vector.broadcast %and3A_1307 : i32 to vector<16xi32>
        %and3A_1309 = arith.andi %shift_right_logical3A_1285, %and3A_1308 : vector<16xi32>
        %mul3A_1310 = arith.constant 2 : i32
        %mul3A_1311 = vector.broadcast %mul3A_1310 : i32 to vector<16xi32>
        %mul3A_1312 = arith.muli %and3A_1309, %mul3A_1311 : vector<16xi32>
        %broadcast_in_dim3A_1313 = arith.constant 0 : i32
        %broadcast_in_dim3A_1314 = vector.broadcast %broadcast_in_dim3A_1313 : i32 to vector<16xi32>
        %gather3A_1315 = tpu.vector_load_idx %arg7[%and3A_1282, %broadcast_in_dim3A_1314] : memref<10000x4xf32, #tpu.memory_space<vmem>>[vector<16xi32>, vector<16xi32>], vector<16xf32>,
        %broadcast_in_dim3A_1316 = arith.constant 2 : i32
        %broadcast_in_dim3A_1317 = vector.broadcast %broadcast_in_dim3A_1316 : i32 to vector<16xi32>
        %gather3A_1318 = tpu.vector_load_idx %arg7[%shift_right_logical3A_1285, %broadcast_in_dim3A_1317] : memref<10000x4xf32, #tpu.memory_space<vmem>>[vector<16xi32>, vector<16xi32>], vector<16xf32>,
        %add3A_1319 = arith.addf %gather3A_1315, %gather3A_1318 : vector<16xf32>
        %mul3A_1320 = arith.constant 2.000000e-01 : f32
        %mul3A_1321 = vector.broadcast %mul3A_1320 : f32 to vector<16xf32>
        %mul3A_1322 = arith.mulf %mul3A_1321, %add3A_1319 : vector<16xf32>
        %max3A_1323 = arith.maximumf %add3A_1319, %mul3A_1322 : vector<16xf32>
        %exp3A_1324 = math.exp %max3A_1323 : vector<16xf32>
        %jit3A_1325 = arith.constant 0.000000e+00 : f32
        %broadcast_in_dim3A_1326 = vector.broadcast %jit3A_1325 : f32 to vector<16xf32>
        %select_n3A_1327 = arith.select %lt3A_1303, %exp3A_1324, %broadcast_in_dim3A_1326 : vector<16xi1>, vector<16xf32>
        %swap3A_1328 = arith.constant 0 : i32
        %swap3A_1329 = arith.index_cast %swap3A_1328 : i32 to index
        %swap3A_1330 = arith.constant 0 : index
        %swap3A_1331 = tpu.vector_load %arg15[%swap3A_1329, %swap3A_1330] {strides = array<i32>} : memref<2x64xf32, #tpu.memory_space<vmem>>, vector<16xf32>,
        tpu.vector_store %arg15[%swap3A_1329, %swap3A_1330], %select_n3A_1327 {strides = array<i32>} : memref<2x64xf32, #tpu.memory_space<vmem>>, vector<16xf32>,
        %add3A_1332 = arith.constant 0 : i32
        %add3A_1333 = vector.broadcast %add3A_1332 : i32 to vector<16xi32>
        %add3A_1334 = arith.addi %add3A_1333, %add3A_1306 : vector<16xi32>
        %add3A_1335 = arith.constant 0 : i32
        %add3A_1336 = vector.broadcast %add3A_1335 : i32 to vector<16xi32>
        %add3A_1337 = arith.addi %mul3A_1312, %add3A_1336 : vector<16xi32>
        tpu.vector_store_idx %arg14[%add3A_1334, %add3A_1337], %select_n3A_1327 : memref<96x8xf32, #tpu.memory_space<vmem>>[vector<16xi32>, vector<16xi32>], vector<16xf32>,
        %broadcast_in_dim3A_1338 = arith.constant 1 : i32
        %broadcast_in_dim3A_1339 = vector.broadcast %broadcast_in_dim3A_1338 : i32 to vector<16xi32>
        %gather3A_1340 = tpu.vector_load_idx %arg7[%and3A_1282, %broadcast_in_dim3A_1339] : memref<10000x4xf32, #tpu.memory_space<vmem>>[vector<16xi32>, vector<16xi32>], vector<16xf32>,
        %broadcast_in_dim3A_1341 = arith.constant 3 : i32
        %broadcast_in_dim3A_1342 = vector.broadcast %broadcast_in_dim3A_1341 : i32 to vector<16xi32>
        %gather3A_1343 = tpu.vector_load_idx %arg7[%shift_right_logical3A_1285, %broadcast_in_dim3A_1342] : memref<10000x4xf32, #tpu.memory_space<vmem>>[vector<16xi32>, vector<16xi32>], vector<16xf32>,
        %add3A_1344 = arith.addf %gather3A_1340, %gather3A_1343 : vector<16xf32>
        %mul3A_1345 = arith.constant 2.000000e-01 : f32
        %mul3A_1346 = vector.broadcast %mul3A_1345 : f32 to vector<16xf32>
        %mul3A_1347 = arith.mulf %mul3A_1346, %add3A_1344 : vector<16xf32>
        %max3A_1348 = arith.maximumf %add3A_1344, %mul3A_1347 : vector<16xf32>
        %exp3A_1349 = math.exp %max3A_1348 : vector<16xf32>
        %jit3A_1350 = arith.constant 0.000000e+00 : f32
        %broadcast_in_dim3A_1351 = vector.broadcast %jit3A_1350 : f32 to vector<16xf32>
        %select_n3A_1352 = arith.select %lt3A_1303, %exp3A_1349, %broadcast_in_dim3A_1351 : vector<16xi1>, vector<16xf32>
        %swap3A_1353 = arith.constant 1 : i32
        %swap3A_1354 = arith.index_cast %swap3A_1353 : i32 to index
        %swap3A_1355 = arith.constant 0 : index
        %swap3A_1356 = tpu.vector_load %arg15[%swap3A_1354, %swap3A_1355] {strides = array<i32>} : memref<2x64xf32, #tpu.memory_space<vmem>>, vector<16xf32>,
        tpu.vector_store %arg15[%swap3A_1354, %swap3A_1355], %select_n3A_1352 {strides = array<i32>} : memref<2x64xf32, #tpu.memory_space<vmem>>, vector<16xf32>,
        %add3A_1357 = arith.constant 0 : i32
        %add3A_1358 = vector.broadcast %add3A_1357 : i32 to vector<16xi32>
        %add3A_1359 = arith.addi %add3A_1358, %add3A_1306 : vector<16xi32>
        %add3A_1360 = arith.constant 1 : i32
        %add3A_1361 = vector.broadcast %add3A_1360 : i32 to vector<16xi32>
        %add3A_1362 = arith.addi %mul3A_1312, %add3A_1361 : vector<16xi32>
        tpu.vector_store_idx %arg14[%add3A_1359, %add3A_1362], %select_n3A_1352 : memref<96x8xf32, #tpu.memory_space<vmem>>[vector<16xi32>, vector<16xi32>], vector<16xf32>,
        %get3A_1363 = arith.constant 16 : index
        %get3A_1364 = tpu.vector_load %arg8[%get3A_1363] {strides = array<i32>} : memref<96xi32, #tpu.memory_space<vmem>>, vector<16xi32>,
        %and3A_1365 = arith.constant 65535 : i32
        %and3A_1366 = vector.broadcast %and3A_1365 : i32 to vector<16xi32>
        %and3A_1367 = arith.andi %get3A_1364, %and3A_1366 : vector<16xi32>
        %shift_right_logical3A_1368 = arith.constant 16 : i32
        %shift_right_logical3A_1369 = vector.broadcast %shift_right_logical3A_1368 : i32 to vector<16xi32>
        %shift_right_logical3A_1370 = arith.shrui %get3A_1364, %shift_right_logical3A_1369 : vector<16xi32>
        %add3A_1371 = vector.broadcast %mul3A_459 : i32 to vector<16xi32>
        %add3A_1372 = arith.addi %and3A_1367, %add3A_1371 : vector<16xi32>
        %swap3A_1373 = arith.constant 16 : index
        %swap3A_1374 = tpu.vector_load %arg11[%swap3A_1373] {strides = array<i32>} : memref<96xi32, #tpu.memory_space<vmem>>, vector<16xi32>,
        tpu.vector_store %arg11[%swap3A_1373], %add3A_1372 {strides = array<i32>} : memref<96xi32, #tpu.memory_space<vmem>>, vector<16xi32>,
        %swap3A_1375 = arith.constant 16 : index
        %swap3A_1376 = tpu.vector_load %arg9[%swap3A_1375] {strides = array<i32>} : memref<96xi32, #tpu.memory_space<vmem>>, vector<16xi32>,
        tpu.vector_store %arg9[%swap3A_1375], %shift_right_logical3A_1370 {strides = array<i32>} : memref<96xi32, #tpu.memory_space<vmem>>, vector<16xi32>,
        %shift_right_logical3A_1377 = arith.constant 2 : i32
        %shift_right_logical3A_1378 = vector.broadcast %shift_right_logical3A_1377 : i32 to vector<16xi32>
        %shift_right_logical3A_1379 = arith.shrui %shift_right_logical3A_1370, %shift_right_logical3A_1378 : vector<16xi32>
        %swap3A_1380 = arith.constant 16 : index
        %swap3A_1381 = tpu.vector_load %arg10[%swap3A_1380] {strides = array<i32>} : memref<96xi32, #tpu.memory_space<vmem>>, vector<16xi32>,
        tpu.vector_store %arg10[%swap3A_1380], %shift_right_logical3A_1379 {strides = array<i32>} : memref<96xi32, #tpu.memory_space<vmem>>, vector<16xi32>,
        %add3A_1382 = arith.constant 16 : i32
        %add3A_1383 = arith.addi %add3A_1203, %add3A_1382 : i32
        %add3A_1384 = vector.broadcast %add3A_1383 : i32 to vector<16xi32>
        %add3A_1385 = arith.addi %add3A_1384, %iota3A : vector<16xi32>
        %lt3A_1386 = arith.constant 330000 : i32
        %lt3A_1387 = vector.broadcast %lt3A_1386 : i32 to vector<16xi32>
        %lt3A_1388 = arith.cmpi slt, %add3A_1385, %lt3A_1387 : vector<16xi32>
        %add3A_1389 = arith.constant 16 : i32
        %add3A_1390 = vector.broadcast %add3A_1389 : i32 to vector<16xi32>
        %add3A_1391 = arith.addi %add3A_1390, %iota3A : vector<16xi32>
        %and3A_1392 = arith.constant 3 : i32
        %and3A_1393 = vector.broadcast %and3A_1392 : i32 to vector<16xi32>
        %and3A_1394 = arith.andi %shift_right_logical3A_1370, %and3A_1393 : vector<16xi32>
        %mul3A_1395 = arith.constant 2 : i32
        %mul3A_1396 = vector.broadcast %mul3A_1395 : i32 to vector<16xi32>
        %mul3A_1397 = arith.muli %and3A_1394, %mul3A_1396 : vector<16xi32>
        %broadcast_in_dim3A_1398 = arith.constant 0 : i32
        %broadcast_in_dim3A_1399 = vector.broadcast %broadcast_in_dim3A_1398 : i32 to vector<16xi32>
        %gather3A_1400 = tpu.vector_load_idx %arg7[%and3A_1367, %broadcast_in_dim3A_1399] : memref<10000x4xf32, #tpu.memory_space<vmem>>[vector<16xi32>, vector<16xi32>], vector<16xf32>,
        %broadcast_in_dim3A_1401 = arith.constant 2 : i32
        %broadcast_in_dim3A_1402 = vector.broadcast %broadcast_in_dim3A_1401 : i32 to vector<16xi32>
        %gather3A_1403 = tpu.vector_load_idx %arg7[%shift_right_logical3A_1370, %broadcast_in_dim3A_1402] : memref<10000x4xf32, #tpu.memory_space<vmem>>[vector<16xi32>, vector<16xi32>], vector<16xf32>,
        %add3A_1404 = arith.addf %gather3A_1400, %gather3A_1403 : vector<16xf32>
        %mul3A_1405 = arith.constant 2.000000e-01 : f32
        %mul3A_1406 = vector.broadcast %mul3A_1405 : f32 to vector<16xf32>
        %mul3A_1407 = arith.mulf %mul3A_1406, %add3A_1404 : vector<16xf32>
        %max3A_1408 = arith.maximumf %add3A_1404, %mul3A_1407 : vector<16xf32>
        %exp3A_1409 = math.exp %max3A_1408 : vector<16xf32>
        %jit3A_1410 = arith.constant 0.000000e+00 : f32
        %broadcast_in_dim3A_1411 = vector.broadcast %jit3A_1410 : f32 to vector<16xf32>
        %select_n3A_1412 = arith.select %lt3A_1388, %exp3A_1409, %broadcast_in_dim3A_1411 : vector<16xi1>, vector<16xf32>
        %swap3A_1413 = arith.constant 0 : i32
        %swap3A_1414 = arith.index_cast %swap3A_1413 : i32 to index
        %swap3A_1415 = arith.constant 16 : index
        %swap3A_1416 = tpu.vector_load %arg15[%swap3A_1414, %swap3A_1415] {strides = array<i32>} : memref<2x64xf32, #tpu.memory_space<vmem>>, vector<16xf32>,
        tpu.vector_store %arg15[%swap3A_1414, %swap3A_1415], %select_n3A_1412 {strides = array<i32>} : memref<2x64xf32, #tpu.memory_space<vmem>>, vector<16xf32>,
        %add3A_1417 = arith.constant 0 : i32
        %add3A_1418 = vector.broadcast %add3A_1417 : i32 to vector<16xi32>
        %add3A_1419 = arith.addi %add3A_1418, %add3A_1391 : vector<16xi32>
        %add3A_1420 = arith.constant 0 : i32
        %add3A_1421 = vector.broadcast %add3A_1420 : i32 to vector<16xi32>
        %add3A_1422 = arith.addi %mul3A_1397, %add3A_1421 : vector<16xi32>
        tpu.vector_store_idx %arg14[%add3A_1419, %add3A_1422], %select_n3A_1412 : memref<96x8xf32, #tpu.memory_space<vmem>>[vector<16xi32>, vector<16xi32>], vector<16xf32>,
        %broadcast_in_dim3A_1423 = arith.constant 1 : i32
        %broadcast_in_dim3A_1424 = vector.broadcast %broadcast_in_dim3A_1423 : i32 to vector<16xi32>
        %gather3A_1425 = tpu.vector_load_idx %arg7[%and3A_1367, %broadcast_in_dim3A_1424] : memref<10000x4xf32, #tpu.memory_space<vmem>>[vector<16xi32>, vector<16xi32>], vector<16xf32>,
        %broadcast_in_dim3A_1426 = arith.constant 3 : i32
        %broadcast_in_dim3A_1427 = vector.broadcast %broadcast_in_dim3A_1426 : i32 to vector<16xi32>
        %gather3A_1428 = tpu.vector_load_idx %arg7[%shift_right_logical3A_1370, %broadcast_in_dim3A_1427] : memref<10000x4xf32, #tpu.memory_space<vmem>>[vector<16xi32>, vector<16xi32>], vector<16xf32>,
        %add3A_1429 = arith.addf %gather3A_1425, %gather3A_1428 : vector<16xf32>
        %mul3A_1430 = arith.constant 2.000000e-01 : f32
        %mul3A_1431 = vector.broadcast %mul3A_1430 : f32 to vector<16xf32>
        %mul3A_1432 = arith.mulf %mul3A_1431, %add3A_1429 : vector<16xf32>
        %max3A_1433 = arith.maximumf %add3A_1429, %mul3A_1432 : vector<16xf32>
        %exp3A_1434 = math.exp %max3A_1433 : vector<16xf32>
        %jit3A_1435 = arith.constant 0.000000e+00 : f32
        %broadcast_in_dim3A_1436 = vector.broadcast %jit3A_1435 : f32 to vector<16xf32>
        %select_n3A_1437 = arith.select %lt3A_1388, %exp3A_1434, %broadcast_in_dim3A_1436 : vector<16xi1>, vector<16xf32>
        %swap3A_1438 = arith.constant 1 : i32
        %swap3A_1439 = arith.index_cast %swap3A_1438 : i32 to index
        %swap3A_1440 = arith.constant 16 : index
        %swap3A_1441 = tpu.vector_load %arg15[%swap3A_1439, %swap3A_1440] {strides = array<i32>} : memref<2x64xf32, #tpu.memory_space<vmem>>, vector<16xf32>,
        tpu.vector_store %arg15[%swap3A_1439, %swap3A_1440], %select_n3A_1437 {strides = array<i32>} : memref<2x64xf32, #tpu.memory_space<vmem>>, vector<16xf32>,
        %add3A_1442 = arith.constant 0 : i32
        %add3A_1443 = vector.broadcast %add3A_1442 : i32 to vector<16xi32>
        %add3A_1444 = arith.addi %add3A_1443, %add3A_1391 : vector<16xi32>
        %add3A_1445 = arith.constant 1 : i32
        %add3A_1446 = vector.broadcast %add3A_1445 : i32 to vector<16xi32>
        %add3A_1447 = arith.addi %mul3A_1397, %add3A_1446 : vector<16xi32>
        tpu.vector_store_idx %arg14[%add3A_1444, %add3A_1447], %select_n3A_1437 : memref<96x8xf32, #tpu.memory_space<vmem>>[vector<16xi32>, vector<16xi32>], vector<16xf32>,
        %get3A_1448 = arith.constant 32 : index
        %get3A_1449 = tpu.vector_load %arg8[%get3A_1448] {strides = array<i32>} : memref<96xi32, #tpu.memory_space<vmem>>, vector<16xi32>,
        %and3A_1450 = arith.constant 65535 : i32
        %and3A_1451 = vector.broadcast %and3A_1450 : i32 to vector<16xi32>
        %and3A_1452 = arith.andi %get3A_1449, %and3A_1451 : vector<16xi32>
        %shift_right_logical3A_1453 = arith.constant 16 : i32
        %shift_right_logical3A_1454 = vector.broadcast %shift_right_logical3A_1453 : i32 to vector<16xi32>
        %shift_right_logical3A_1455 = arith.shrui %get3A_1449, %shift_right_logical3A_1454 : vector<16xi32>
        %add3A_1456 = vector.broadcast %mul3A_459 : i32 to vector<16xi32>
        %add3A_1457 = arith.addi %and3A_1452, %add3A_1456 : vector<16xi32>
        %swap3A_1458 = arith.constant 32 : index
        %swap3A_1459 = tpu.vector_load %arg11[%swap3A_1458] {strides = array<i32>} : memref<96xi32, #tpu.memory_space<vmem>>, vector<16xi32>,
        tpu.vector_store %arg11[%swap3A_1458], %add3A_1457 {strides = array<i32>} : memref<96xi32, #tpu.memory_space<vmem>>, vector<16xi32>,
        %swap3A_1460 = arith.constant 32 : index
        %swap3A_1461 = tpu.vector_load %arg9[%swap3A_1460] {strides = array<i32>} : memref<96xi32, #tpu.memory_space<vmem>>, vector<16xi32>,
        tpu.vector_store %arg9[%swap3A_1460], %shift_right_logical3A_1455 {strides = array<i32>} : memref<96xi32, #tpu.memory_space<vmem>>, vector<16xi32>,
        %shift_right_logical3A_1462 = arith.constant 2 : i32
        %shift_right_logical3A_1463 = vector.broadcast %shift_right_logical3A_1462 : i32 to vector<16xi32>
        %shift_right_logical3A_1464 = arith.shrui %shift_right_logical3A_1455, %shift_right_logical3A_1463 : vector<16xi32>
        %swap3A_1465 = arith.constant 32 : index
        %swap3A_1466 = tpu.vector_load %arg10[%swap3A_1465] {strides = array<i32>} : memref<96xi32, #tpu.memory_space<vmem>>, vector<16xi32>,
        tpu.vector_store %arg10[%swap3A_1465], %shift_right_logical3A_1464 {strides = array<i32>} : memref<96xi32, #tpu.memory_space<vmem>>, vector<16xi32>,
        %add3A_1467 = arith.constant 32 : i32
        %add3A_1468 = arith.addi %add3A_1203, %add3A_1467 : i32
        %add3A_1469 = vector.broadcast %add3A_1468 : i32 to vector<16xi32>
        %add3A_1470 = arith.addi %add3A_1469, %iota3A : vector<16xi32>
        %lt3A_1471 = arith.constant 330000 : i32
        %lt3A_1472 = vector.broadcast %lt3A_1471 : i32 to vector<16xi32>
        %lt3A_1473 = arith.cmpi slt, %add3A_1470, %lt3A_1472 : vector<16xi32>
        %add3A_1474 = arith.constant 32 : i32
        %add3A_1475 = vector.broadcast %add3A_1474 : i32 to vector<16xi32>
        %add3A_1476 = arith.addi %add3A_1475, %iota3A : vector<16xi32>
        %and3A_1477 = arith.constant 3 : i32
        %and3A_1478 = vector.broadcast %and3A_1477 : i32 to vector<16xi32>
        %and3A_1479 = arith.andi %shift_right_logical3A_1455, %and3A_1478 : vector<16xi32>
        %mul3A_1480 = arith.constant 2 : i32
        %mul3A_1481 = vector.broadcast %mul3A_1480 : i32 to vector<16xi32>
        %mul3A_1482 = arith.muli %and3A_1479, %mul3A_1481 : vector<16xi32>
        %broadcast_in_dim3A_1483 = arith.constant 0 : i32
        %broadcast_in_dim3A_1484 = vector.broadcast %broadcast_in_dim3A_1483 : i32 to vector<16xi32>
        %gather3A_1485 = tpu.vector_load_idx %arg7[%and3A_1452, %broadcast_in_dim3A_1484] : memref<10000x4xf32, #tpu.memory_space<vmem>>[vector<16xi32>, vector<16xi32>], vector<16xf32>,
        %broadcast_in_dim3A_1486 = arith.constant 2 : i32
        %broadcast_in_dim3A_1487 = vector.broadcast %broadcast_in_dim3A_1486 : i32 to vector<16xi32>
        %gather3A_1488 = tpu.vector_load_idx %arg7[%shift_right_logical3A_1455, %broadcast_in_dim3A_1487] : memref<10000x4xf32, #tpu.memory_space<vmem>>[vector<16xi32>, vector<16xi32>], vector<16xf32>,
        %add3A_1489 = arith.addf %gather3A_1485, %gather3A_1488 : vector<16xf32>
        %mul3A_1490 = arith.constant 2.000000e-01 : f32
        %mul3A_1491 = vector.broadcast %mul3A_1490 : f32 to vector<16xf32>
        %mul3A_1492 = arith.mulf %mul3A_1491, %add3A_1489 : vector<16xf32>
        %max3A_1493 = arith.maximumf %add3A_1489, %mul3A_1492 : vector<16xf32>
        %exp3A_1494 = math.exp %max3A_1493 : vector<16xf32>
        %jit3A_1495 = arith.constant 0.000000e+00 : f32
        %broadcast_in_dim3A_1496 = vector.broadcast %jit3A_1495 : f32 to vector<16xf32>
        %select_n3A_1497 = arith.select %lt3A_1473, %exp3A_1494, %broadcast_in_dim3A_1496 : vector<16xi1>, vector<16xf32>
        %swap3A_1498 = arith.constant 0 : i32
        %swap3A_1499 = arith.index_cast %swap3A_1498 : i32 to index
        %swap3A_1500 = arith.constant 32 : index
        %swap3A_1501 = tpu.vector_load %arg15[%swap3A_1499, %swap3A_1500] {strides = array<i32>} : memref<2x64xf32, #tpu.memory_space<vmem>>, vector<16xf32>,
        tpu.vector_store %arg15[%swap3A_1499, %swap3A_1500], %select_n3A_1497 {strides = array<i32>} : memref<2x64xf32, #tpu.memory_space<vmem>>, vector<16xf32>,
        %add3A_1502 = arith.constant 0 : i32
        %add3A_1503 = vector.broadcast %add3A_1502 : i32 to vector<16xi32>
        %add3A_1504 = arith.addi %add3A_1503, %add3A_1476 : vector<16xi32>
        %add3A_1505 = arith.constant 0 : i32
        %add3A_1506 = vector.broadcast %add3A_1505 : i32 to vector<16xi32>
        %add3A_1507 = arith.addi %mul3A_1482, %add3A_1506 : vector<16xi32>
        tpu.vector_store_idx %arg14[%add3A_1504, %add3A_1507], %select_n3A_1497 : memref<96x8xf32, #tpu.memory_space<vmem>>[vector<16xi32>, vector<16xi32>], vector<16xf32>,
        %broadcast_in_dim3A_1508 = arith.constant 1 : i32
        %broadcast_in_dim3A_1509 = vector.broadcast %broadcast_in_dim3A_1508 : i32 to vector<16xi32>
        %gather3A_1510 = tpu.vector_load_idx %arg7[%and3A_1452, %broadcast_in_dim3A_1509] : memref<10000x4xf32, #tpu.memory_space<vmem>>[vector<16xi32>, vector<16xi32>], vector<16xf32>,
        %broadcast_in_dim3A_1511 = arith.constant 3 : i32
        %broadcast_in_dim3A_1512 = vector.broadcast %broadcast_in_dim3A_1511 : i32 to vector<16xi32>
        %gather3A_1513 = tpu.vector_load_idx %arg7[%shift_right_logical3A_1455, %broadcast_in_dim3A_1512] : memref<10000x4xf32, #tpu.memory_space<vmem>>[vector<16xi32>, vector<16xi32>], vector<16xf32>,
        %add3A_1514 = arith.addf %gather3A_1510, %gather3A_1513 : vector<16xf32>
        %mul3A_1515 = arith.constant 2.000000e-01 : f32
        %mul3A_1516 = vector.broadcast %mul3A_1515 : f32 to vector<16xf32>
        %mul3A_1517 = arith.mulf %mul3A_1516, %add3A_1514 : vector<16xf32>
        %max3A_1518 = arith.maximumf %add3A_1514, %mul3A_1517 : vector<16xf32>
        %exp3A_1519 = math.exp %max3A_1518 : vector<16xf32>
        %jit3A_1520 = arith.constant 0.000000e+00 : f32
        %broadcast_in_dim3A_1521 = vector.broadcast %jit3A_1520 : f32 to vector<16xf32>
        %select_n3A_1522 = arith.select %lt3A_1473, %exp3A_1519, %broadcast_in_dim3A_1521 : vector<16xi1>, vector<16xf32>
        %swap3A_1523 = arith.constant 1 : i32
        %swap3A_1524 = arith.index_cast %swap3A_1523 : i32 to index
        %swap3A_1525 = arith.constant 32 : index
        %swap3A_1526 = tpu.vector_load %arg15[%swap3A_1524, %swap3A_1525] {strides = array<i32>} : memref<2x64xf32, #tpu.memory_space<vmem>>, vector<16xf32>,
        tpu.vector_store %arg15[%swap3A_1524, %swap3A_1525], %select_n3A_1522 {strides = array<i32>} : memref<2x64xf32, #tpu.memory_space<vmem>>, vector<16xf32>,
        %add3A_1527 = arith.constant 0 : i32
        %add3A_1528 = vector.broadcast %add3A_1527 : i32 to vector<16xi32>
        %add3A_1529 = arith.addi %add3A_1528, %add3A_1476 : vector<16xi32>
        %add3A_1530 = arith.constant 1 : i32
        %add3A_1531 = vector.broadcast %add3A_1530 : i32 to vector<16xi32>
        %add3A_1532 = arith.addi %mul3A_1482, %add3A_1531 : vector<16xi32>
        tpu.vector_store_idx %arg14[%add3A_1529, %add3A_1532], %select_n3A_1522 : memref<96x8xf32, #tpu.memory_space<vmem>>[vector<16xi32>, vector<16xi32>], vector<16xf32>,
        %dma_start3A_1533 = arith.constant 0 : i32
        %dma_start3A_1534 = tpu.memref_slice %arg11[%dma_start3A_1533] : memref<96xi32, #tpu.memory_space<vmem>> -> memref<48xi32, #tpu.memory_space<vmem>>
        %dma_start3A_1535 = arith.constant 0 : i32
        %dma_start3A_1536 = arith.constant 0 : i32
        %dma_start3A_1537 = tpu.memref_slice %arg3[%dma_start3A_1535, %dma_start3A_1536] : memref<20000x64xf32, #tpu.memory_space<hbm>> -> memref<20000x64xf32, #tpu.memory_space<hbm>>
        tpu.enqueue_indirect_dma source(%dma_start3A_1537 : memref<20000x64xf32, #tpu.memory_space<hbm>>) target(%arg12 : memref<48x64xf32, #tpu.memory_space<vmem>>) offsets(%dma_start3A_1534 : memref<48xi32, #tpu.memory_space<vmem>>) semaphore(%arg19 : memref<!tpu.dma_semaphore, #tpu.memory_space<semaphore_mem>>)
        %dma_start3A_1538 = arith.constant 0 : i32
        %dma_start3A_1539 = arith.constant 0 : i32
        %dma_start3A_1540 = tpu.memref_slice %arg14[%dma_start3A_1538, %dma_start3A_1539] : memref<96x8xf32, #tpu.memory_space<vmem>> -> memref<48x8xf32, #tpu.memory_space<vmem>>
        %dma_start3A_1541 = arith.constant 0 : i32
        %dma_start3A_1542 = tpu.memref_slice %arg10[%dma_start3A_1541] : memref<96xi32, #tpu.memory_space<vmem>> -> memref<48xi32, #tpu.memory_space<vmem>>
        %dma_start3A_1543 = arith.constant 0 : i32
        %dma_start3A_1544 = arith.constant 0 : i32
        %dma_start3A_1545 = tpu.memref_slice %arg18[%dma_start3A_1543, %dma_start3A_1544] : memref<2504x8xf32, #tpu.memory_space<vmem_shared>> -> memref<2504x8xf32, #tpu.memory_space<vmem_shared>>
        tpu.enqueue_indirect_dma source(%dma_start3A_1540 : memref<48x8xf32, #tpu.memory_space<vmem>>) target(%dma_start3A_1545 : memref<2504x8xf32, #tpu.memory_space<vmem_shared>>) offsets(%dma_start3A_1542 : memref<48xi32, #tpu.memory_space<vmem>>) semaphore(%arg21 : memref<!tpu.dma_semaphore, #tpu.memory_space<semaphore_mem>>) {add = true}
      } else {
      }
      %dma_wait3A_1188 = arith.constant 48 : i32
      %dma_wait3A_1189 = tpu.memref_slice %arg11[%dma_wait3A_1188] : memref<96xi32, #tpu.memory_space<vmem>> -> memref<48xi32, #tpu.memory_space<vmem>>
      %dma_wait3A_1190 = arith.constant 0 : i32
      %dma_wait3A_1191 = arith.constant 0 : i32
      %dma_wait3A_1192 = tpu.memref_slice %arg3[%dma_wait3A_1190, %dma_wait3A_1191] : memref<20000x64xf32, #tpu.memory_space<hbm>> -> memref<20000x64xf32, #tpu.memory_space<hbm>>
      tpu.wait_indirect_dma semaphore(%arg20 : memref<!tpu.dma_semaphore, #tpu.memory_space<semaphore_mem>>) src(%dma_wait3A_1192 : memref<20000x64xf32, #tpu.memory_space<hbm>>) dst(%arg13 : memref<48x64xf32, #tpu.memory_space<vmem>>)
      %parallel_loop3A_1193 = arith.constant 0 : i32
      %parallel_loop3A_1194 = arith.constant 48 : i32
      %parallel_loop3A_1195 = arith.constant 1 : i32
      scf.for %parallel_loop3A_1197 = %parallel_loop3A_1193 to %parallel_loop3A_1194 step %parallel_loop3A_1195  : i32 {
        %parallel_loop3A_1198 = arith.constant 0 : i32
        %parallel_loop3A_1199 = arith.index_cast %parallel_loop3A_1198 : i32 to index
        %parallel_loop3A_1200 = arith.index_cast %parallel_loop3A_1197 : i32 to index
        %parallel_loop3A_1201 = tpu.vector_load %arg16[%parallel_loop3A_1199, %parallel_loop3A_1200] {strides = array<i32>} : memref<2x64xf32, #tpu.memory_space<vmem>>, vector<16xf32>,
        %parallel_loop3A_1202 = vector.extract_strided_slice %parallel_loop3A_1201 {offsets = [0], sizes = [1], strides = [1]} : vector<16xf32> to vector<1xf32>
        %parallel_loop3A_1203 = vector.extract %parallel_loop3A_1202[0] : f32 from vector<1xf32>
        %parallel_loop3A_1204 = vector.broadcast %parallel_loop3A_1203 : f32 to vector<16xf32>
        %parallel_loop3A_1205 = arith.index_cast %parallel_loop3A_1197 : i32 to index
        %parallel_loop3A_1206 = arith.constant 0 : index
        %parallel_loop3A_1207 = tpu.vector_load %arg13[%parallel_loop3A_1205, %parallel_loop3A_1206] {strides = array<i32>} : memref<48x64xf32, #tpu.memory_space<vmem>>, vector<16xf32>,
        %parallel_loop3A_1208 = arith.mulf %parallel_loop3A_1207, %parallel_loop3A_1204 : vector<16xf32>
        %parallel_loop3A_1209 = arith.index_cast %parallel_loop3A_1197 : i32 to index
        %parallel_loop3A_1210 = arith.constant 0 : index
        %parallel_loop3A_1211 = tpu.vector_load %arg13[%parallel_loop3A_1209, %parallel_loop3A_1210] {strides = array<i32>} : memref<48x64xf32, #tpu.memory_space<vmem>>, vector<16xf32>,
        tpu.vector_store %arg13[%parallel_loop3A_1209, %parallel_loop3A_1210], %parallel_loop3A_1208 {strides = array<i32>} : memref<48x64xf32, #tpu.memory_space<vmem>>, vector<16xf32>,
        %parallel_loop3A_1212 = arith.index_cast %parallel_loop3A_1197 : i32 to index
        %parallel_loop3A_1213 = arith.constant 16 : index
        %parallel_loop3A_1214 = tpu.vector_load %arg13[%parallel_loop3A_1212, %parallel_loop3A_1213] {strides = array<i32>} : memref<48x64xf32, #tpu.memory_space<vmem>>, vector<16xf32>,
        %parallel_loop3A_1215 = arith.mulf %parallel_loop3A_1214, %parallel_loop3A_1204 : vector<16xf32>
        %parallel_loop3A_1216 = arith.index_cast %parallel_loop3A_1197 : i32 to index
        %parallel_loop3A_1217 = arith.constant 16 : index
        %parallel_loop3A_1218 = tpu.vector_load %arg13[%parallel_loop3A_1216, %parallel_loop3A_1217] {strides = array<i32>} : memref<48x64xf32, #tpu.memory_space<vmem>>, vector<16xf32>,
        tpu.vector_store %arg13[%parallel_loop3A_1216, %parallel_loop3A_1217], %parallel_loop3A_1215 {strides = array<i32>} : memref<48x64xf32, #tpu.memory_space<vmem>>, vector<16xf32>,
        %parallel_loop3A_1219 = arith.constant 1 : i32
        %parallel_loop3A_1220 = arith.index_cast %parallel_loop3A_1219 : i32 to index
        %parallel_loop3A_1221 = arith.index_cast %parallel_loop3A_1197 : i32 to index
        %parallel_loop3A_1222 = tpu.vector_load %arg16[%parallel_loop3A_1220, %parallel_loop3A_1221] {strides = array<i32>} : memref<2x64xf32, #tpu.memory_space<vmem>>, vector<16xf32>,
        %parallel_loop3A_1223 = vector.extract_strided_slice %parallel_loop3A_1222 {offsets = [0], sizes = [1], strides = [1]} : vector<16xf32> to vector<1xf32>
        %parallel_loop3A_1224 = vector.extract %parallel_loop3A_1223[0] : f32 from vector<1xf32>
        %parallel_loop3A_1225 = vector.broadcast %parallel_loop3A_1224 : f32 to vector<16xf32>
        %parallel_loop3A_1226 = arith.index_cast %parallel_loop3A_1197 : i32 to index
        %parallel_loop3A_1227 = arith.constant 32 : index
        %parallel_loop3A_1228 = tpu.vector_load %arg13[%parallel_loop3A_1226, %parallel_loop3A_1227] {strides = array<i32>} : memref<48x64xf32, #tpu.memory_space<vmem>>, vector<16xf32>,
        %parallel_loop3A_1229 = arith.mulf %parallel_loop3A_1228, %parallel_loop3A_1225 : vector<16xf32>
        %parallel_loop3A_1230 = arith.index_cast %parallel_loop3A_1197 : i32 to index
        %parallel_loop3A_1231 = arith.constant 32 : index
        %parallel_loop3A_1232 = tpu.vector_load %arg13[%parallel_loop3A_1230, %parallel_loop3A_1231] {strides = array<i32>} : memref<48x64xf32, #tpu.memory_space<vmem>>, vector<16xf32>,
        tpu.vector_store %arg13[%parallel_loop3A_1230, %parallel_loop3A_1231], %parallel_loop3A_1229 {strides = array<i32>} : memref<48x64xf32, #tpu.memory_space<vmem>>, vector<16xf32>,
        %parallel_loop3A_1233 = arith.index_cast %parallel_loop3A_1197 : i32 to index
        %parallel_loop3A_1234 = arith.constant 48 : index
        %parallel_loop3A_1235 = tpu.vector_load %arg13[%parallel_loop3A_1233, %parallel_loop3A_1234] {strides = array<i32>} : memref<48x64xf32, #tpu.memory_space<vmem>>, vector<16xf32>,
        %parallel_loop3A_1236 = arith.mulf %parallel_loop3A_1235, %parallel_loop3A_1225 : vector<16xf32>
        %parallel_loop3A_1237 = arith.index_cast %parallel_loop3A_1197 : i32 to index
        %parallel_loop3A_1238 = arith.constant 48 : index
        %parallel_loop3A_1239 = tpu.vector_load %arg13[%parallel_loop3A_1237, %parallel_loop3A_1238] {strides = array<i32>} : memref<48x64xf32, #tpu.memory_space<vmem>>, vector<16xf32>,
        tpu.vector_store %arg13[%parallel_loop3A_1237, %parallel_loop3A_1238], %parallel_loop3A_1236 {strides = array<i32>} : memref<48x64xf32, #tpu.memory_space<vmem>>, vector<16xf32>,
      } {sc.loop_unroll_factor = 8 : i64, sc.parallel_access}
      "tpu.region"() ({
        %run_scoped3A = tpu.sem_alloc : memref<!tpu.dma_semaphore, #tpu.memory_space<semaphore_mem>>
        %dma_start3A_1197 = arith.constant 48 : i32
        %dma_start3A_1198 = tpu.memref_slice %arg9[%dma_start3A_1197] : memref<96xi32, #tpu.memory_space<vmem>> -> memref<48xi32, #tpu.memory_space<vmem>>
        %dma_start3A_1199 = arith.constant 0 : i32
        %dma_start3A_1200 = arith.constant 0 : i32
        %dma_start3A_1201 = tpu.memref_slice %arg17[%dma_start3A_1199, %dma_start3A_1200] : memref<10000x64xf32, #tpu.memory_space<vmem_shared>> -> memref<10000x64xf32, #tpu.memory_space<vmem_shared>>
        tpu.enqueue_indirect_dma source(%arg13 : memref<48x64xf32, #tpu.memory_space<vmem>>) target(%dma_start3A_1201 : memref<10000x64xf32, #tpu.memory_space<vmem_shared>>) offsets(%dma_start3A_1198 : memref<48xi32, #tpu.memory_space<vmem>>) semaphore(%run_scoped3A : memref<!tpu.dma_semaphore, #tpu.memory_space<semaphore_mem>>) {add = true}
        %dma_wait3A_1202 = arith.constant 48 : i32
        %dma_wait3A_1203 = tpu.memref_slice %arg9[%dma_wait3A_1202] : memref<96xi32, #tpu.memory_space<vmem>> -> memref<48xi32, #tpu.memory_space<vmem>>
        %dma_wait3A_1204 = arith.constant 0 : i32
        %dma_wait3A_1205 = arith.constant 0 : i32
        %dma_wait3A_1206 = tpu.memref_slice %arg17[%dma_wait3A_1204, %dma_wait3A_1205] : memref<10000x64xf32, #tpu.memory_space<vmem_shared>> -> memref<10000x64xf32, #tpu.memory_space<vmem_shared>>
        tpu.wait_indirect_dma semaphore(%run_scoped3A : memref<!tpu.dma_semaphore, #tpu.memory_space<semaphore_mem>>) src(%arg13 : memref<48x64xf32, #tpu.memory_space<vmem>>) dst(%dma_wait3A_1206 : memref<10000x64xf32, #tpu.memory_space<vmem_shared>>)
        tpu.yield
      }) : () -> ()
      %scan3A_1196 = arith.constant 0 : i32
      scf.yield %scan3A_1196 : i32
    }
    %scan3A_796 = arith.constant 216 : i32
    %dma_wait3A = arith.constant 0 : i32
    %dma_wait3A_797 = arith.constant 0 : i32
    %dma_wait3A_798 = tpu.memref_slice %arg14[%dma_wait3A, %dma_wait3A_797] : memref<96x8xf32, #tpu.memory_space<vmem>> -> memref<48x8xf32, #tpu.memory_space<vmem>>
    %dma_wait3A_799 = arith.constant 0 : i32
    %dma_wait3A_800 = tpu.memref_slice %arg10[%dma_wait3A_799] : memref<96xi32, #tpu.memory_space<vmem>> -> memref<48xi32, #tpu.memory_space<vmem>>
    %dma_wait3A_801 = arith.constant 0 : i32
    %dma_wait3A_802 = arith.constant 0 : i32
    %dma_wait3A_803 = tpu.memref_slice %arg18[%dma_wait3A_801, %dma_wait3A_802] : memref<2504x8xf32, #tpu.memory_space<vmem_shared>> -> memref<2504x8xf32, #tpu.memory_space<vmem_shared>>
    tpu.wait_indirect_dma semaphore(%arg21 : memref<!tpu.dma_semaphore, #tpu.memory_space<semaphore_mem>>) src(%dma_wait3A_798 : memref<48x8xf32, #tpu.memory_space<vmem>>) dst(%dma_wait3A_803 : memref<2504x8xf32, #tpu.memory_space<vmem_shared>>)
    %dma_wait3A_804 = arith.constant 48 : i32
    %dma_wait3A_805 = arith.constant 0 : i32
    %dma_wait3A_806 = tpu.memref_slice %arg14[%dma_wait3A_804, %dma_wait3A_805] : memref<96x8xf32, #tpu.memory_space<vmem>> -> memref<48x8xf32, #tpu.memory_space<vmem>>
    %dma_wait3A_807 = arith.constant 48 : i32
    %dma_wait3A_808 = tpu.memref_slice %arg10[%dma_wait3A_807] : memref<96xi32, #tpu.memory_space<vmem>> -> memref<48xi32, #tpu.memory_space<vmem>>
    %dma_wait3A_809 = arith.constant 0 : i32
    %dma_wait3A_810 = arith.constant 0 : i32
    %dma_wait3A_811 = tpu.memref_slice %arg18[%dma_wait3A_809, %dma_wait3A_810] : memref<2504x8xf32, #tpu.memory_space<vmem_shared>> -> memref<2504x8xf32, #tpu.memory_space<vmem_shared>>
    tpu.wait_indirect_dma semaphore(%arg22 : memref<!tpu.dma_semaphore, #tpu.memory_space<semaphore_mem>>) src(%dma_wait3A_806 : memref<48x8xf32, #tpu.memory_space<vmem>>) dst(%dma_wait3A_811 : memref<2504x8xf32, #tpu.memory_space<vmem_shared>>)
    %barrier3A_812 = arith.constant 0 : index
    tpu.barrier barrier_id(%barrier3A_812)
    %mul3A_813 = arith.constant 624 : i32
    %mul3A_814 = arith.muli %arg1, %mul3A_813 : i32
    %mul3A_815 = arith.constant 624 : i32
    %mul3A_816 = arith.muli %arg1, %mul3A_815 : i32
    "tpu.region"() ({
      %run_scoped3A = tpu.sem_alloc : memref<!tpu.dma_semaphore, #tpu.memory_space<semaphore_mem>>
      %dma_start3A_826 = arith.constant 0 : i32
      %dma_start3A_827 = tpu.memref_slice %arg5[%arg0, %mul3A_816, %dma_start3A_826] : memref<2x10240x64xf32, #tpu.memory_space<hbm>> -> memref<1x624x64xf32, #tpu.memory_space<hbm>>
      %dma_start3A_828 = tpu.memref_squeeze %dma_start3A_827 : memref<1x624x64xf32, #tpu.memory_space<hbm>> -> memref<624x64xf32, #tpu.memory_space<hbm>>
      %dma_start3A_829 = arith.constant 0 : i32
      %dma_start3A_830 = tpu.memref_slice %arg17[%mul3A_814, %dma_start3A_829] : memref<10000x64xf32, #tpu.memory_space<vmem_shared>> -> memref<624x64xf32, #tpu.memory_space<vmem_shared>>
      tpu.enqueue_dma source(%dma_start3A_830 : memref<624x64xf32, #tpu.memory_space<vmem_shared>>) target(%dma_start3A_828 : memref<624x64xf32, #tpu.memory_space<hbm>>) target_semaphore(%run_scoped3A : memref<!tpu.dma_semaphore, #tpu.memory_space<semaphore_mem>>)
      %dma_wait3A_831 = arith.constant 0 : i32
      %dma_wait3A_832 = tpu.memref_slice %arg5[%arg0, %mul3A_816, %dma_wait3A_831] : memref<2x10240x64xf32, #tpu.memory_space<hbm>> -> memref<1x624x64xf32, #tpu.memory_space<hbm>>
      %dma_wait3A_833 = tpu.memref_squeeze %dma_wait3A_832 : memref<1x624x64xf32, #tpu.memory_space<hbm>> -> memref<624x64xf32, #tpu.memory_space<hbm>>
      %dma_wait3A_834 = arith.constant 0 : i32
      %dma_wait3A_835 = tpu.memref_slice %arg17[%mul3A_814, %dma_wait3A_834] : memref<10000x64xf32, #tpu.memory_space<vmem_shared>> -> memref<624x64xf32, #tpu.memory_space<vmem_shared>>
      tpu.wait_dma2 semaphore(%run_scoped3A : memref<!tpu.dma_semaphore, #tpu.memory_space<semaphore_mem>>) src(%dma_wait3A_835 : memref<624x64xf32, #tpu.memory_space<vmem_shared>>) dst(%dma_wait3A_833 : memref<624x64xf32, #tpu.memory_space<hbm>>)
      tpu.yield
    }) : () -> ()
    %mul3A_817 = arith.constant 152 : i32
    %mul3A_818 = arith.muli %arg1, %mul3A_817 : i32
    %mul3A_819 = arith.constant 152 : i32
    %mul3A_820 = arith.muli %arg1, %mul3A_819 : i32
    "tpu.region"() ({
      %run_scoped3A = tpu.sem_alloc : memref<!tpu.dma_semaphore, #tpu.memory_space<semaphore_mem>>
      %dma_start3A_826 = arith.constant 0 : i32
      %dma_start3A_827 = tpu.memref_slice %arg6[%arg0, %mul3A_820, %dma_start3A_826] : memref<2x2560x8xf32, #tpu.memory_space<hbm>> -> memref<1x152x8xf32, #tpu.memory_space<hbm>>
      %dma_start3A_828 = tpu.memref_squeeze %dma_start3A_827 : memref<1x152x8xf32, #tpu.memory_space<hbm>> -> memref<152x8xf32, #tpu.memory_space<hbm>>
      %dma_start3A_829 = arith.constant 0 : i32
      %dma_start3A_830 = tpu.memref_slice %arg18[%mul3A_818, %dma_start3A_829] : memref<2504x8xf32, #tpu.memory_space<vmem_shared>> -> memref<152x8xf32, #tpu.memory_space<vmem_shared>>
      tpu.enqueue_dma source(%dma_start3A_830 : memref<152x8xf32, #tpu.memory_space<vmem_shared>>) target(%dma_start3A_828 : memref<152x8xf32, #tpu.memory_space<hbm>>) target_semaphore(%run_scoped3A : memref<!tpu.dma_semaphore, #tpu.memory_space<semaphore_mem>>)
      %dma_wait3A_831 = arith.constant 0 : i32
      %dma_wait3A_832 = tpu.memref_slice %arg6[%arg0, %mul3A_820, %dma_wait3A_831] : memref<2x2560x8xf32, #tpu.memory_space<hbm>> -> memref<1x152x8xf32, #tpu.memory_space<hbm>>
      %dma_wait3A_833 = tpu.memref_squeeze %dma_wait3A_832 : memref<1x152x8xf32, #tpu.memory_space<hbm>> -> memref<152x8xf32, #tpu.memory_space<hbm>>
      %dma_wait3A_834 = arith.constant 0 : i32
      %dma_wait3A_835 = tpu.memref_slice %arg18[%mul3A_818, %dma_wait3A_834] : memref<2504x8xf32, #tpu.memory_space<vmem_shared>> -> memref<152x8xf32, #tpu.memory_space<vmem_shared>>
      tpu.wait_dma2 semaphore(%run_scoped3A : memref<!tpu.dma_semaphore, #tpu.memory_space<semaphore_mem>>) src(%dma_wait3A_835 : memref<152x8xf32, #tpu.memory_space<vmem_shared>>) dst(%dma_wait3A_833 : memref<152x8xf32, #tpu.memory_space<hbm>>)
      tpu.yield
    }) : () -> ()
    %eq3A_821 = arith.constant 15 : i32
    %eq3A_822 = arith.cmpi eq, %arg1, %eq3A_821 : i32
    %convert_element_type3A_823 = arith.extui %eq3A_822 : i1 to i32
    %cond3A_824 = arith.constant 0 : i32
    %cond3A_825 = arith.cmpi ne, %convert_element_type3A_823, %cond3A_824 : i32
    scf.if %cond3A_825 {
      "tpu.region"() ({
        %run_scoped3A = tpu.sem_alloc : memref<!tpu.dma_semaphore, #tpu.memory_space<semaphore_mem>>
        %dma_start3A_826 = arith.constant 9984 : i32
        %dma_start3A_827 = arith.constant 0 : i32
        %dma_start3A_828 = tpu.memref_slice %arg5[%arg0, %dma_start3A_826, %dma_start3A_827] : memref<2x10240x64xf32, #tpu.memory_space<hbm>> -> memref<1x16x64xf32, #tpu.memory_space<hbm>>
        %dma_start3A_829 = tpu.memref_squeeze %dma_start3A_828 : memref<1x16x64xf32, #tpu.memory_space<hbm>> -> memref<16x64xf32, #tpu.memory_space<hbm>>
        %dma_start3A_830 = arith.constant 9984 : i32
        %dma_start3A_831 = arith.constant 0 : i32
        %dma_start3A_832 = tpu.memref_slice %arg17[%dma_start3A_830, %dma_start3A_831] : memref<10000x64xf32, #tpu.memory_space<vmem_shared>> -> memref<16x64xf32, #tpu.memory_space<vmem_shared>>
        tpu.enqueue_dma source(%dma_start3A_832 : memref<16x64xf32, #tpu.memory_space<vmem_shared>>) target(%dma_start3A_829 : memref<16x64xf32, #tpu.memory_space<hbm>>) target_semaphore(%run_scoped3A : memref<!tpu.dma_semaphore, #tpu.memory_space<semaphore_mem>>)
        %dma_wait3A_833 = arith.constant 9984 : i32
        %dma_wait3A_834 = arith.constant 0 : i32
        %dma_wait3A_835 = tpu.memref_slice %arg5[%arg0, %dma_wait3A_833, %dma_wait3A_834] : memref<2x10240x64xf32, #tpu.memory_space<hbm>> -> memref<1x16x64xf32, #tpu.memory_space<hbm>>
        %dma_wait3A_836 = tpu.memref_squeeze %dma_wait3A_835 : memref<1x16x64xf32, #tpu.memory_space<hbm>> -> memref<16x64xf32, #tpu.memory_space<hbm>>
        %dma_wait3A_837 = arith.constant 9984 : i32
        %dma_wait3A_838 = arith.constant 0 : i32
        %dma_wait3A_839 = tpu.memref_slice %arg17[%dma_wait3A_837, %dma_wait3A_838] : memref<10000x64xf32, #tpu.memory_space<vmem_shared>> -> memref<16x64xf32, #tpu.memory_space<vmem_shared>>
        tpu.wait_dma2 semaphore(%run_scoped3A : memref<!tpu.dma_semaphore, #tpu.memory_space<semaphore_mem>>) src(%dma_wait3A_839 : memref<16x64xf32, #tpu.memory_space<vmem_shared>>) dst(%dma_wait3A_836 : memref<16x64xf32, #tpu.memory_space<hbm>>)
        tpu.yield
      }) : () -> ()
      "tpu.region"() ({
        %run_scoped3A = tpu.sem_alloc : memref<!tpu.dma_semaphore, #tpu.memory_space<semaphore_mem>>
        %dma_start3A_826 = arith.constant 2432 : i32
        %dma_start3A_827 = arith.constant 0 : i32
        %dma_start3A_828 = tpu.memref_slice %arg6[%arg0, %dma_start3A_826, %dma_start3A_827] : memref<2x2560x8xf32, #tpu.memory_space<hbm>> -> memref<1x72x8xf32, #tpu.memory_space<hbm>>
        %dma_start3A_829 = tpu.memref_squeeze %dma_start3A_828 : memref<1x72x8xf32, #tpu.memory_space<hbm>> -> memref<72x8xf32, #tpu.memory_space<hbm>>
        %dma_start3A_830 = arith.constant 2432 : i32
        %dma_start3A_831 = arith.constant 0 : i32
        %dma_start3A_832 = tpu.memref_slice %arg18[%dma_start3A_830, %dma_start3A_831] : memref<2504x8xf32, #tpu.memory_space<vmem_shared>> -> memref<72x8xf32, #tpu.memory_space<vmem_shared>>
        tpu.enqueue_dma source(%dma_start3A_832 : memref<72x8xf32, #tpu.memory_space<vmem_shared>>) target(%dma_start3A_829 : memref<72x8xf32, #tpu.memory_space<hbm>>) target_semaphore(%run_scoped3A : memref<!tpu.dma_semaphore, #tpu.memory_space<semaphore_mem>>)
        %dma_wait3A_833 = arith.constant 2432 : i32
        %dma_wait3A_834 = arith.constant 0 : i32
        %dma_wait3A_835 = tpu.memref_slice %arg6[%arg0, %dma_wait3A_833, %dma_wait3A_834] : memref<2x2560x8xf32, #tpu.memory_space<hbm>> -> memref<1x72x8xf32, #tpu.memory_space<hbm>>
        %dma_wait3A_836 = tpu.memref_squeeze %dma_wait3A_835 : memref<1x72x8xf32, #tpu.memory_space<hbm>> -> memref<72x8xf32, #tpu.memory_space<hbm>>
        %dma_wait3A_837 = arith.constant 2432 : i32
        %dma_wait3A_838 = arith.constant 0 : i32
        %dma_wait3A_839 = tpu.memref_slice %arg18[%dma_wait3A_837, %dma_wait3A_838] : memref<2504x8xf32, #tpu.memory_space<vmem_shared>> -> memref<72x8xf32, #tpu.memory_space<vmem_shared>>
        tpu.wait_dma2 semaphore(%run_scoped3A : memref<!tpu.dma_semaphore, #tpu.memory_space<semaphore_mem>>) src(%dma_wait3A_839 : memref<72x8xf32, #tpu.memory_space<vmem_shared>>) dst(%dma_wait3A_836 : memref<72x8xf32, #tpu.memory_space<hbm>>)
        tpu.yield
      }) : () -> ()
    } else {
    }
    return
  }
}

module attributes {stable_mosaic.version = 14 : i64} {
  func.func @_prep_body(%arg0: i32, %arg1: memref<1000x128xf32, #tpu.memory_space<vmem>>, %arg2: memref<128x128xf32, #tpu.memory_space<vmem>>, %arg3: memref<128x128xf32, #tpu.memory_space<vmem>>, %arg4: memref<1x4x32xf32, #tpu.memory_space<vmem>>, %arg5: memref<1x4x32xf32, #tpu.memory_space<vmem>>, %arg6: memref<128xf32, #tpu.memory_space<vmem>>, %arg7: memref<2x1000x64xf32, #tpu.memory_space<vmem>>, %arg8: memref<2x1000x4xf32, #tpu.memory_space<vmem>>, %arg9: memref<1000x128xf32, #tpu.memory_space<vmem>>) attributes {dimension_semantics = [#tpu.dimension_semantics<arbitrary>], iteration_bounds = array<i64: 10>, scalar_prefetch = 0 : i64, scratch_operands = 0 : i64, tpu.core_type = #tpu.core_type<tc>, window_params = [{transform_indices = @transform_0, window_bounds = array<i64: 1000, 128>}, {pipeline_mode = #tpu.pipeline_mode<synchronous>, transform_indices = @transform_1, window_bounds = array<i64: 128, 128>}, {pipeline_mode = #tpu.pipeline_mode<synchronous>, transform_indices = @transform_2, window_bounds = array<i64: 128, 128>}, {pipeline_mode = #tpu.pipeline_mode<synchronous>, transform_indices = @transform_3, window_bounds = array<i64: 1, 4, 32>}, {pipeline_mode = #tpu.pipeline_mode<synchronous>, transform_indices = @transform_4, window_bounds = array<i64: 1, 4, 32>}, {pipeline_mode = #tpu.pipeline_mode<synchronous>, transform_indices = @transform_5, window_bounds = array<i64: 128>}, {transform_indices = @transform_6, window_bounds = array<i64: 2, 1000, 64>}, {transform_indices = @transform_7, window_bounds = array<i64: 2, 1000, 4>}, {transform_indices = @transform_8, window_bounds = array<i64: 1000, 128>}]} {
    %get3A = arith.constant 0 : index
    %get3A_0 = arith.constant 0 : index
    %get3A_1 = vector.load %arg1[%get3A, %get3A_0] : memref<1000x128xf32, #tpu.memory_space<vmem>>, vector<1000x128xf32>
    %get3A_2 = arith.constant 0 : index
    %get3A_3 = arith.constant 0 : index
    %get3A_4 = vector.load %arg2[%get3A_2, %get3A_3] : memref<128x128xf32, #tpu.memory_space<vmem>>, vector<128x128xf32>
    %dot_general3A = arith.constant dense<0.000000e+00> : vector<1000x128xf32>
    %dot_general3A_5 = tpu.matmul %get3A_1, %get3A_4, %dot_general3A {dimension_numbers = #tpu.dot_dimension_numbers<[1], [0], [0], [1], [0, 0, 1, 1], [], []>, transpose_lhs_hint = false} : vector<1000x128xf32>, vector<128x128xf32>, vector<1000x128xf32> -> vector<1000x128xf32>
    %get3A_6 = arith.constant 0 : index
    %get3A_7 = arith.constant 0 : index
    %get3A_8 = vector.load %arg3[%get3A_6, %get3A_7] : memref<128x128xf32, #tpu.memory_space<vmem>>, vector<128x128xf32>
    %dot_general3A_9 = arith.constant dense<0.000000e+00> : vector<1000x128xf32>
    %dot_general3A_10 = tpu.matmul %get3A_1, %get3A_8, %dot_general3A_9 {dimension_numbers = #tpu.dot_dimension_numbers<[1], [0], [0], [1], [0, 0, 1, 1], [], []>, transpose_lhs_hint = false} : vector<1000x128xf32>, vector<128x128xf32>, vector<1000x128xf32> -> vector<1000x128xf32>
    %get3A_11 = arith.constant 0 : index
    %get3A_12 = vector.load %arg6[%get3A_11] : memref<128xf32, #tpu.memory_space<vmem>>, vector<128xf32>
    %broadcast_in_dim3A = vector.shape_cast %get3A_12 : vector<128xf32> to vector<1x128xf32>
    %add3A = vector.broadcast %broadcast_in_dim3A : vector<1x128xf32> to vector<1000x128xf32>
    %add3A_13 = arith.addf %dot_general3A_10, %add3A : vector<1000x128xf32>
    %slice3A = vector.extract_strided_slice %dot_general3A_5 {offsets = [0, 0], sizes = [1000, 32], strides = [1, 1]} : vector<1000x128xf32> to vector<1000x32xf32>
    %get3A_14 = arith.constant 0 : index
    %get3A_15 = arith.constant 0 : index
    %get3A_16 = arith.constant 0 : index
    %get3A_17 = vector.load %arg4[%get3A_14, %get3A_15, %get3A_16] : memref<1x4x32xf32, #tpu.memory_space<vmem>>, vector<1x1x32xf32>
    %get3A_18 = vector.shape_cast %get3A_17 : vector<1x1x32xf32> to vector<32xf32>
    %broadcast_in_dim3A_19 = vector.shape_cast %get3A_18 : vector<32xf32> to vector<1x32xf32>
    %mul3A = vector.broadcast %broadcast_in_dim3A_19 : vector<1x32xf32> to vector<1000x32xf32>
    %mul3A_20 = arith.mulf %slice3A, %mul3A : vector<1000x32xf32>
    %reduce_sum3A = arith.constant dense<0.000000e+00> : vector<1000xf32>
    %reduce_sum3A_21 = vector.multi_reduction <add>, %mul3A_20, %reduce_sum3A [1] : vector<1000x32xf32> to vector<1000xf32>
    %broadcast_in_dim3A_22 = vector.shape_cast %reduce_sum3A_21 : vector<1000xf32> to vector<1000x1xf32>
    %slice3A_23 = vector.extract_strided_slice %dot_general3A_5 {offsets = [0, 32], sizes = [1000, 32], strides = [1, 1]} : vector<1000x128xf32> to vector<1000x32xf32>
    %get3A_24 = arith.constant 0 : index
    %get3A_25 = arith.constant 1 : index
    %get3A_26 = arith.constant 0 : index
    %get3A_27 = vector.load %arg4[%get3A_24, %get3A_25, %get3A_26] : memref<1x4x32xf32, #tpu.memory_space<vmem>>, vector<1x1x32xf32>
    %get3A_28 = vector.shape_cast %get3A_27 : vector<1x1x32xf32> to vector<32xf32>
    %broadcast_in_dim3A_29 = vector.shape_cast %get3A_28 : vector<32xf32> to vector<1x32xf32>
    %mul3A_30 = vector.broadcast %broadcast_in_dim3A_29 : vector<1x32xf32> to vector<1000x32xf32>
    %mul3A_31 = arith.mulf %slice3A_23, %mul3A_30 : vector<1000x32xf32>
    %reduce_sum3A_32 = arith.constant dense<0.000000e+00> : vector<1000xf32>
    %reduce_sum3A_33 = vector.multi_reduction <add>, %mul3A_31, %reduce_sum3A_32 [1] : vector<1000x32xf32> to vector<1000xf32>
    %broadcast_in_dim3A_34 = vector.shape_cast %reduce_sum3A_33 : vector<1000xf32> to vector<1000x1xf32>
    %slice3A_35 = vector.extract_strided_slice %dot_general3A_5 {offsets = [0, 64], sizes = [1000, 32], strides = [1, 1]} : vector<1000x128xf32> to vector<1000x32xf32>
    %get3A_36 = arith.constant 0 : index
    %get3A_37 = arith.constant 2 : index
    %get3A_38 = arith.constant 0 : index
    %get3A_39 = vector.load %arg4[%get3A_36, %get3A_37, %get3A_38] : memref<1x4x32xf32, #tpu.memory_space<vmem>>, vector<1x1x32xf32>
    %get3A_40 = vector.shape_cast %get3A_39 : vector<1x1x32xf32> to vector<32xf32>
    %broadcast_in_dim3A_41 = vector.shape_cast %get3A_40 : vector<32xf32> to vector<1x32xf32>
    %mul3A_42 = vector.broadcast %broadcast_in_dim3A_41 : vector<1x32xf32> to vector<1000x32xf32>
    %mul3A_43 = arith.mulf %slice3A_35, %mul3A_42 : vector<1000x32xf32>
    %reduce_sum3A_44 = arith.constant dense<0.000000e+00> : vector<1000xf32>
    %reduce_sum3A_45 = vector.multi_reduction <add>, %mul3A_43, %reduce_sum3A_44 [1] : vector<1000x32xf32> to vector<1000xf32>
    %broadcast_in_dim3A_46 = vector.shape_cast %reduce_sum3A_45 : vector<1000xf32> to vector<1000x1xf32>
    %slice3A_47 = vector.extract_strided_slice %dot_general3A_5 {offsets = [0, 96], sizes = [1000, 32], strides = [1, 1]} : vector<1000x128xf32> to vector<1000x32xf32>
    %get3A_48 = arith.constant 0 : index
    %get3A_49 = arith.constant 3 : index
    %get3A_50 = arith.constant 0 : index
    %get3A_51 = vector.load %arg4[%get3A_48, %get3A_49, %get3A_50] : memref<1x4x32xf32, #tpu.memory_space<vmem>>, vector<1x1x32xf32>
    %get3A_52 = vector.shape_cast %get3A_51 : vector<1x1x32xf32> to vector<32xf32>
    %broadcast_in_dim3A_53 = vector.shape_cast %get3A_52 : vector<32xf32> to vector<1x32xf32>
    %mul3A_54 = vector.broadcast %broadcast_in_dim3A_53 : vector<1x32xf32> to vector<1000x32xf32>
    %mul3A_55 = arith.mulf %slice3A_47, %mul3A_54 : vector<1000x32xf32>
    %reduce_sum3A_56 = arith.constant dense<0.000000e+00> : vector<1000xf32>
    %reduce_sum3A_57 = vector.multi_reduction <add>, %mul3A_55, %reduce_sum3A_56 [1] : vector<1000x32xf32> to vector<1000xf32>
    %broadcast_in_dim3A_58 = vector.shape_cast %reduce_sum3A_57 : vector<1000xf32> to vector<1000x1xf32>
    %slice3A_59 = vector.extract_strided_slice %dot_general3A_5 {offsets = [0, 0], sizes = [1000, 32], strides = [1, 1]} : vector<1000x128xf32> to vector<1000x32xf32>
    %get3A_60 = arith.constant 0 : index
    %get3A_61 = arith.constant 0 : index
    %get3A_62 = arith.constant 0 : index
    %get3A_63 = vector.load %arg5[%get3A_60, %get3A_61, %get3A_62] : memref<1x4x32xf32, #tpu.memory_space<vmem>>, vector<1x1x32xf32>
    %get3A_64 = vector.shape_cast %get3A_63 : vector<1x1x32xf32> to vector<32xf32>
    %broadcast_in_dim3A_65 = vector.shape_cast %get3A_64 : vector<32xf32> to vector<1x32xf32>
    %mul3A_66 = vector.broadcast %broadcast_in_dim3A_65 : vector<1x32xf32> to vector<1000x32xf32>
    %mul3A_67 = arith.mulf %slice3A_59, %mul3A_66 : vector<1000x32xf32>
    %reduce_sum3A_68 = arith.constant dense<0.000000e+00> : vector<1000xf32>
    %reduce_sum3A_69 = vector.multi_reduction <add>, %mul3A_67, %reduce_sum3A_68 [1] : vector<1000x32xf32> to vector<1000xf32>
    %broadcast_in_dim3A_70 = vector.shape_cast %reduce_sum3A_69 : vector<1000xf32> to vector<1000x1xf32>
    %slice3A_71 = vector.extract_strided_slice %dot_general3A_5 {offsets = [0, 32], sizes = [1000, 32], strides = [1, 1]} : vector<1000x128xf32> to vector<1000x32xf32>
    %get3A_72 = arith.constant 0 : index
    %get3A_73 = arith.constant 1 : index
    %get3A_74 = arith.constant 0 : index
    %get3A_75 = vector.load %arg5[%get3A_72, %get3A_73, %get3A_74] : memref<1x4x32xf32, #tpu.memory_space<vmem>>, vector<1x1x32xf32>
    %get3A_76 = vector.shape_cast %get3A_75 : vector<1x1x32xf32> to vector<32xf32>
    %broadcast_in_dim3A_77 = vector.shape_cast %get3A_76 : vector<32xf32> to vector<1x32xf32>
    %mul3A_78 = vector.broadcast %broadcast_in_dim3A_77 : vector<1x32xf32> to vector<1000x32xf32>
    %mul3A_79 = arith.mulf %slice3A_71, %mul3A_78 : vector<1000x32xf32>
    %reduce_sum3A_80 = arith.constant dense<0.000000e+00> : vector<1000xf32>
    %reduce_sum3A_81 = vector.multi_reduction <add>, %mul3A_79, %reduce_sum3A_80 [1] : vector<1000x32xf32> to vector<1000xf32>
    %broadcast_in_dim3A_82 = vector.shape_cast %reduce_sum3A_81 : vector<1000xf32> to vector<1000x1xf32>
    %slice3A_83 = vector.extract_strided_slice %dot_general3A_5 {offsets = [0, 64], sizes = [1000, 32], strides = [1, 1]} : vector<1000x128xf32> to vector<1000x32xf32>
    %get3A_84 = arith.constant 0 : index
    %get3A_85 = arith.constant 2 : index
    %get3A_86 = arith.constant 0 : index
    %get3A_87 = vector.load %arg5[%get3A_84, %get3A_85, %get3A_86] : memref<1x4x32xf32, #tpu.memory_space<vmem>>, vector<1x1x32xf32>
    %get3A_88 = vector.shape_cast %get3A_87 : vector<1x1x32xf32> to vector<32xf32>
    %broadcast_in_dim3A_89 = vector.shape_cast %get3A_88 : vector<32xf32> to vector<1x32xf32>
    %mul3A_90 = vector.broadcast %broadcast_in_dim3A_89 : vector<1x32xf32> to vector<1000x32xf32>
    %mul3A_91 = arith.mulf %slice3A_83, %mul3A_90 : vector<1000x32xf32>
    %reduce_sum3A_92 = arith.constant dense<0.000000e+00> : vector<1000xf32>
    %reduce_sum3A_93 = vector.multi_reduction <add>, %mul3A_91, %reduce_sum3A_92 [1] : vector<1000x32xf32> to vector<1000xf32>
    %broadcast_in_dim3A_94 = vector.shape_cast %reduce_sum3A_93 : vector<1000xf32> to vector<1000x1xf32>
    %slice3A_95 = vector.extract_strided_slice %dot_general3A_5 {offsets = [0, 96], sizes = [1000, 32], strides = [1, 1]} : vector<1000x128xf32> to vector<1000x32xf32>
    %get3A_96 = arith.constant 0 : index
    %get3A_97 = arith.constant 3 : index
    %get3A_98 = arith.constant 0 : index
    %get3A_99 = vector.load %arg5[%get3A_96, %get3A_97, %get3A_98] : memref<1x4x32xf32, #tpu.memory_space<vmem>>, vector<1x1x32xf32>
    %get3A_100 = vector.shape_cast %get3A_99 : vector<1x1x32xf32> to vector<32xf32>
    %broadcast_in_dim3A_101 = vector.shape_cast %get3A_100 : vector<32xf32> to vector<1x32xf32>
    %mul3A_102 = vector.broadcast %broadcast_in_dim3A_101 : vector<1x32xf32> to vector<1000x32xf32>
    %mul3A_103 = arith.mulf %slice3A_95, %mul3A_102 : vector<1000x32xf32>
    %reduce_sum3A_104 = arith.constant dense<0.000000e+00> : vector<1000xf32>
    %reduce_sum3A_105 = vector.multi_reduction <add>, %mul3A_103, %reduce_sum3A_104 [1] : vector<1000x32xf32> to vector<1000xf32>
    %broadcast_in_dim3A_106 = vector.shape_cast %reduce_sum3A_105 : vector<1000xf32> to vector<1000x1xf32>
    %swap3A = arith.constant 0 : index
    %swap3A_107 = arith.constant 0 : index
    %swap3A_108 = vector.load %arg9[%swap3A, %swap3A_107] : memref<1000x128xf32, #tpu.memory_space<vmem>>, vector<1000x128xf32>
    tpu.vector_store %arg9[%swap3A, %swap3A_107], %add3A_13 {strides = array<i32>} : memref<1000x128xf32, #tpu.memory_space<vmem>>, vector<1000x128xf32>,
    %slice3A_109 = vector.extract_strided_slice %dot_general3A_5 {offsets = [0, 0], sizes = [1000, 64], strides = [1, 1]} : vector<1000x128xf32> to vector<1000x64xf32>
    %swap3A_110 = arith.constant 0 : index
    %swap3A_111 = arith.constant 0 : index
    %swap3A_112 = arith.constant 0 : index
    %swap3A_113 = vector.load %arg7[%swap3A_110, %swap3A_111, %swap3A_112] : memref<2x1000x64xf32, #tpu.memory_space<vmem>>, vector<1x1000x64xf32>
    %swap3A_114 = vector.shape_cast %swap3A_113 : vector<1x1000x64xf32> to vector<1000x64xf32>
    %swap3A_115 = vector.shape_cast %slice3A_109 : vector<1000x64xf32> to vector<1x1000x64xf32>
    tpu.vector_store %arg7[%swap3A_110, %swap3A_111, %swap3A_112], %swap3A_115 {strides = array<i32>} : memref<2x1000x64xf32, #tpu.memory_space<vmem>>, vector<1x1000x64xf32>,
    %concatenate3A = tpu.concatenate %broadcast_in_dim3A_22, %broadcast_in_dim3A_34, %broadcast_in_dim3A_70, %broadcast_in_dim3A_82 in 1 : vector<1000x1xf32>, vector<1000x1xf32>, vector<1000x1xf32>, vector<1000x1xf32> -> vector<1000x4xf32>
    %swap3A_116 = arith.constant 0 : index
    %swap3A_117 = arith.constant 0 : index
    %swap3A_118 = arith.constant 0 : index
    %swap3A_119 = vector.load %arg8[%swap3A_116, %swap3A_117, %swap3A_118] : memref<2x1000x4xf32, #tpu.memory_space<vmem>>, vector<1x1000x4xf32>
    %swap3A_120 = vector.shape_cast %swap3A_119 : vector<1x1000x4xf32> to vector<1000x4xf32>
    %swap3A_121 = vector.shape_cast %concatenate3A : vector<1000x4xf32> to vector<1x1000x4xf32>
    tpu.vector_store %arg8[%swap3A_116, %swap3A_117, %swap3A_118], %swap3A_121 {strides = array<i32>} : memref<2x1000x4xf32, #tpu.memory_space<vmem>>, vector<1x1000x4xf32>,
    %slice3A_122 = vector.extract_strided_slice %dot_general3A_5 {offsets = [0, 64], sizes = [1000, 64], strides = [1, 1]} : vector<1000x128xf32> to vector<1000x64xf32>
    %swap3A_123 = arith.constant 1 : index
    %swap3A_124 = arith.constant 0 : index
    %swap3A_125 = arith.constant 0 : index
    %swap3A_126 = vector.load %arg7[%swap3A_123, %swap3A_124, %swap3A_125] : memref<2x1000x64xf32, #tpu.memory_space<vmem>>, vector<1x1000x64xf32>
    %swap3A_127 = vector.shape_cast %swap3A_126 : vector<1x1000x64xf32> to vector<1000x64xf32>
    %swap3A_128 = vector.shape_cast %slice3A_122 : vector<1000x64xf32> to vector<1x1000x64xf32>
    tpu.vector_store %arg7[%swap3A_123, %swap3A_124, %swap3A_125], %swap3A_128 {strides = array<i32>} : memref<2x1000x64xf32, #tpu.memory_space<vmem>>, vector<1x1000x64xf32>,
    %concatenate3A_129 = tpu.concatenate %broadcast_in_dim3A_46, %broadcast_in_dim3A_58, %broadcast_in_dim3A_94, %broadcast_in_dim3A_106 in 1 : vector<1000x1xf32>, vector<1000x1xf32>, vector<1000x1xf32>, vector<1000x1xf32> -> vector<1000x4xf32>
    %swap3A_130 = arith.constant 1 : index
    %swap3A_131 = arith.constant 0 : index
    %swap3A_132 = arith.constant 0 : index
    %swap3A_133 = vector.load %arg8[%swap3A_130, %swap3A_131, %swap3A_132] : memref<2x1000x4xf32, #tpu.memory_space<vmem>>, vector<1x1000x4xf32>
    %swap3A_134 = vector.shape_cast %swap3A_133 : vector<1x1000x4xf32> to vector<1000x4xf32>
    %swap3A_135 = vector.shape_cast %concatenate3A_129 : vector<1000x4xf32> to vector<1x1000x4xf32>
    tpu.vector_store %arg8[%swap3A_130, %swap3A_131, %swap3A_132], %swap3A_135 {strides = array<i32>} : memref<2x1000x4xf32, #tpu.memory_space<vmem>>, vector<1x1000x4xf32>,
    return
  }
  func.func @transform_0(%arg0: i32) -> (i32, i32) {
    %c0_i32 = arith.constant 0 : i32
    %c0_i32_0 = arith.constant 0 : i32
    return %arg0, %c0_i32 : i32, i32
  }
  func.func @transform_1(%arg0: i32) -> (i32, i32) {
    %c0_i32 = arith.constant 0 : i32
    %c0_i32_0 = arith.constant 0 : i32
    %c0_i32_1 = arith.constant 0 : i32
    return %c0_i32, %c0_i32_0 : i32, i32
  }
  func.func @transform_2(%arg0: i32) -> (i32, i32) {
    %c0_i32 = arith.constant 0 : i32
    %c0_i32_0 = arith.constant 0 : i32
    %c0_i32_1 = arith.constant 0 : i32
    return %c0_i32, %c0_i32_0 : i32, i32
  }
  func.func @transform_3(%arg0: i32) -> (i32, i32, i32) {
    %c0_i32 = arith.constant 0 : i32
    %c0_i32_0 = arith.constant 0 : i32
    %c0_i32_1 = arith.constant 0 : i32
    %c0_i32_2 = arith.constant 0 : i32
    return %c0_i32, %c0_i32_0, %c0_i32_1 : i32, i32, i32
  }
  func.func @transform_4(%arg0: i32) -> (i32, i32, i32) {
    %c0_i32 = arith.constant 0 : i32
    %c0_i32_0 = arith.constant 0 : i32
    %c0_i32_1 = arith.constant 0 : i32
    %c0_i32_2 = arith.constant 0 : i32
    return %c0_i32, %c0_i32_0, %c0_i32_1 : i32, i32, i32
  }
  func.func @transform_5(%arg0: i32) -> i32 {
    %c0_i32 = arith.constant 0 : i32
    %c0_i32_0 = arith.constant 0 : i32
    return %c0_i32 : i32
  }
  func.func @transform_6(%arg0: i32) -> (i32, i32, i32) {
    %c0_i32 = arith.constant 0 : i32
    %c0_i32_0 = arith.constant 0 : i32
    %c0_i32_1 = arith.constant 0 : i32
    return %c0_i32, %arg0, %c0_i32_0 : i32, i32, i32
  }
  func.func @transform_7(%arg0: i32) -> (i32, i32, i32) {
    %c0_i32 = arith.constant 0 : i32
    %c0_i32_0 = arith.constant 0 : i32
    %c0_i32_1 = arith.constant 0 : i32
    return %c0_i32, %arg0, %c0_i32_0 : i32, i32, i32
  }
  func.func @transform_8(%arg0: i32) -> (i32, i32) {
    %c0_i32 = arith.constant 0 : i32
    %c0_i32_0 = arith.constant 0 : i32
    return %arg0, %c0_i32 : i32, i32
  }
}

module attributes {stable_mosaic.version = 14 : i64} {
  func.func @_pack_body(%arg0: memref<2500x128xi32, #tpu.memory_space<vmem>>, %arg1: memref<2500x128xi32, #tpu.memory_space<vmem>>, %arg2: memref<2592x128xi32, #tpu.memory_space<vmem>>) attributes {dimension_semantics = [], scalar_prefetch = 0 : i64, scratch_operands = 0 : i64, tpu.core_type = #tpu.core_type<tc>} {
    %get3A = arith.constant 0 : index
    %get3A_0 = arith.constant 0 : index
    %get3A_1 = vector.load %arg1[%get3A, %get3A_0] : memref<2500x128xi32, #tpu.memory_space<vmem>>, vector<2500x128xi32>
    %shift_left3A = arith.constant 16 : i32
    %shift_left3A_2 = vector.broadcast %shift_left3A : i32 to vector<2500x128xi32>
    %shift_left3A_3 = arith.shli %get3A_1, %shift_left3A_2 : vector<2500x128xi32>
    %get3A_4 = arith.constant 0 : index
    %get3A_5 = arith.constant 0 : index
    %get3A_6 = vector.load %arg0[%get3A_4, %get3A_5] : memref<2500x128xi32, #tpu.memory_space<vmem>>, vector<2500x128xi32>
    %or3A = arith.ori %shift_left3A_3, %get3A_6 : vector<2500x128xi32>
    %swap3A = arith.constant 0 : index
    %swap3A_7 = arith.constant 0 : index
    %swap3A_8 = vector.load %arg2[%swap3A, %swap3A_7] : memref<2592x128xi32, #tpu.memory_space<vmem>>, vector<2500x128xi32>
    tpu.vector_store %arg2[%swap3A, %swap3A_7], %or3A {strides = array<i32>} : memref<2592x128xi32, #tpu.memory_space<vmem>>, vector<2500x128xi32>,
    %iota3A = tpu.iota {dimensions = array<i32: 0>} : vector<92x128xi32>
    %mul3A = arith.constant 128 : i32
    %mul3A_9 = vector.broadcast %mul3A : i32 to vector<92x128xi32>
    %mul3A_10 = arith.muli %iota3A, %mul3A_9 : vector<92x128xi32>
    %iota3A_11 = tpu.iota {dimensions = array<i32: 1>} : vector<92x128xi32>
    %add3A = arith.addi %mul3A_10, %iota3A_11 : vector<92x128xi32>
    %add3A_12 = arith.constant 320000 : i32
    %add3A_13 = vector.broadcast %add3A_12 : i32 to vector<92x128xi32>
    %add3A_14 = arith.addi %add3A, %add3A_13 : vector<92x128xi32>
    %sub3A = arith.constant 320000 : i32
    %sub3A_15 = vector.broadcast %sub3A : i32 to vector<92x128xi32>
    %sub3A_16 = arith.subi %add3A_14, %sub3A_15 : vector<92x128xi32>
    %lt3A = arith.constant 330000 : i32
    %lt3A_17 = vector.broadcast %lt3A : i32 to vector<92x128xi32>
    %lt3A_18 = arith.cmpi slt, %add3A_14, %lt3A_17 : vector<92x128xi32>
    %shift_left3A_19 = arith.constant 16 : i32
    %shift_left3A_20 = vector.broadcast %shift_left3A_19 : i32 to vector<92x128xi32>
    %shift_left3A_21 = arith.shli %sub3A_16, %shift_left3A_20 : vector<92x128xi32>
    %or3A_22 = arith.ori %shift_left3A_21, %sub3A_16 : vector<92x128xi32>
    %jit3A = arith.constant 0 : i32
    %broadcast_in_dim3A = vector.broadcast %jit3A : i32 to vector<92x128xi32>
    %select_n3A = arith.select %lt3A_18, %or3A_22, %broadcast_in_dim3A : vector<92x128xi1>, vector<92x128xi32>
    %swap3A_23 = arith.constant 2500 : index
    %swap3A_24 = arith.constant 0 : index
    %swap3A_25 = vector.load %arg2[%swap3A_23, %swap3A_24] : memref<2592x128xi32, #tpu.memory_space<vmem>>, vector<92x128xi32>
    tpu.vector_store %arg2[%swap3A_23, %swap3A_24], %select_n3A {strides = array<i32>} : memref<2592x128xi32, #tpu.memory_space<vmem>>, vector<92x128xi32>,
    return
  }
}

module attributes {stable_mosaic.version = 14 : i64} {
  func.func @_final_body(%arg0: i32, %arg1: memref<2x1024x64xf32, #tpu.memory_space<vmem>>, %arg2: memref<2x256x8xf32, #tpu.memory_space<vmem>>, %arg3: memref<1024x128xf32, #tpu.memory_space<vmem>>, %arg4: memref<1024x128xf32, #tpu.memory_space<vmem>>) attributes {dimension_semantics = [#tpu.dimension_semantics<arbitrary>], iteration_bounds = array<i64: 10>, scalar_prefetch = 0 : i64, scratch_operands = 0 : i64, tpu.core_type = #tpu.core_type<tc>, window_params = [{transform_indices = @transform_0, window_bounds = array<i64: 2, 1024, 64>}, {transform_indices = @transform_1, window_bounds = array<i64: 2, 256, 8>}, {transform_indices = @transform_2, window_bounds = array<i64: 1024, 128>}, {transform_indices = @transform_3, window_bounds = array<i64: 1024, 128>}]} {
    %iota3A = tpu.iota {dimensions = array<i32: 0>} : vector<1024x256xi32>
    %jit3A = arith.constant 4 : i32
    %div3A = vector.broadcast %jit3A : i32 to vector<1024x256xi32>
    %div3A_0 = arith.divsi %iota3A, %div3A : vector<1024x256xi32>
    %sign3A = arith.constant 0 : i32
    %sign3A_1 = vector.broadcast %sign3A : i32 to vector<1024x256xi32>
    %sign3A_2 = arith.cmpi sgt, %iota3A, %sign3A_1 : vector<1024x256xi32>
    %sign3A_3 = arith.extui %sign3A_2 : vector<1024x256xi1> to vector<1024x256xi32>
    %sign3A_4 = arith.constant 0 : i32
    %sign3A_5 = vector.broadcast %sign3A_4 : i32 to vector<1024x256xi32>
    %sign3A_6 = arith.cmpi slt, %iota3A, %sign3A_5 : vector<1024x256xi32>
    %sign3A_7 = arith.extui %sign3A_6 : vector<1024x256xi1> to vector<1024x256xi32>
    %sign3A_8 = arith.subi %sign3A_3, %sign3A_7 : vector<1024x256xi32>
    %sign3A_9 = arith.constant 0 : i32
    %sign3A_10 = arith.cmpi sgt, %jit3A, %sign3A_9 : i32
    %sign3A_11 = arith.extui %sign3A_10 : i1 to i32
    %sign3A_12 = arith.constant 0 : i32
    %sign3A_13 = arith.cmpi slt, %jit3A, %sign3A_12 : i32
    %sign3A_14 = arith.extui %sign3A_13 : i1 to i32
    %sign3A_15 = arith.subi %sign3A_11, %sign3A_14 : i32
    %ne3A = vector.broadcast %sign3A_15 : i32 to vector<1024x256xi32>
    %ne3A_16 = arith.cmpi ne, %sign3A_8, %ne3A : vector<1024x256xi32>
    %rem3A = vector.broadcast %jit3A : i32 to vector<1024x256xi32>
    %rem3A_17 = arith.remsi %iota3A, %rem3A : vector<1024x256xi32>
    %ne3A_18 = arith.constant 0 : i32
    %ne3A_19 = vector.broadcast %ne3A_18 : i32 to vector<1024x256xi32>
    %ne3A_20 = arith.cmpi ne, %rem3A_17, %ne3A_19 : vector<1024x256xi32>
    %and3A = arith.andi %ne3A_16, %ne3A_20 : vector<1024x256xi1>
    %sub3A = arith.constant 1 : i32
    %sub3A_21 = vector.broadcast %sub3A : i32 to vector<1024x256xi32>
    %sub3A_22 = arith.subi %div3A_0, %sub3A_21 : vector<1024x256xi32>
    %select_n3A = arith.select %and3A, %sub3A_22, %div3A_0 : vector<1024x256xi1>, vector<1024x256xi32>
    %iota3A_23 = tpu.iota {dimensions = array<i32: 1>} : vector<1024x256xi32>
    %eq3A = arith.cmpi eq, %select_n3A, %iota3A_23 : vector<1024x256xi32>
    %convert_element_type3A = arith.extui %eq3A : vector<1024x256xi1> to vector<1024x256xi32>
    %convert_element_type3A_24 = arith.sitofp %convert_element_type3A : vector<1024x256xi32> to vector<1024x256xf32>
    %iota3A_25 = tpu.iota {dimensions = array<i32: 0>} : vector<1024x8xi32>
    %jit3A_26 = arith.constant 4 : i32
    %eq3A_27 = arith.constant 0 : i32
    %eq3A_28 = arith.cmpi eq, %jit3A_26, %eq3A_27 : i32
    %jit3A_29 = arith.constant 1 : i32
    %select_n3A_30 = arith.select %eq3A_28, %jit3A_29, %jit3A_26 : i32
    %rem3A_31 = vector.broadcast %select_n3A_30 : i32 to vector<1024x8xi32>
    %rem3A_32 = arith.remsi %iota3A_25, %rem3A_31 : vector<1024x8xi32>
    %ne3A_33 = arith.constant 0 : i32
    %ne3A_34 = vector.broadcast %ne3A_33 : i32 to vector<1024x8xi32>
    %ne3A_35 = arith.cmpi ne, %rem3A_32, %ne3A_34 : vector<1024x8xi32>
    %lt3A = arith.constant 0 : i32
    %lt3A_36 = vector.broadcast %lt3A : i32 to vector<1024x8xi32>
    %lt3A_37 = arith.cmpi slt, %rem3A_32, %lt3A_36 : vector<1024x8xi32>
    %lt3A_38 = arith.constant 0 : i32
    %lt3A_39 = arith.cmpi slt, %select_n3A_30, %lt3A_38 : i32
    %ne3A_40 = vector.broadcast %lt3A_39 : i1 to vector<1024x8xi1>
    %ne3A_41 = vector.broadcast %ne3A_40 : vector<1024x8xi1> to vector<1024x8xi1>
    %ne3A_42 = arith.xori %lt3A_37, %ne3A_41 : vector<1024x8xi1>
    %and3A_43 = arith.andi %ne3A_42, %ne3A_35 : vector<1024x8xi1>
    %add3A = vector.broadcast %select_n3A_30 : i32 to vector<1024x8xi32>
    %add3A_44 = arith.addi %rem3A_32, %add3A : vector<1024x8xi32>
    %select_n3A_45 = arith.select %and3A_43, %add3A_44, %rem3A_32 : vector<1024x8xi1>, vector<1024x8xi32>
    %mul3A = arith.constant 2 : i32
    %mul3A_46 = vector.broadcast %mul3A : i32 to vector<1024x8xi32>
    %mul3A_47 = arith.muli %select_n3A_45, %mul3A_46 : vector<1024x8xi32>
    %iota3A_48 = tpu.iota {dimensions = array<i32: 1>} : vector<1024x8xi32>
    %get3A = arith.constant 0 : index
    %get3A_49 = arith.constant 0 : index
    %get3A_50 = arith.constant 0 : index
    %get3A_51 = vector.load %arg2[%get3A, %get3A_49, %get3A_50] : memref<2x256x8xf32, #tpu.memory_space<vmem>>, vector<1x256x8xf32>
    %get3A_52 = vector.shape_cast %get3A_51 : vector<1x256x8xf32> to vector<256x8xf32>
    %dot_general3A = arith.constant dense<0.000000e+00> : vector<1024x8xf32>
    %dot_general3A_53 = tpu.matmul %convert_element_type3A_24, %get3A_52, %dot_general3A {dimension_numbers = #tpu.dot_dimension_numbers<[1], [0], [0], [1], [0, 0, 1, 1], [], []>, transpose_lhs_hint = false} : vector<1024x256xf32>, vector<256x8xf32>, vector<1024x8xf32> -> vector<1024x8xf32>
    %add3A_54 = arith.constant 0 : i32
    %add3A_55 = vector.broadcast %add3A_54 : i32 to vector<1024x8xi32>
    %add3A_56 = arith.addi %mul3A_47, %add3A_55 : vector<1024x8xi32>
    %eq3A_57 = arith.cmpi eq, %iota3A_48, %add3A_56 : vector<1024x8xi32>
    %jit3A_58 = arith.constant 0.000000e+00 : f32
    %broadcast_in_dim3A = vector.broadcast %jit3A_58 : f32 to vector<1024x8xf32>
    %select_n3A_59 = arith.select %eq3A_57, %dot_general3A_53, %broadcast_in_dim3A : vector<1024x8xi1>, vector<1024x8xf32>
    %reduce_sum3A = arith.constant dense<0.000000e+00> : vector<1024xf32>
    %reduce_sum3A_60 = vector.multi_reduction <add>, %select_n3A_59, %reduce_sum3A [1] : vector<1024x8xf32> to vector<1024xf32>
    %broadcast_in_dim3A_61 = vector.shape_cast %reduce_sum3A_60 : vector<1024xf32> to vector<1024x1xf32>
    %add3A_62 = arith.constant 1.000000e-16 : f32
    %add3A_63 = vector.broadcast %add3A_62 : f32 to vector<1024x1xf32>
    %add3A_64 = arith.addf %broadcast_in_dim3A_61, %add3A_63 : vector<1024x1xf32>
    %get3A_65 = arith.constant 0 : index
    %get3A_66 = arith.constant 0 : index
    %get3A_67 = arith.constant 0 : index
    %get3A_68 = vector.load %arg1[%get3A_65, %get3A_66, %get3A_67] : memref<2x1024x64xf32, #tpu.memory_space<vmem>>, vector<1x1024x64xf32>
    %get3A_69 = vector.shape_cast %get3A_68 : vector<1x1024x64xf32> to vector<1024x64xf32>
    %slice3A = vector.extract_strided_slice %get3A_69 {offsets = [0, 0], sizes = [1024, 32], strides = [1, 1]} : vector<1024x64xf32> to vector<1024x32xf32>
    %div3A_70 = vector.broadcast %add3A_64 : vector<1024x1xf32> to vector<1024x32xf32>
    %div3A_71 = arith.divf %slice3A, %div3A_70 : vector<1024x32xf32>
    %add3A_72 = arith.constant 1 : i32
    %add3A_73 = vector.broadcast %add3A_72 : i32 to vector<1024x8xi32>
    %add3A_74 = arith.addi %mul3A_47, %add3A_73 : vector<1024x8xi32>
    %eq3A_75 = arith.cmpi eq, %iota3A_48, %add3A_74 : vector<1024x8xi32>
    %jit3A_76 = arith.constant 0.000000e+00 : f32
    %broadcast_in_dim3A_77 = vector.broadcast %jit3A_76 : f32 to vector<1024x8xf32>
    %select_n3A_78 = arith.select %eq3A_75, %dot_general3A_53, %broadcast_in_dim3A_77 : vector<1024x8xi1>, vector<1024x8xf32>
    %reduce_sum3A_79 = arith.constant dense<0.000000e+00> : vector<1024xf32>
    %reduce_sum3A_80 = vector.multi_reduction <add>, %select_n3A_78, %reduce_sum3A_79 [1] : vector<1024x8xf32> to vector<1024xf32>
    %broadcast_in_dim3A_81 = vector.shape_cast %reduce_sum3A_80 : vector<1024xf32> to vector<1024x1xf32>
    %add3A_82 = arith.constant 1.000000e-16 : f32
    %add3A_83 = vector.broadcast %add3A_82 : f32 to vector<1024x1xf32>
    %add3A_84 = arith.addf %broadcast_in_dim3A_81, %add3A_83 : vector<1024x1xf32>
    %get3A_85 = arith.constant 0 : index
    %get3A_86 = arith.constant 0 : index
    %get3A_87 = arith.constant 0 : index
    %get3A_88 = vector.load %arg1[%get3A_85, %get3A_86, %get3A_87] : memref<2x1024x64xf32, #tpu.memory_space<vmem>>, vector<1x1024x64xf32>
    %get3A_89 = vector.shape_cast %get3A_88 : vector<1x1024x64xf32> to vector<1024x64xf32>
    %slice3A_90 = vector.extract_strided_slice %get3A_89 {offsets = [0, 32], sizes = [1024, 32], strides = [1, 1]} : vector<1024x64xf32> to vector<1024x32xf32>
    %div3A_91 = vector.broadcast %add3A_84 : vector<1024x1xf32> to vector<1024x32xf32>
    %div3A_92 = arith.divf %slice3A_90, %div3A_91 : vector<1024x32xf32>
    %get3A_93 = arith.constant 1 : index
    %get3A_94 = arith.constant 0 : index
    %get3A_95 = arith.constant 0 : index
    %get3A_96 = vector.load %arg2[%get3A_93, %get3A_94, %get3A_95] : memref<2x256x8xf32, #tpu.memory_space<vmem>>, vector<1x256x8xf32>
    %get3A_97 = vector.shape_cast %get3A_96 : vector<1x256x8xf32> to vector<256x8xf32>
    %dot_general3A_98 = arith.constant dense<0.000000e+00> : vector<1024x8xf32>
    %dot_general3A_99 = tpu.matmul %convert_element_type3A_24, %get3A_97, %dot_general3A_98 {dimension_numbers = #tpu.dot_dimension_numbers<[1], [0], [0], [1], [0, 0, 1, 1], [], []>, transpose_lhs_hint = false} : vector<1024x256xf32>, vector<256x8xf32>, vector<1024x8xf32> -> vector<1024x8xf32>
    %add3A_100 = arith.constant 0 : i32
    %add3A_101 = vector.broadcast %add3A_100 : i32 to vector<1024x8xi32>
    %add3A_102 = arith.addi %mul3A_47, %add3A_101 : vector<1024x8xi32>
    %eq3A_103 = arith.cmpi eq, %iota3A_48, %add3A_102 : vector<1024x8xi32>
    %jit3A_104 = arith.constant 0.000000e+00 : f32
    %broadcast_in_dim3A_105 = vector.broadcast %jit3A_104 : f32 to vector<1024x8xf32>
    %select_n3A_106 = arith.select %eq3A_103, %dot_general3A_99, %broadcast_in_dim3A_105 : vector<1024x8xi1>, vector<1024x8xf32>
    %reduce_sum3A_107 = arith.constant dense<0.000000e+00> : vector<1024xf32>
    %reduce_sum3A_108 = vector.multi_reduction <add>, %select_n3A_106, %reduce_sum3A_107 [1] : vector<1024x8xf32> to vector<1024xf32>
    %broadcast_in_dim3A_109 = vector.shape_cast %reduce_sum3A_108 : vector<1024xf32> to vector<1024x1xf32>
    %add3A_110 = arith.constant 1.000000e-16 : f32
    %add3A_111 = vector.broadcast %add3A_110 : f32 to vector<1024x1xf32>
    %add3A_112 = arith.addf %broadcast_in_dim3A_109, %add3A_111 : vector<1024x1xf32>
    %get3A_113 = arith.constant 1 : index
    %get3A_114 = arith.constant 0 : index
    %get3A_115 = arith.constant 0 : index
    %get3A_116 = vector.load %arg1[%get3A_113, %get3A_114, %get3A_115] : memref<2x1024x64xf32, #tpu.memory_space<vmem>>, vector<1x1024x64xf32>
    %get3A_117 = vector.shape_cast %get3A_116 : vector<1x1024x64xf32> to vector<1024x64xf32>
    %slice3A_118 = vector.extract_strided_slice %get3A_117 {offsets = [0, 0], sizes = [1024, 32], strides = [1, 1]} : vector<1024x64xf32> to vector<1024x32xf32>
    %div3A_119 = vector.broadcast %add3A_112 : vector<1024x1xf32> to vector<1024x32xf32>
    %div3A_120 = arith.divf %slice3A_118, %div3A_119 : vector<1024x32xf32>
    %add3A_121 = arith.constant 1 : i32
    %add3A_122 = vector.broadcast %add3A_121 : i32 to vector<1024x8xi32>
    %add3A_123 = arith.addi %mul3A_47, %add3A_122 : vector<1024x8xi32>
    %eq3A_124 = arith.cmpi eq, %iota3A_48, %add3A_123 : vector<1024x8xi32>
    %jit3A_125 = arith.constant 0.000000e+00 : f32
    %broadcast_in_dim3A_126 = vector.broadcast %jit3A_125 : f32 to vector<1024x8xf32>
    %select_n3A_127 = arith.select %eq3A_124, %dot_general3A_99, %broadcast_in_dim3A_126 : vector<1024x8xi1>, vector<1024x8xf32>
    %reduce_sum3A_128 = arith.constant dense<0.000000e+00> : vector<1024xf32>
    %reduce_sum3A_129 = vector.multi_reduction <add>, %select_n3A_127, %reduce_sum3A_128 [1] : vector<1024x8xf32> to vector<1024xf32>
    %broadcast_in_dim3A_130 = vector.shape_cast %reduce_sum3A_129 : vector<1024xf32> to vector<1024x1xf32>
    %add3A_131 = arith.constant 1.000000e-16 : f32
    %add3A_132 = vector.broadcast %add3A_131 : f32 to vector<1024x1xf32>
    %add3A_133 = arith.addf %broadcast_in_dim3A_130, %add3A_132 : vector<1024x1xf32>
    %get3A_134 = arith.constant 1 : index
    %get3A_135 = arith.constant 0 : index
    %get3A_136 = arith.constant 0 : index
    %get3A_137 = vector.load %arg1[%get3A_134, %get3A_135, %get3A_136] : memref<2x1024x64xf32, #tpu.memory_space<vmem>>, vector<1x1024x64xf32>
    %get3A_138 = vector.shape_cast %get3A_137 : vector<1x1024x64xf32> to vector<1024x64xf32>
    %slice3A_139 = vector.extract_strided_slice %get3A_138 {offsets = [0, 32], sizes = [1024, 32], strides = [1, 1]} : vector<1024x64xf32> to vector<1024x32xf32>
    %div3A_140 = vector.broadcast %add3A_133 : vector<1024x1xf32> to vector<1024x32xf32>
    %div3A_141 = arith.divf %slice3A_139, %div3A_140 : vector<1024x32xf32>
    %concatenate3A = tpu.concatenate %div3A_71, %div3A_92, %div3A_120, %div3A_141 in 1 : vector<1024x32xf32>, vector<1024x32xf32>, vector<1024x32xf32>, vector<1024x32xf32> -> vector<1024x128xf32>
    %get3A_142 = arith.constant 0 : index
    %get3A_143 = arith.constant 0 : index
    %get3A_144 = vector.load %arg3[%get3A_142, %get3A_143] : memref<1024x128xf32, #tpu.memory_space<vmem>>, vector<1024x128xf32>
    %add3A_145 = arith.addf %concatenate3A, %get3A_144 : vector<1024x128xf32>
    %gt3A = arith.constant 0.000000e+00 : f32
    %gt3A_146 = vector.broadcast %gt3A : f32 to vector<1024x128xf32>
    %gt3A_147 = arith.cmpf ogt, %add3A_145, %gt3A_146 : vector<1024x128xf32>
    %min3A = arith.constant 0.000000e+00 : f32
    %min3A_148 = vector.broadcast %min3A : f32 to vector<1024x128xf32>
    %min3A_149 = arith.minimumf %add3A_145, %min3A_148 : vector<1024x128xf32>
    %exp3A = math.exp %min3A_149 : vector<1024x128xf32>
    %sub3A_150 = arith.constant 1.000000e+00 : f32
    %sub3A_151 = vector.broadcast %sub3A_150 : f32 to vector<1024x128xf32>
    %sub3A_152 = arith.subf %exp3A, %sub3A_151 : vector<1024x128xf32>
    %select_n3A_153 = arith.select %gt3A_147, %add3A_145, %sub3A_152 : vector<1024x128xi1>, vector<1024x128xf32>
    %swap3A = arith.constant 0 : index
    %swap3A_154 = arith.constant 0 : index
    %swap3A_155 = vector.load %arg4[%swap3A, %swap3A_154] : memref<1024x128xf32, #tpu.memory_space<vmem>>, vector<1024x128xf32>
    tpu.vector_store %arg4[%swap3A, %swap3A_154], %select_n3A_153 {strides = array<i32>} : memref<1024x128xf32, #tpu.memory_space<vmem>>, vector<1024x128xf32>,
    return
  }
  func.func @transform_0(%arg0: i32) -> (i32, i32, i32) {
    %c0_i32 = arith.constant 0 : i32
    %c0_i32_0 = arith.constant 0 : i32
    %c0_i32_1 = arith.constant 0 : i32
    return %c0_i32, %arg0, %c0_i32_0 : i32, i32, i32
  }
  func.func @transform_1(%arg0: i32) -> (i32, i32, i32) {
    %c0_i32 = arith.constant 0 : i32
    %c0_i32_0 = arith.constant 0 : i32
    %c0_i32_1 = arith.constant 0 : i32
    return %c0_i32, %arg0, %c0_i32_0 : i32, i32, i32
  }
  func.func @transform_2(%arg0: i32) -> (i32, i32) {
    %c0_i32 = arith.constant 0 : i32
    %c0_i32_0 = arith.constant 0 : i32
    return %arg0, %c0_i32 : i32, i32
  }
  func.func @transform_3(%arg0: i32) -> (i32, i32) {
    %c0_i32 = arith.constant 0 : i32
    %c0_i32_0 = arith.constant 0 : i32
    return %arg0, %c0_i32 : i32, i32
  }
}

</mosaic_0001>

<sc_bundles>
// kernel: kernel.6.cloned.1.call-start
scs
__scs_entry_jumppad:
0x0: {  	(pc) =	sbr.rel $0x88, $3  }
0x1: {  	(tag) =	ssettag $0x0;
	lr =	simm.s32 $0x1  }
0x2: {  	[smem:$0x3F9A] =	sst lr;
	_ =	strace $0xD0000000  }
0x3: {  	_ = 	snop  }
0x4: {  	_ = 	snop  }
0x5: {  	_ = 	snop  }
0x6: {  	_ = 	snop  }
0x7: {  	_ = 	snop  }
__scs_overlays_trampoline_lowered:
0x8: {  	[smem:$0x3FA9] =	sst s0  }
0x9: {  	[smem:$0x3FAA] =	sst s1  }
0xa: {  	[smem:$0x3FAB] =	sst s2  }
0xb: {  	[smem:$0x3FAC] =	sst s3  }
0xc: {  	[smem:$0x3FAD] =	sst s4  }
0xd: {  	[smem:$0x3FAE] =	sst s5  }
0xe: {  	[smem:$0x3FAF] =	sst s6  }
0xf: {  	[smem:$0x3FB0] =	sst s7  }
0x10: {  	[smem:$0x3FB1] =	sst s8  }
0x11: {  	[smem:$0x3FB2] =	sst s9;
	s0 =	simm.s32 @!p0 $0x0  }
0x12: {  	s1 =	sld [smem:$0x3F98];
	s0 =	simm.s32 @p0 $0x1  }
0x13: {  	[smem:$0x3FB3] =	sst s0;
	s0 =	simm.s32 @!p1 $0x0  }
0x14: {  	s2 =	sld [smem:$0x3F97];
	s0 =	simm.s32 @p1 $0x1  }
0x15: {  	[smem:$0x3FB4] =	sst s0;
	s0 =	simm.s32 @!p2 $0x0  }
0x16: {  	s3 =	sld [smem:$0x3FDB];
	s0 =	simm.s32 @p2 $0x1  }
0x17: {  	s4 =	simm.s32 $0x1BF5;
	[smem:$0x3FB6] =	sst s0  }
0x18: {  	s0 =	sld [smem:$0x3F99];
	_ =	swait.ge [sflag:s4], $0x0  }
0x19: {  	s7 =	sld [smem:$0x3F9A]  }
0x1a: {  	s8 =	sadd.s32 $0xFFFFE003, lr  }
0x1b: {  	s9 =	sadd.s32 $0xFFFFFEF7, lr;
	s5 =	simm.s32 $0xFFFFFFFF;
	p2 =	slt.u32 s8, $0xFFFFF086  }
0x1c: {  	p1 =	slt.u32 s9, $0xF7A;
	s5 =	simm.s32 @!p2 $0x0  }
0x1d: {  	s5 =	simm.s32 @p1 $0x1;
	p0 =	seq.s32 s7, s2  }
0x1e: {  	s7 =	smul.u32 @!p0 $0xF7A, s2;
	p2 =	seq.s32 @!p0 s5, $0x0  }
0x1f: {  	s9 =	smul.u32 $0xF7A, s1;
	s8 =	simm.s32 @!p0 $0x1BF5;
	p2 =	por !p2, p0  }
0x20: {  	[sflag:s8] =	ssyncset.s32 @!p0 $0xFFFFF086;
	s6 =	sadd.s32 @!p0 s3, s7;
	s7 =	simm.s32 @!p0 $0x108  }
0x21: {  	s3 =	sadd.s32 s3, s9;
	s6 =	sadd.s32 @!p0 $0x88, s6;
	s7 =	simm.s32 @p2 $0x1082  }
0x22: {  	[simem:s7], [sflag:s8] =	dma.local @!p0 [hbm:s6], $0xF7A  }
0x23: {  	s9 =	sor.u32 $0xD0000000, s2;
	s6 =	simm.s32 $0x108;
	_ =	swait.ge @!p0 [sflag:s8], $0x0  }
0x24: {  	s3 =	sadd.s32 $0x88, s3;
	s6 =	simm.s32 @!p1 $0x1082;
	[sflag:s4] =	ssyncset.s32 $0xFFFFF086  }
0x25: {  	[simem:s6], [sflag:s4] =	dma.local [hbm:s3], $0xF7A  }
0x26: {  	[smem:$0x3F9A] =	sst s1;
	(tag) =	ssettag s2;
	_ =	strace s9  }
0x27: {  	s1 =	sld [smem:$0x3FAA]  }
0x28: {  	s2 =	sld [smem:$0x3FAB]  }
0x29: {  	s4 =	sld [smem:$0x3FAD]  }
0x2a: {  	p0 =	seq.s32 s5, $0x0;
	s5 =	sld [smem:$0x3FAE]  }
0x2b: {  	s6 =	sld [smem:$0x3FAF]  }
0x2c: {  	s7 =	sld [smem:$0x3FB0]  }
0x2d: {  	s3 =	simm.s32 $0x108;
	s8 =	sld [smem:$0x3FB1]  }
0x2e: {  	s3 =	simm.s32 @!p0 $0x1082;
	s9 =	sld [smem:$0x3FB2]  }
0x2f: {  	lr =	sadd.s32 s0, s3;
	s0 =	sld [smem:$0x3FA9]  }
0x30: {  	s3 =	sld [smem:$0x3FAC]  }
0x31: {  	[smem:$0x3FB5] =	sst s10  }
0x32: {  	s10 =	sld [smem:$0x3FB3];
	_ =	sdelay $0x3  }
0x33: {  	p0 =	seq.s32 s10, $0x1;
	s10 =	sld [smem:$0x3FB5];
	_ =	sdelay $0x3  }
0x34: {  	[smem:$0x3FB5] =	sst s10  }
0x35: {  	s10 =	sld [smem:$0x3FB4];
	_ =	sdelay $0x3  }
0x36: {  	p1 =	seq.s32 s10, $0x1;
	s10 =	sld [smem:$0x3FB5];
	_ =	sdelay $0x3  }
0x37: {  	[smem:$0x3FB5] =	sst s10  }
0x38: {  	s10 =	sld [smem:$0x3FB6]  }
0x39: {  	_ = 	snop;
	(pc) =	sbr.ind lr, $3  }
0x3a: {  	_ = 	snop  }
0x3b: {  	_ = 	snop  }
0x3c: {  	p2 =	seq.s32 s10, $0x1;
	s10 =	sld [smem:$0x3FB5]  }
0x3d: {  	_ =	shalt  }
0x3e: {  	_ =	shalt  }
0x3f: {  	_ =	shalt  }
0x40: {  	_ =	shalt  }
0x41: {  	_ =	shalt  }
0x42: {  	_ =	shalt  }
0x43: {  	_ =	shalt  }
0x44: {  	_ =	shalt  }
0x45: {  	_ =	shalt  }
0x46: {  	_ =	shalt  }
0x47: {  	_ =	shalt  }
0x48: {  	_ =	shalt  }
0x49: {  	_ =	shalt  }
0x4a: {  	_ =	shalt  }
0x4b: {  	_ =	shalt  }
0x4c: {  	_ =	shalt  }
0x4d: {  	_ =	shalt  }
0x4e: {  	_ =	shalt  }
0x4f: {  	_ =	shalt  }
0x50: {  	_ =	shalt  }
0x51: {  	_ =	shalt  }
0x52: {  	_ =	shalt  }
0x53: {  	_ =	shalt  }
0x54: {  	_ =	shalt  }
0x55: {  	_ =	shalt  }
0x56: {  	_ =	shalt  }
0x57: {  	_ =	shalt  }
0x58: {  	_ =	shalt  }
0x59: {  	_ =	shalt  }
0x5a: {  	_ =	shalt  }
0x5b: {  	_ =	shalt  }
0x5c: {  	_ =	shalt  }
0x5d: {  	_ =	shalt  }
0x5e: {  	_ =	shalt  }
0x5f: {  	_ =	shalt  }
0x60: {  	_ =	shalt  }
0x61: {  	_ =	shalt  }
0x62: {  	_ =	shalt  }
0x63: {  	_ =	shalt  }
0x64: {  	_ =	shalt  }
0x65: {  	_ =	shalt  }
0x66: {  	_ =	shalt  }
0x67: {  	_ =	shalt  }
0x68: {  	_ =	shalt  }
0x69: {  	_ =	shalt  }
0x6a: {  	_ =	shalt  }
0x6b: {  	_ =	shalt  }
0x6c: {  	_ =	shalt  }
0x6d: {  	_ =	shalt  }
0x6e: {  	_ =	shalt  }
0x6f: {  	_ =	shalt  }
0x70: {  	_ =	shalt  }
0x71: {  	_ =	shalt  }
0x72: {  	_ =	shalt  }
0x73: {  	_ =	shalt  }
0x74: {  	_ =	shalt  }
0x75: {  	_ =	shalt  }
0x76: {  	_ =	shalt  }
0x77: {  	_ =	shalt  }
0x78: {  	_ =	shalt  }
0x79: {  	_ =	shalt  }
0x7a: {  	_ =	shalt  }
0x7b: {  	_ =	shalt  }
0x7c: {  	_ =	shalt  }
0x7d: {  	_ =	shalt  }
0x7e: {  	_ =	shalt  }
0x7f: {  	_ =	shalt  }
0x80: {  	_ =	shalt  }
0x81: {  	_ =	shalt  }
0x82: {  	_ =	shalt  }
0x83: {  	_ =	shalt  }
0x84: {  	_ =	shalt  }
0x85: {  	_ =	shalt  }
0x86: {  	_ =	shalt  }
0x87: {  	_ =	shalt  }
.Lfunc_end0:
.L_simem_size_0:
called_computation_lowered:
.L_overlay_start_0:
0x88: {  	s2 =	sld [smem:$0x3FD9]  }
0x89: {  	s3 =	sld [smem:$0x3FFE];
	_ =	sdelay $0x1  }
0x8a: {  	s1 =	srdreg.scid  }
0x8b: {  	s0 =	sand.u32 $0x1, s1  }
0x8c: {  	s17 =	sshll.u32 s0, $0xA;
	s2 =	sadd.s32 s3, s2  }
0x8d: {  	s2 =	sadd.s32 s2, s17  }
0x8e: {  	[smem:$0x3FC1] =	sst s2  }
0x8f: {  	_ = 	snop  }
0x90: {  	s2 =	sld [smem:$0x3FD0];
	(tm) =	ssettm $0x1  }
0x91: {  	s18 =	sld [smem:$0x3FFB];
	_ =	sdelay $0x3  }
0x92: {  	_ =	strace s18  }
0x93: {  	s3 =	sld [smem:$0x3FFC];
	_ =	sdelay $0x3  }
0x94: {  	_ =	strace s3  }
0x95: {  	s3 =	sld [smem:$0x3FFD];
	_ =	sdelay $0x3  }
0x96: {  	_ =	strace s3  }
0x97: {  	_ =	strace $0x8FFFFFFF  }
0x98: {  	s19 =	sld [smem:$0x3FDB];
	_ =	sdelay $0x1  }
0x99: {  	s4 =	simm.s32 $_scs_section_size  }
0x9a: {  	s5 =	simm.s32 $_size__tile_overlayer_lowered;
	s6 =	simm.s32 $_tile_overlayer_lowered  }
0x9b: {  	s22 =	simm.s32 $0x1BFF;
	s21 =	sshll.u32 s6, $0x1;
	s3 =	sadd.s32 s4, s19  }
0x9c: {  	s7 =	simm.s32 $0x0;
	s20 =	sshll.u32 s5, $0x1;
	s5 =	sadd.s32 s21, s3  }
0x9d: {  	[timem:s7], [sflag:s22] =	dma.local [hbm:s5], s20  }
0x9e: {  	_ =	swait.ge [sflag:s22], s20  }
0x9f: {  	s4 =	ssub.s32 $0x0, s20;
	[sflag:s22] =	ssyncset.done $0x0  }
0xa0: {  	[sflag:s22] =	ssyncadd.s32 s4;
	_ =	sdelay $0x1  }
0xa1: {  	s23 =	simm.s32 $0x1B8B  }
0xa2: {  	_ =	swait.ge [sflag:s23], $0x1  }
0xa3: {  	[sflag:s23] =	ssyncset.done $0x0  }
0xa4: {  	s25 =	simm.s32 $0x1B8E;
	s24 =	sld [smem:$0x3FFE];
	[sflag:s23] =	ssyncadd.s32 $0xFFFFFFFF  }
0xa5: {  	s26 =	simm.s32 $execute0_lowered;
	[smem:$0x3FD2] =	sst s25  }
0xa6: {  	s5 =	sshll.u32 s26, $0x1;
	_ =	strace $0x80000046;
	[dreg:$0x1] =	wrdreg $0xFFFFFFFF  }
0xa7: {  	s28 =	simm.s32 $_size_execute0_lowered;
	s3 =	sadd.s32 s3, s5;
	[dreg:$0x0] =	wrdreg $0x0  }
0xa8: {  	s5 =	sshll.u32 s28, $0x1;
	[dreg:$0x2] =	wrdreg s3  }
0xa9: {  	[dreg:$0x3] =	wrdreg s5  }
0xaa: {  	[dreg:$0x4] =	wrdreg $0xC0  }
0xab: {  	_ =	task [dreg:s7], $0x5FFFF  }
0xac: {  	[dreg:$0x1] =	wrdreg $0xFFFFFFFF  }
0xad: {  	[dreg:$0x0] =	wrdreg $0x60  }
0xae: {  	[dreg:$0x2] =	wrdreg s24  }
0xaf: {  	[dreg:$0x3] =	wrdreg s2  }
0xb0: {  	[dreg:$0x4] =	wrdreg $0x156000  }
0xb1: {  	[dreg:$0x5] =	wrdreg $0x1F2400  }
0xb2: {  	[dreg:$0x6] =	wrdreg $0x9  }
0xb3: {  	_ =	task.clear_ibuf [dreg:s7], $0x7FFFF;
	_ =	strace $0x90000046  }
0xb4: {  	s29 =	simm.s32 $0x9;
	_ =	strace $0x80000048  }
0xb5: {  	_ =	swait.ge [sflag:s29], $0x1  }
0xb6: {  	[sflag:s29] =	ssyncadd.s32 $0xFFFFFFFF  }
0xb7: {  	_ =	strace $0x90000048  }
0xb8: {  	_ =	sfence  }
0xb9: {  	s30 =	sld [smem:$0x0];
	_ =	sdelay $0x2  }
0xba: {  	s31 =	sshll.u32 s1, $0xD;
	s1 =	sshrl.u32 s1, $0x2  }
0xbb: {  	s3 =	sand.u32 $0x4000, s31;
	s1 =	sadd.s32 s1, s30  }
0xbc: {  	s0 =	sor.u32 s3, s0;
	s1 =	sshll.u32 s1, $0x11  }
0xbd: {  	s0 =	sor.u32 s1, s0  }
0xbe: {  	s0 =	sadd.s32 $0x8F2B, s0  }
0xbf: {  	[sflag:s0] =	ssyncadd.remote.s32 $0x1  }
0xc0: {  	_ =	sfence.sel $0xFFFF  }
0xc1: {  	[dreg:$0x0] =	wrdreg $0xFFFFFFFF;
	(pc) =	sbr.abs _section_cstart, $3  }
0xc2: {  	[dreg:$0x1] =	wrdreg $0xFFFFFFFF  }
0xc3: {  	_ =	task.clear_ibuf [dreg:s7], $0x2FFFF;
	_ =	strace $0x9FFFFFFF  }
0xc4: {  	(tm) =	ssettm $0x7FFFFFFF  }
0xc5: {  	_ =	shalt  }
tec
execute0_lowered:
.L_overlay_start_1:
0x0: {  	(tag) =	ssettag $0x1  }
0x1: {  	s0 =	rddreg [dreg:$0x0]  }
0x2: {  	s1 =	rddreg [dreg:$0x1]  }
0x3: {  	s2 =	rddreg [dreg:$0x2]  }
0x4: {  	s3 =	rddreg [dreg:$0x3];
	s16 =	stileid.u32  }
0x5: {  	s4 =	simm.s32 $0x0;
	s5 =	srdreg.scid;
	s8 =	smul.u32 $0x1300, s16  }
0x6: {  	[smem:$0x7FF] =	sst s4;
	s5 =	sand.u32 $0x1, s5;
	s12 =	smul.u32 $0x5100, s16  }
0x7: {  	s6 =	sadd.s32 $0x6E00, s0;
	s10 =	sadd.s32 $0x12400, s0;
	s15 =	smul.u32 $0x9C00, s16  }
0x8: {  	s26 =	sadd.s32 $0x9C000, s2;
	s14 =	sadd.s32 $0x4C00, s3;
	s20 =	smul.u32 $0x4C0, s16  }
0x9: {  	s7 =	smul.u32 $0x2710, s5;
	_ =	strace $0x80000047;
	[dreg:$0x7] =	wrdreg s26  }
0xa: {  	s11 =	ssub.s32 $0x2, s5;
	s24 =	smul.u32 $0xA0000, s5;
	[dreg:$0x8] =	wrdreg s14  }
0xb: {  	s5 =	smul.u32 $0x5000, s5;
	s8 =	sshrl.u32 s8, $0x2;
	s13 =	sshrl.u32 s11, $0x1  }
0xc: {  	s19 =	sshrl.u32 s12, $0x3;
	s14 =	sor.u32 $0x60, s12;
	s23 =	sadd.s32 s15, s2  }
0xd: {  	s9 =	sadd.s32 s7, s0;
	s0 =	sadd.s32 $0x11000, s0;
	s17 =	sadd.s32 s8, s3  }
0xe: {  	s11 =	ssub.s32 s11, s13;
	v0 =	vmov s7;
	s7 =	sadd.s32 s6, s19;
	s13 =	sor.u32 $0x30, s12  }
0xf: {  	s21 =	sadd.s32 s15, s24;
	s22 =	sadd.s32 s20, s5;
	[dreg:$0xa] =	wrdreg s7  }
0x10: {  	s8 =	sshrl.u32 s24, $0x3;
	s25 =	sadd.s32 $0x480, s17;
	[dreg:$0x5] =	wrdreg s17  }
0x11: {  	s24 =	smul.u32 $0x27000, s16;
	s18 =	sadd.s32 $0x1E00, s9;
	[dreg:$0x6] =	wrdreg s25  }
0x12: {  	s7 =	sshrl.u32 s21, $0x3;
	s26 =	smax.u32 s11, $0x1;
	[dreg:$0x9] =	wrdreg s18  }
0x13: {  	s12 =	sshrl.u32 s22, $0x3;
	s7 =	sadd.s32 s10, s7;
	[dreg:$0xf] =	wrdreg s26  }
0x14: {  	s8 =	sadd.s32 s10, s8;
	s12 =	sadd.s32 s0, s12;
	[dreg:$0xb] =	wrdreg s7  }
0x15: {  	s9 =	sadd.s32 s20, s3;
	s8 =	sadd.s32 $0x13800, s8;
	[dreg:$0xc] =	wrdreg s12  }
0x16: {  	s5 =	sshrl.u32 s5, $0x3;
	s15 =	sshrl.u32 s9, $0x3;
	[dreg:$0xd] =	wrdreg s8  }
0x17: {  	v1 =	vlaneseq.u32;
	s0 =	sadd.s32 s0, s5;
	s26 =	sadd.s32 $0x300, s17;
	[dreg:$0x15] =	wrdreg s15  }
0x18: {  	v2 =	vimm.f32 $0.0e+00;
	v3 =	vor.u32 $0x10, v1;
	v16 =	vor.u32 $0xE0, v1;
	s0 =	sadd.s32 $0x980, s0;
	[smem:$0x7FD] =	sst s26  }
0x19: {  	v17 =	vor.u32 $0xF0, v1;
	v18 =	vor.u32 $0x100, v1;
	v19 =	vor.u32 $0x110, v1;
	s25 =	sshrl.u32 s24, $0x2;
	s12 =	sshrl.u32 s23, $0x3;
	[dreg:$0xe] =	wrdreg s0  }
0x1a: {  	v20 =	vor.u32 $0x120, v1;
	v21 =	vor.u32 $0x130, v1;
	v22 =	vor.u32 $0x140, v1;
	s8 =	sadd.s32 s25, s2;
	[dreg:$0x14] =	wrdreg s12  }
0x1b: {  	v23 =	vor.u32 $0x150, v1;
	v24 =	vor.u32 $0x160, v1;
	v25 =	vor.u32 $0x170, v1;
	s25 =	sadd.s32 $0x180, s17;
	[dreg:$0x10] =	wrdreg s8  }
0x1c: {  	v26 =	vor.u32 $0x180, v1;
	v27 =	vor.u32 $0x190, v1;
	v28 =	vor.u32 $0x1A0, v1;
	s5 =	sadd.s32 $0xC00, s8;
	[dreg:$0x1f] =	wrdreg s25  }
0x1d: {  	v29 =	vor.u32 $0x1B0, v1;
	v30 =	vor.u32 $0x1C0, v1;
	v31 =	vor.u32 $0x1D0, v1;
	s10 =	sadd.s32 $0x1800, s8;
	[dreg:$0x11] =	wrdreg s5  }
0x1e: {  	v32 =	vor.u32 $0x1E0, v1;
	v33 =	vor.u32 $0x1F0, v1;
	v34 =	vor.u32 $0x200, v1;
	s11 =	sadd.s32 $0x2400, s8;
	[dreg:$0x12] =	wrdreg s10  }
0x1f: {  	p0 =	sne.s32 s16, $0xF;
	v35 =	vor.u32 $0x210, v1;
	v36 =	vor.u32 $0x220, v1;
	[tilespmem:$0x1FF30] =	vst v3;
	v3 =	vor.u32 $0x20, v1;
	s16 =	sadd.s32 $0x3000, s8;
	[dreg:$0x13] =	wrdreg s11  }
0x20: {  	v37 =	vor.u32 $0x230, v1;
	v38 =	vor.u32 $0x240, v1;
	[tilespmem:$0x1FF40] =	vst v3;
	v3 =	vor.u32 $0x30, v1;
	s18 =	sadd.s32 $0x3C00, s8;
	[dreg:$0x16] =	wrdreg s16  }
0x21: {  	s28 =	simm.s32 $0x13970;
	v39 =	vor.u32 $0x250, v1;
	v40 =	vor.u32 $0x260, v1;
	[tilespmem:$0x1FF50] =	vst v3;
	v3 =	vor.u32 $0x40, v1;
	s19 =	sadd.s32 $0x4800, s8;
	[dreg:$0x17] =	wrdreg s18  }
0x22: {  	s29 =	simm.s32 $0x15380;
	v41 =	vor.u32 $0x270, v1;
	v42 =	vor.u32 $0x280, v1;
	[tilespmem:$0x1FF60] =	vst v3;
	v3 =	vor.u32 $0x50, v1;
	s20 =	sadd.s32 $0x5400, s8;
	[dreg:$0x18] =	wrdreg s19  }
0x23: {  	s30 =	simm.s32 $0x1;
	v43 =	vor.u32 $0x290, v1;
	v44 =	vor.u32 $0x2A0, v1;
	[tilespmem:$0x1FF70] =	vst v3;
	v3 =	vor.u32 $0x60, v1;
	s21 =	sadd.s32 $0x6000, s8;
	[dreg:$0x19] =	wrdreg s20  }
0x24: {  	s31 =	simm.s32 $0x138E0;
	v45 =	vor.u32 $0x2B0, v1;
	v46 =	vmul.u32 $0x8, v1;
	[tilespmem:$0x1FF80] =	vst v3;
	v3 =	vor.u32 $0x70, v1;
	s22 =	sadd.s32 $0x6C00, s8;
	[dreg:$0x1a] =	wrdreg s21  }
0x25: {  	v47 =	vor.u32 $0x2C0, v1;
	v48 =	vor.u32 $0x2D0, v1;
	s17 =	simm.s32 $0x13A00;
	[tilespmem:$0x1FF90] =	vst v3;
	v3 =	vor.u32 $0x80, v1;
	s23 =	sadd.s32 $0x7800, s8;
	[dreg:$0x1b] =	wrdreg s22  }
0x26: {  	v49 =	vor.u32 $0x2E0, v1;
	v50 =	vor.u32 $0x2F0, v1;
	s26 =	simm.s32 $0x14600;
	s24 =	sadd.s32 $0x8400, s8;
	[tilespmem:$0x1FFA0] =	vst v3;
	v3 =	vor.u32 $0x90, v1;
	[dreg:$0x1c] =	wrdreg s23  }
0x27: {  	v51 =	vor.u32 $0x1, v46;
	v52 =	vor.u32 $0x80, v46;
	s0 =	sadd.s32 $0x9000, s8;
	s25 =	simm.s32 $0x139D0;
	[dreg:$0x1d] =	wrdreg s24;
	[tilespmem:$0x1FFB0] =	vst v3;
	v3 =	vor.u32 $0xA0, v1  }
0x28: {  	v53 =	vor.u32 $0x81, v46;
	v54 =	vor.u32 $0x100, v46;
	s8 =	simm.s32 $0x3;
	s12 =	simm.s32 $0x0;
	[dreg:$0x1e] =	wrdreg s0;
	[tilespmem:$0x1FFC0] =	vst v3;
	v3 =	vor.u32 $0xB0, v1  }
0x29: {  	v55 =	vor.u32 $0x101, v46;
	v56 =	vor.u32 $0x180, v46;
	s16 =	simm.s32 $0x15200;
	s18 =	simm.s32 $0x5;
	s19 =	simm.s32 $0x13880;
	[tilespmem:$0x1FFD0] =	vst v3;
	v3 =	vor.u32 $0xC0, v1  }
0x2a: {  	v57 =	vor.u32 $0x181, v46;
	v58 =	vor.u32 $0x200, v46;
	s21 =	simm.s32 $0x30;
	s22 =	simm.s32 $0x139A0;
	s23 =	simm.s32 $0x13940;
	[tilespmem:$0x1FFE0] =	vst v3;
	v3 =	vor.u32 $0xD0, v1  }
0x2b: {  	v59 =	vor.u32 $0x201, v46;
	v60 =	vor.u32 $0x280, v46;
	v61 =	vor.u32 $0x281, v46;
	s24 =	simm.s32 $0x138B0;
	s0 =	simm.s32 $0x2;
	s5 =	simm.s32 $0x13910;
	[tilespmem:$0x1FFF0] =	vst v3  }
.LBB2_1:
0x2c: {  	s9 =	simm.s32 $0x100;
	s7 =	simm.s32 $0x0  }
.LBB2_2:
0x2d: {  	p1 =	sne.s32 s9, $0x2F00;
	[tilespmem:s7+$0x13A30] =	vst v2;
	s10 =	smov.u32 s9;
	s9 =	sadd.s32 $0x100, s9  }
.Ltmp0:
0x2e: {  	[tilespmem:s7+$0x13A20] =	vst v2;
	(pc) =	sbr.rel @p1 .LBB2_2-.Ltmp0, $3  }
0x2f: {  	[tilespmem:s7+$0x13A00] =	vst v2  }
0x30: {  	[tilespmem:s7+$0x13A10] =	vst v2;
	_ =	sdelay $0x1  }
0x31: {  	s7 =	sshra.s32 s10, $0x2  }
0x32: {  	v3 =	vld [tilespmem:$0x1FF30];
	_ =	sdelay $0x2  }
0x33: {  	[tilespmem:s7+$0x13A30] =	vst v2  }
0x34: {  	[tilespmem:s7+$0x13A20] =	vst v2  }
0x35: {  	[tilespmem:s7+$0x13A00] =	vst v2  }
0x36: {  	[tilespmem:s7+$0x13A10] =	vst v2  }
0x37: {  	[tilespmem:v1+s16+$0x0] =	vst.idx.msk $0xffff, v2  }
0x38: {  	[tilespmem:v3+s16+$0x0] =	vst.idx.msk $0xffff, v2;
	v3 =	vld [tilespmem:$0x1FF40];
	_ =	sdelay $0x7  }
0x39: {  	[tilespmem:v3+s16+$0x0] =	vst.idx.msk $0xffff, v2;
	v3 =	vld [tilespmem:$0x1FF50];
	_ =	sdelay $0x7  }
0x3a: {  	[tilespmem:v3+s16+$0x0] =	vst.idx.msk $0xffff, v2;
	v3 =	vld [tilespmem:$0x1FF60];
	_ =	sdelay $0x7  }
0x3b: {  	[tilespmem:v3+s16+$0x0] =	vst.idx.msk $0xffff, v2;
	v3 =	vld [tilespmem:$0x1FF70];
	_ =	sdelay $0x7  }
0x3c: {  	[tilespmem:v3+s16+$0x0] =	vst.idx.msk $0xffff, v2;
	v3 =	vld [tilespmem:$0x1FF80];
	_ =	sdelay $0x7  }
0x3d: {  	[tilespmem:v3+s16+$0x0] =	vst.idx.msk $0xffff, v2;
	v3 =	vld [tilespmem:$0x1FF90];
	_ =	sdelay $0x7  }
0x3e: {  	[tilespmem:v3+s16+$0x0] =	vst.idx.msk $0xffff, v2;
	v3 =	vld [tilespmem:$0x1FFA0];
	_ =	sdelay $0x7  }
0x3f: {  	[tilespmem:v3+s16+$0x0] =	vst.idx.msk $0xffff, v2;
	v3 =	vld [tilespmem:$0x1FFB0];
	_ =	sdelay $0x7  }
0x40: {  	[tilespmem:v3+s16+$0x0] =	vst.idx.msk $0xffff, v2;
	v3 =	vld [tilespmem:$0x1FFC0];
	_ =	sdelay $0x7  }
0x41: {  	[tilespmem:v3+s16+$0x0] =	vst.idx.msk $0xffff, v2;
	v3 =	vld [tilespmem:$0x1FFD0];
	_ =	sdelay $0x7  }
0x42: {  	[tilespmem:v3+s16+$0x0] =	vst.idx.msk $0xffff, v2;
	v3 =	vld [tilespmem:$0x1FFE0];
	_ =	sdelay $0x7  }
0x43: {  	[tilespmem:v3+s16+$0x0] =	vst.idx.msk $0xffff, v2;
	v3 =	vld [tilespmem:$0x1FFF0];
	_ =	sdelay $0x7  }
0x44: {  	[tilespmem:v3+s16+$0x0] =	vst.idx.msk $0xffff, v2  }
0x45: {  	[tilespmem:v16+s16+$0x0] =	vst.idx.msk $0xffff, v2  }
0x46: {  	[tilespmem:v17+s16+$0x0] =	vst.idx.msk $0xffff, v2  }
0x47: {  	[tilespmem:v18+s16+$0x0] =	vst.idx.msk $0xffff, v2  }
0x48: {  	[tilespmem:v19+s16+$0x0] =	vst.idx.msk $0xffff, v2  }
0x49: {  	[tilespmem:v20+s16+$0x0] =	vst.idx.msk $0xffff, v2  }
0x4a: {  	[tilespmem:v21+s16+$0x0] =	vst.idx.msk $0xffff, v2  }
0x4b: {  	[tilespmem:v22+s16+$0x0] =	vst.idx.msk $0xffff, v2  }
0x4c: {  	[tilespmem:v23+s16+$0x0] =	vst.idx.msk $0xffff, v2  }
0x4d: {  	[tilespmem:v24+s16+$0x0] =	vst.idx.msk $0xffff, v2  }
0x4e: {  	[tilespmem:v25+s16+$0x0] =	vst.idx.msk $0xffff, v2  }
0x4f: {  	[tilespmem:v26+s16+$0x0] =	vst.idx.msk $0xffff, v2  }
0x50: {  	[tilespmem:v27+s16+$0x0] =	vst.idx.msk $0xffff, v2  }
0x51: {  	[tilespmem:v28+s16+$0x0] =	vst.idx.msk $0xffff, v2  }
0x52: {  	[tilespmem:v29+s16+$0x0] =	vst.idx.msk $0xffff, v2  }
0x53: {  	[tilespmem:v30+s16+$0x0] =	vst.idx.msk $0xffff, v2  }
0x54: {  	[tilespmem:v31+s16+$0x0] =	vst.idx.msk $0xffff, v2  }
0x55: {  	[tilespmem:v32+s16+$0x0] =	vst.idx.msk $0xffff, v2  }
0x56: {  	[tilespmem:v33+s16+$0x0] =	vst.idx.msk $0xffff, v2  }
0x57: {  	[tilespmem:v34+s16+$0x0] =	vst.idx.msk $0xffff, v2  }
0x58: {  	[tilespmem:v35+s16+$0x0] =	vst.idx.msk $0xffff, v2  }
0x59: {  	[tilespmem:v36+s16+$0x0] =	vst.idx.msk $0xffff, v2  }
0x5a: {  	[tilespmem:v37+s16+$0x0] =	vst.idx.msk $0xffff, v2  }
0x5b: {  	[tilespmem:v38+s16+$0x0] =	vst.idx.msk $0xffff, v2  }
0x5c: {  	[tilespmem:v39+s16+$0x0] =	vst.idx.msk $0xffff, v2  }
0x5d: {  	[tilespmem:v40+s16+$0x0] =	vst.idx.msk $0xffff, v2  }
0x5e: {  	[tilespmem:v41+s16+$0x0] =	vst.idx.msk $0xffff, v2  }
0x5f: {  	[tilespmem:v42+s16+$0x0] =	vst.idx.msk $0xffff, v2  }
0x60: {  	[tilespmem:v43+s16+$0x0] =	vst.idx.msk $0xffff, v2  }
0x61: {  	[tilespmem:v44+s16+$0x0] =	vst.idx.msk $0xffff, v2  }
0x62: {  	[tilespmem:v45+s16+$0x0] =	vst.idx.msk $0xffff, v2  }
0x63: {  	[tilespmem:v47+s16+$0x0] =	vst.idx.msk $0xffff, v2  }
0x64: {  	[tilespmem:v48+s16+$0x0] =	vst.idx.msk $0xffff, v2  }
0x65: {  	[tilespmem:v49+s16+$0x0] =	vst.idx.msk $0xffff, v2  }
0x66: {  	s9 =	rddreg [dreg:$0x10];
	[tilespmem:v50+s16+$0x0] =	vst.idx.msk $0xffff, v2  }
0x67: {  	[spmem:s9] =	stream.linear.scatter [tilespmem:s17], [sflag:$0x5], $0xC00, $0x38;
	[tilespmem:$0x1F728] =	vst v63  }
0x68: {  	_ =	swait.ge [sflag:s18], $0xC00  }
0x69: {  	[sflag:s18] =	ssyncset.done $0x0  }
0x6a: {  	s10 =	rddreg [dreg:$0x11];
	[sflag:s18] =	ssyncadd.s32 $0xFFFFF400  }
0x6b: {  	[spmem:s10] =	stream.linear.scatter [tilespmem:s17], [sflag:$0x5], $0xC00, $0x38;
	[tilespmem:$0x1F728] =	vst v63  }
0x6c: {  	_ =	swait.ge [sflag:s18], $0xC00  }
0x6d: {  	[sflag:s18] =	ssyncset.done $0x0  }
0x6e: {  	s11 =	rddreg [dreg:$0x12];
	[sflag:s18] =	ssyncadd.s32 $0xFFFFF400  }
0x6f: {  	[spmem:s11] =	stream.linear.scatter [tilespmem:s17], [sflag:$0x5], $0xC00, $0x38;
	[tilespmem:$0x1F728] =	vst v63  }
0x70: {  	_ =	swait.ge [sflag:s18], $0xC00  }
0x71: {  	[sflag:s18] =	ssyncset.done $0x0  }
0x72: {  	s15 =	rddreg [dreg:$0x13];
	[sflag:s18] =	ssyncadd.s32 $0xFFFFF400  }
0x73: {  	[spmem:s15] =	stream.linear.scatter [tilespmem:s17], [sflag:$0x5], $0xC00, $0x38;
	[tilespmem:$0x1F728] =	vst v63  }
0x74: {  	_ =	swait.ge [sflag:s18], $0xC00  }
0x75: {  	[sflag:s18] =	ssyncset.done $0x0  }
0x76: {  	s20 =	rddreg [dreg:$0x16];
	[sflag:s18] =	ssyncadd.s32 $0xFFFFF400  }
0x77: {  	[spmem:s20] =	stream.linear.scatter [tilespmem:s17], [sflag:$0x5], $0xC00, $0x38;
	[tilespmem:$0x1F728] =	vst v63  }
0x78: {  	_ =	swait.ge [sflag:s18], $0xC00  }
0x79: {  	[sflag:s18] =	ssyncset.done $0x0  }
0x7a: {  	s9 =	rddreg [dreg:$0x17];
	[sflag:s18] =	ssyncadd.s32 $0xFFFFF400  }
0x7b: {  	[spmem:s9] =	stream.linear.scatter [tilespmem:s17], [sflag:$0x5], $0xC00, $0x38;
	[tilespmem:$0x1F728] =	vst v63  }
0x7c: {  	_ =	swait.ge [sflag:s18], $0xC00  }
0x7d: {  	[sflag:s18] =	ssyncset.done $0x0  }
0x7e: {  	s10 =	rddreg [dreg:$0x18];
	[sflag:s18] =	ssyncadd.s32 $0xFFFFF400  }
0x7f: {  	[spmem:s10] =	stream.linear.scatter [tilespmem:s17], [sflag:$0x5], $0xC00, $0x38;
	[tilespmem:$0x1F728] =	vst v63  }
0x80: {  	_ =	swait.ge [sflag:s18], $0xC00  }
0x81: {  	[sflag:s18] =	ssyncset.done $0x0  }
0x82: {  	s11 =	rddreg [dreg:$0x19];
	[sflag:s18] =	ssyncadd.s32 $0xFFFFF400  }
0x83: {  	[spmem:s11] =	stream.linear.scatter [tilespmem:s17], [sflag:$0x5], $0xC00, $0x38;
	[tilespmem:$0x1F728] =	vst v63  }
0x84: {  	_ =	swait.ge [sflag:s18], $0xC00  }
0x85: {  	[sflag:s18] =	ssyncset.done $0x0  }
0x86: {  	s15 =	rddreg [dreg:$0x1a];
	[sflag:s18] =	ssyncadd.s32 $0xFFFFF400  }
0x87: {  	[spmem:s15] =	stream.linear.scatter [tilespmem:s17], [sflag:$0x5], $0xC00, $0x38;
	[tilespmem:$0x1F728] =	vst v63  }
0x88: {  	_ =	swait.ge [sflag:s18], $0xC00  }
0x89: {  	[sflag:s18] =	ssyncset.done $0x0  }
0x8a: {  	s20 =	rddreg [dreg:$0x1b];
	[sflag:s18] =	ssyncadd.s32 $0xFFFFF400  }
0x8b: {  	[spmem:s20] =	stream.linear.scatter [tilespmem:s17], [sflag:$0x5], $0xC00, $0x38;
	[tilespmem:$0x1F728] =	vst v63  }
0x8c: {  	_ =	swait.ge [sflag:s18], $0xC00  }
0x8d: {  	[sflag:s18] =	ssyncset.done $0x0  }
0x8e: {  	s9 =	rddreg [dreg:$0x1c];
	[sflag:s18] =	ssyncadd.s32 $0xFFFFF400  }
0x8f: {  	[spmem:s9] =	stream.linear.scatter [tilespmem:s17], [sflag:$0x5], $0xC00, $0x38;
	[tilespmem:$0x1F728] =	vst v63  }
0x90: {  	_ =	swait.ge [sflag:s18], $0xC00  }
0x91: {  	[sflag:s18] =	ssyncset.done $0x0  }
0x92: {  	s10 =	rddreg [dreg:$0x1d];
	[sflag:s18] =	ssyncadd.s32 $0xFFFFF400  }
0x93: {  	[spmem:s10] =	stream.linear.scatter [tilespmem:s17], [sflag:$0x5], $0xC00, $0x38;
	[tilespmem:$0x1F728] =	vst v63  }
0x94: {  	_ =	swait.ge [sflag:s18], $0xC00  }
0x95: {  	[sflag:s18] =	ssyncset.done $0x0  }
0x96: {  	s11 =	rddreg [dreg:$0x1e];
	[sflag:s18] =	ssyncadd.s32 $0xFFFFF400  }
0x97: {  	[spmem:s11] =	stream.linear.scatter [tilespmem:s17], [sflag:$0x5], $0xC00, $0x38;
	[tilespmem:$0x1F728] =	vst v63  }
0x98: {  	_ =	swait.ge [sflag:s18], $0xC00  }
0x99: {  	[sflag:s18] =	ssyncset.done $0x0  }
0x9a: {  	s15 =	rddreg [dreg:$0x5];
	[sflag:s18] =	ssyncadd.s32 $0xFFFFF400  }
0x9b: {  	[spmem:s15] =	stream.linear.scatter [tilespmem:s16], [sflag:$0x5], $0x180, $0x38;
	[tilespmem:$0x1F728] =	vst v63  }
0x9c: {  	_ =	swait.ge [sflag:s18], $0x180  }
0x9d: {  	[sflag:s18] =	ssyncset.done $0x0  }
0x9e: {  	s20 =	rddreg [dreg:$0x1f];
	[sflag:s18] =	ssyncadd.s32 $0xFFFFFE80  }
0x9f: {  	[spmem:s20] =	stream.linear.scatter [tilespmem:s16], [sflag:$0x5], $0x180, $0x38;
	[tilespmem:$0x1F728] =	vst v63  }
0xa0: {  	_ =	swait.ge [sflag:s18], $0x180  }
0xa1: {  	s9 =	sld [smem:$0x7FD]  }
0xa2: {  	[sflag:s18] =	ssyncset.done $0x0  }
0xa3: {  	[sflag:s18] =	ssyncadd.s32 $0xFFFFFE80  }
0xa4: {  	[spmem:s9] =	stream.linear.scatter [tilespmem:s16], [sflag:$0x5], $0x180, $0x38;
	[tilespmem:$0x1F728] =	vst v63  }
0xa5: {  	_ =	swait.ge [sflag:s18], $0x180  }
0xa6: {  	[sflag:s18] =	ssyncset.done $0x0  }
0xa7: {  	s10 =	rddreg [dreg:$0x6];
	[sflag:s18] =	ssyncadd.s32 $0xFFFFFE80  }
0xa8: {  	[spmem:s10] =	stream.linear.scatter [tilespmem:s16], [sflag:$0x5], $0x40, $0x38;
	[tilespmem:$0x1F728] =	vst v63  }
0xa9: {  	_ =	swait.ge [sflag:s18], $0x40  }
0xaa: {  	[sflag:s18] =	ssyncset.done $0x0  }
0xab: {  	s7 =	simm.s32 @!p0 $0x13A00;
	s9 =	rddreg [dreg:$0x7];
	[sflag:s18] =	ssyncadd.s32 $0xFFFFFFC0  }
0xac: {  	[spmem:s9] =	stream.linear.scatter @!p0 [tilespmem:s7], [sflag:$0x5], $0x400, $0x38;
	[tilespmem:$0x1F728] =	vst v63  }
0xad: {  	s7 =	simm.s32 @!p0 $0x5  }
0xae: {  	_ =	swait.ge @!p0 [sflag:s7], $0x400  }
0xaf: {  	[sflag:s7] =	ssyncset.done @!p0 $0x0  }
0xb0: {  	s9 =	simm.s32 @!p0 $0x15200;
	s10 =	rddreg [dreg:$0x8];
	[sflag:s7] =	ssyncadd.s32 @!p0 $0xFFFFFC00  }
0xb1: {  	[spmem:s10] =	stream.linear.scatter @!p0 [tilespmem:s9], [sflag:$0x5], $0x240, $0x38;
	[tilespmem:$0x1F728] =	vst v63  }
0xb2: {  	_ =	swait.ge @!p0 [sflag:s7], $0x240  }
0xb3: {  	[sflag:s7] =	ssyncset.done @!p0 $0x0  }
0xb4: {  	s15 =	simm.s32 $0x0;
	s11 =	rddreg [dreg:$0x9];
	[sflag:s7] =	ssyncadd.s32 @!p0 $0xFFFFFDC0  }
0xb5: {  	[tilespmem:s15], [sflag:$0x5] =	stream.linear.gather [hbm4b:s11+s15], $0x13880, $0x38;
	[tilespmem:$0x1F728] =	vst v63  }
0xb6: {  	_ =	swait.ge [sflag:s18], $0x13880  }
0xb7: {  	[sflag:s18] =	ssyncset.done $0x0  }
0xb8: {  	[sflag:s18] =	ssyncadd.s32 $0xFFFEC780  }
0xb9: {  	[bflag:$0x0] =	sbarrier.arrive $0xFFFF  }
0xba: {  	v3 =	vld [tilespmem:$0x138E0];
	_ =	sdelay $0x4  }
0xbb: {  	v3 =	vshll.u32 v3, $0x1  }
0xbc: {  	v3 =	vand.u32 $0x6, v3  }
0xbd: {  	v4 =	vor.u32 v46, v3  }
0xbe: {  	v3 =	vor.u32 v51, v3;
	_ =	sdelay $0x3  }
0xbf: {  	[tilespmem:v4+s16+$0x0] =	vst.idx.msk $0xffff, v2  }
0xc0: {  	[tilespmem:v3+s16+$0x0] =	vst.idx.msk $0xffff, v2  }
0xc1: {  	v3 =	vld [tilespmem:$0x138F0];
	_ =	sdelay $0x4  }
0xc2: {  	v3 =	vshll.u32 v3, $0x1  }
0xc3: {  	v3 =	vand.u32 $0x6, v3  }
0xc4: {  	v13 =	vor.u32 v52, v3  }
0xc5: {  	v3 =	vor.u32 v53, v3;
	_ =	sdelay $0x3  }
0xc6: {  	[tilespmem:v13+s16+$0x0] =	vst.idx.msk $0xffff, v2  }
0xc7: {  	[tilespmem:v3+s16+$0x0] =	vst.idx.msk $0xffff, v2  }
0xc8: {  	v3 =	vld [tilespmem:$0x13900];
	_ =	sdelay $0x4  }
0xc9: {  	v3 =	vshll.u32 v3, $0x1  }
0xca: {  	v3 =	vand.u32 $0x6, v3  }
0xcb: {  	v14 =	vor.u32 v54, v3  }
0xcc: {  	v3 =	vor.u32 v55, v3;
	_ =	sdelay $0x3  }
0xcd: {  	[tilespmem:v14+s16+$0x0] =	vst.idx.msk $0xffff, v2  }
0xce: {  	s20 =	rddreg [dreg:$0xa];
	[tilespmem:v3+s16+$0x0] =	vst.idx.msk $0xffff, v2  }
0xcf: {  	[tilespmem:s19], [sflag:$0x5] =	stream.linear.gather [hbm4b:s20+s15], $0x30, $0x38;
	[tilespmem:$0x1F728] =	vst v63  }
0xd0: {  	_ =	swait.ge [sflag:s18], $0x30  }
0xd1: {  	[sflag:s18] =	ssyncset.done $0x0  }
0xd2: {  	[sflag:s18] =	ssyncadd.s32 $0xFFFFFFD0  }
0xd3: {  	v3 =	vld [tilespmem:$0x13880];
	_ =	sdelay $0x4  }
0xd4: {  	v62 =	vand.u32 $0xFFFF, v3;
	v5 =	vshrl.u32 v3, $0x10  }
0xd5: {  	v6 =	vshll.u32 v62, $0x3;
	v7 =	vshll.u32 v5, $0x3  }
0xd6: {  	v8 =	vor.u32 $0x2, v7  }
0xd7: {  	v63 =	vshrl.u32 v3, $0x12;
	[tilespmem:$0x138E0] =	vst v5  }
0xd8: {  	v4 =	vadd.s32 v0, v62;
	[tilespmem:$0x13940] =	vst v63  }
0xd9: {  	[tilespmem:$0x139A0] =	vst v4  }
0xda: {  	v4 =	vld.idx.msk [tilespmem:v6+s15+$0x0], $0xffff  }
0xdb: {  	v5 =	vld.idx.msk [tilespmem:v8+s15+$0x0], $0xffff;
	_ =	sdelay $0x4  }
0xdc: {  	v4 =	vadd.f32 v5, v4;
	_ =	sdelay $0x1  }
0xdd: {  	v5 =	vmul.f32 $2.000000030e-01, v4;
	_ =	sdelay $0x1  }
0xde: {  	v4 =	vmax.f32 v4, v5  }
0xdf: {  	v4 =	vmul.f32 $1.442695020e+00, v4;
	_ =	sdelay $0x1  }
0xe0: {  	(erf) = vpow2.f32 v4;
	_ =	sdelay $0x3  }
0xe1: {  	v3 =	vshrl.u32 v3, $0xF  }
0xe2: {  	v3 =	vand.u32 $0x6, v3  }
0xe3: {  	v9 =	vor.u32 v46, v3  }
0xe4: {  	v10 =	vor.u32 $0x1, v6  }
0xe5: {  	v11 =	vor.u32 $0x3, v7  }
0xe6: {  	v12 =	vpop (erf)  }
0xe7: {  	[tilespmem:$0x15500] =	vst v12  }
0xe8: {  	[tilespmem:v9+s16+$0x0] =	vst.idx.msk $0xffff, v12  }
0xe9: {  	v4 =	vld.idx.msk [tilespmem:v10+s15+$0x0], $0xffff  }
0xea: {  	v13 =	vld.idx.msk [tilespmem:v11+s15+$0x0], $0xffff;
	_ =	sdelay $0x4  }
0xeb: {  	v4 =	vadd.f32 v13, v4;
	_ =	sdelay $0x1  }
0xec: {  	v5 =	vmul.f32 $2.000000030e-01, v4;
	_ =	sdelay $0x1  }
0xed: {  	v4 =	vmax.f32 v4, v5  }
0xee: {  	v4 =	vmul.f32 $1.442695020e+00, v4;
	_ =	sdelay $0x1  }
0xef: {  	(erf) = vpow2.f32 v4;
	_ =	sdelay $0x5  }
0xf0: {  	v3 =	vor.u32 v51, v3;
	_ =	sdelay $0x2  }
0xf1: {  	v4 =	vpop (erf)  }
0xf2: {  	[tilespmem:$0x15540] =	vst v4  }
0xf3: {  	[tilespmem:v3+s16+$0x0] =	vst.idx.msk $0xffff, v4  }
0xf4: {  	v3 =	vld [tilespmem:$0x13890];
	_ =	sdelay $0x4  }
0xf5: {  	v14 =	vand.u32 $0xFFFF, v3;
	v62 =	vshrl.u32 v3, $0x10  }
0xf6: {  	v63 =	vshll.u32 v14, $0x3;
	v12 =	vshll.u32 v62, $0x3  }
0xf7: {  	v13 =	vor.u32 $0x2, v12  }
0xf8: {  	v4 =	vadd.s32 v0, v14;
	[tilespmem:$0x138F0] =	vst v62  }
0xf9: {  	v14 =	vshrl.u32 v3, $0x12;
	[tilespmem:$0x139B0] =	vst v4  }
0xfa: {  	[tilespmem:$0x13950] =	vst v14  }
0xfb: {  	v4 =	vld.idx.msk [tilespmem:v63+s15+$0x0], $0xffff  }
0xfc: {  	v5 =	vld.idx.msk [tilespmem:v13+s15+$0x0], $0xffff;
	_ =	sdelay $0x4  }
0xfd: {  	v4 =	vadd.f32 v5, v4;
	_ =	sdelay $0x1  }
0xfe: {  	v5 =	vmul.f32 $2.000000030e-01, v4;
	_ =	sdelay $0x1  }
0xff: {  	v4 =	vmax.f32 v4, v5  }
0x100: {  	v4 =	vmul.f32 $1.442695020e+00, v4;
	_ =	sdelay $0x1  }
0x101: {  	(erf) = vpow2.f32 v4;
	_ =	sdelay $0x3  }
0x102: {  	v3 =	vshrl.u32 v3, $0xF  }
0x103: {  	v3 =	vand.u32 $0x6, v3  }
0x104: {  	v62 =	vor.u32 v52, v3  }
0x105: {  	v63 =	vor.u32 $0x1, v63  }
0x106: {  	v9 =	vor.u32 $0x3, v12  }
0x107: {  	v10 =	vpop (erf)  }
0x108: {  	[tilespmem:$0x15510] =	vst v10  }
0x109: {  	[tilespmem:v62+s16+$0x0] =	vst.idx.msk $0xffff, v10  }
0x10a: {  	v4 =	vld.idx.msk [tilespmem:v63+s15+$0x0], $0xffff  }
0x10b: {  	v11 =	vld.idx.msk [tilespmem:v9+s15+$0x0], $0xffff;
	_ =	sdelay $0x4  }
0x10c: {  	v4 =	vadd.f32 v11, v4;
	_ =	sdelay $0x1  }
0x10d: {  	v5 =	vmul.f32 $2.000000030e-01, v4;
	_ =	sdelay $0x1  }
0x10e: {  	v4 =	vmax.f32 v4, v5  }
0x10f: {  	v4 =	vmul.f32 $1.442695020e+00, v4;
	_ =	sdelay $0x1  }
0x110: {  	(erf) = vpow2.f32 v4;
	_ =	sdelay $0x5  }
0x111: {  	v3 =	vor.u32 v53, v3;
	_ =	sdelay $0x2  }
0x112: {  	v4 =	vpop (erf)  }
0x113: {  	[tilespmem:$0x15550] =	vst v4  }
0x114: {  	[tilespmem:v3+s16+$0x0] =	vst.idx.msk $0xffff, v4  }
0x115: {  	v3 =	vld [tilespmem:$0x138A0];
	_ =	sdelay $0x4  }
0x116: {  	v12 =	vand.u32 $0xFFFF, v3;
	v13 =	vshrl.u32 v3, $0x10  }
0x117: {  	v14 =	vshll.u32 v12, $0x3;
	v62 =	vshll.u32 v13, $0x3  }
0x118: {  	v63 =	vor.u32 $0x2, v62  }
0x119: {  	v11 =	vshrl.u32 v3, $0x12;
	[tilespmem:$0x13900] =	vst v13  }
0x11a: {  	v4 =	vadd.s32 v0, v12;
	[tilespmem:$0x13960] =	vst v11  }
0x11b: {  	[tilespmem:$0x139C0] =	vst v4  }
0x11c: {  	v4 =	vld.idx.msk [tilespmem:v14+s15+$0x0], $0xffff  }
0x11d: {  	v5 =	vld.idx.msk [tilespmem:v63+s15+$0x0], $0xffff;
	_ =	sdelay $0x4  }
0x11e: {  	v4 =	vadd.f32 v5, v4;
	_ =	sdelay $0x1  }
0x11f: {  	v5 =	vmul.f32 $2.000000030e-01, v4;
	_ =	sdelay $0x1  }
0x120: {  	v4 =	vmax.f32 v4, v5  }
0x121: {  	v4 =	vmul.f32 $1.442695020e+00, v4;
	_ =	sdelay $0x1  }
0x122: {  	(erf) = vpow2.f32 v4;
	_ =	sdelay $0x3  }
0x123: {  	v3 =	vshrl.u32 v3, $0xF  }
0x124: {  	v3 =	vand.u32 $0x6, v3  }
0x125: {  	v12 =	vor.u32 v54, v3  }
0x126: {  	v13 =	vor.u32 $0x1, v14  }
0x127: {  	v14 =	vor.u32 $0x3, v62  }
0x128: {  	v62 =	vpop (erf)  }
0x129: {  	[tilespmem:$0x15520] =	vst v62  }
0x12a: {  	[tilespmem:v12+s16+$0x0] =	vst.idx.msk $0xffff, v62  }
0x12b: {  	v4 =	vld.idx.msk [tilespmem:v13+s15+$0x0], $0xffff  }
0x12c: {  	v63 =	vld.idx.msk [tilespmem:v14+s15+$0x0], $0xffff;
	_ =	sdelay $0x4  }
0x12d: {  	v4 =	vadd.f32 v63, v4;
	_ =	sdelay $0x1  }
0x12e: {  	v5 =	vmul.f32 $2.000000030e-01, v4;
	_ =	sdelay $0x1  }
0x12f: {  	v4 =	vmax.f32 v4, v5  }
0x130: {  	v4 =	vmul.f32 $1.442695020e+00, v4;
	_ =	sdelay $0x1  }
0x131: {  	(erf) = vpow2.f32 v4;
	_ =	sdelay $0x5  }
0x132: {  	v3 =	vor.u32 v55, v3;
	_ =	sdelay $0x2  }
0x133: {  	v4 =	vpop (erf)  }
0x134: {  	[tilespmem:$0x15560] =	vst v4  }
0x135: {  	[tilespmem:v3+s16+$0x0] =	vst.idx.msk $0xffff, v4  }
0x136: {  	[tilespmem:s17], [sflag:$0x1] =	stream.indirect.gather [hbm4b:s1+s21], $0x40, s22, s21, $0xb8;
	[tilespmem:$0x1F728] =	vst v63  }
0x137: {  	_ = 	snop  }
0x138: {  	[spmem:s3] =	stream.indirect.scatter.add.f32 [tilespmem:s16], [sflag:$0x3], $0x8, s23, s21, $0xb8;
	[tilespmem:$0x1F728] =	vst v63  }
.LBB2_4:
0x139: {  	p1 =	seq.s32 s15, $0x0  }
0x13a: {  	s7 =	simm.s32 @!p1 $0x4  }
0x13b: {  	_ =	swait.ge @!p1 [sflag:s7], $0x180  }
0x13c: {  	[sflag:s7] =	ssyncset.done @!p1 $0x0  }
0x13d: {  	[sflag:s7] =	ssyncadd.s32 @!p1 $0xFFFFFE80  }
0x13e: {  	v3 =	vld [tilespmem:$0x13910];
	_ =	sdelay $0x4  }
0x13f: {  	v3 =	vshll.u32 v3, $0x1  }
0x140: {  	v3 =	vand.u32 $0x6, v3  }
0x141: {  	v4 =	vor.u32 v56, v3  }
0x142: {  	v3 =	vor.u32 v57, v3;
	_ =	sdelay $0x3  }
0x143: {  	[tilespmem:v4+s16+$0x0] =	vst.idx.msk $0xffff, v2  }
0x144: {  	[tilespmem:v3+s16+$0x0] =	vst.idx.msk $0xffff, v2  }
0x145: {  	v3 =	vld [tilespmem:$0x13920];
	_ =	sdelay $0x4  }
0x146: {  	v3 =	vshll.u32 v3, $0x1  }
0x147: {  	v3 =	vand.u32 $0x6, v3  }
0x148: {  	v4 =	vor.u32 v58, v3  }
0x149: {  	v3 =	vor.u32 v59, v3;
	_ =	sdelay $0x3  }
0x14a: {  	[tilespmem:v4+s16+$0x0] =	vst.idx.msk $0xffff, v2  }
0x14b: {  	[tilespmem:v3+s16+$0x0] =	vst.idx.msk $0xffff, v2  }
0x14c: {  	v3 =	vld [tilespmem:$0x13930];
	_ =	sdelay $0x4  }
0x14d: {  	v3 =	vshll.u32 v3, $0x1  }
0x14e: {  	v3 =	vand.u32 $0x6, v3  }
0x14f: {  	v4 =	vor.u32 v60, v3  }
0x150: {  	v3 =	vor.u32 v61, v3  }
0x151: {  	s7 =	smul.u32 $0x60, s15;
	_ =	sdelay $0x1  }
0x152: {  	s9 =	sadd.s32 s7, s13  }
0x153: {  	s10 =	sshrl.u32 s9, $0x3;
	[tilespmem:v4+s16+$0x0] =	vst.idx.msk $0xffff, v2  }
0x154: {  	s10 =	sadd.s32 s6, s10;
	[tilespmem:v3+s16+$0x0] =	vst.idx.msk $0xffff, v2  }
0x155: {  	[tilespmem:s24], [sflag:$0x5] =	stream.linear.gather [hbm4b:s10+s4], $0x30, $0x38;
	[tilespmem:$0x1F728] =	vst v63  }
0x156: {  	_ =	swait.ge [sflag:s18], $0x30  }
0x157: {  	[sflag:s18] =	ssyncset.done $0x0  }
0x158: {  	[sflag:s18] =	ssyncadd.s32 $0xFFFFFFD0  }
0x159: {  	v3 =	vld [tilespmem:$0x138B0];
	_ =	sdelay $0x4  }
0x15a: {  	v4 =	vand.u32 $0xFFFF, v3;
	v5 =	vshrl.u32 v3, $0x10  }
0x15b: {  	v6 =	vshll.u32 v4, $0x3;
	v7 =	vshll.u32 v5, $0x3  }
0x15c: {  	v8 =	vor.u32 $0x2, v7  }
0x15d: {  	v4 =	vadd.s32 v0, v4;
	[tilespmem:$0x13910] =	vst v5  }
0x15e: {  	[tilespmem:$0x139D0] =	vst v4;
	v4 =	vshrl.u32 v3, $0x12  }
0x15f: {  	[tilespmem:$0x13970] =	vst v4  }
0x160: {  	v4 =	vld.idx.msk [tilespmem:v6+s4+$0x0], $0xffff  }
0x161: {  	v5 =	vld.idx.msk [tilespmem:v8+s4+$0x0], $0xffff;
	_ =	sdelay $0x4  }
0x162: {  	v4 =	vadd.f32 v5, v4;
	_ =	sdelay $0x1  }
0x163: {  	v5 =	vmul.f32 $2.000000030e-01, v4;
	_ =	sdelay $0x1  }
0x164: {  	v4 =	vmax.f32 v4, v5  }
0x165: {  	v4 =	vmul.f32 $1.442695020e+00, v4;
	_ =	sdelay $0x1  }
0x166: {  	(erf) = vpow2.f32 v4;
	_ =	sdelay $0x4  }
0x167: {  	v3 =	vshrl.u32 v3, $0xF  }
0x168: {  	v3 =	vand.u32 $0x6, v3  }
0x169: {  	v4 =	vor.u32 v56, v3  }
0x16a: {  	v5 =	vor.u32 $0x1, v6  }
0x16b: {  	p4 =	slt.u32 s9, $0x50910;
	v7 =	vor.u32 $0x3, v7;
	v6 =	vpop (erf)  }
0x16c: {  	v6 =	vpsel !p4, $0x0, v6  }
0x16d: {  	[tilespmem:$0x15580] =	vst v6  }
0x16e: {  	[tilespmem:v4+s16+$0x0] =	vst.idx.msk $0xffff, v6  }
0x16f: {  	v4 =	vld.idx.msk [tilespmem:v5+s4+$0x0], $0xffff  }
0x170: {  	v5 =	vld.idx.msk [tilespmem:v7+s4+$0x0], $0xffff;
	_ =	sdelay $0x4  }
0x171: {  	v4 =	vadd.f32 v5, v4;
	_ =	sdelay $0x1  }
0x172: {  	v5 =	vmul.f32 $2.000000030e-01, v4;
	_ =	sdelay $0x1  }
0x173: {  	v4 =	vmax.f32 v4, v5  }
0x174: {  	v4 =	vmul.f32 $1.442695020e+00, v4;
	_ =	sdelay $0x1  }
0x175: {  	(erf) = vpow2.f32 v4;
	_ =	sdelay $0x6  }
0x176: {  	v3 =	vor.u32 v57, v3;
	_ =	sdelay $0x1  }
0x177: {  	v4 =	vpop (erf)  }
0x178: {  	v4 =	vpsel !p4, $0x0, v4  }
0x179: {  	[tilespmem:$0x155C0] =	vst v4  }
0x17a: {  	[tilespmem:v3+s16+$0x0] =	vst.idx.msk $0xffff, v4  }
0x17b: {  	v3 =	vld [tilespmem:$0x138C0];
	_ =	sdelay $0x4  }
0x17c: {  	v4 =	vand.u32 $0xFFFF, v3;
	v5 =	vshrl.u32 v3, $0x10  }
0x17d: {  	v6 =	vshll.u32 v4, $0x3;
	v7 =	vshll.u32 v5, $0x3  }
0x17e: {  	v8 =	vor.u32 $0x2, v7  }
0x17f: {  	v4 =	vadd.s32 v0, v4;
	[tilespmem:$0x13920] =	vst v5  }
0x180: {  	[tilespmem:$0x139E0] =	vst v4;
	v4 =	vshrl.u32 v3, $0x12  }
0x181: {  	[tilespmem:$0x13980] =	vst v4  }
0x182: {  	v4 =	vld.idx.msk [tilespmem:v6+s4+$0x0], $0xffff  }
0x183: {  	v5 =	vld.idx.msk [tilespmem:v8+s4+$0x0], $0xffff;
	_ =	sdelay $0x4  }
0x184: {  	v4 =	vadd.f32 v5, v4;
	_ =	sdelay $0x1  }
0x185: {  	v5 =	vmul.f32 $2.000000030e-01, v4;
	_ =	sdelay $0x1  }
0x186: {  	v4 =	vmax.f32 v4, v5  }
0x187: {  	v4 =	vmul.f32 $1.442695020e+00, v4;
	_ =	sdelay $0x1  }
0x188: {  	(erf) = vpow2.f32 v4;
	_ =	sdelay $0x4  }
0x189: {  	v3 =	vshrl.u32 v3, $0xF  }
0x18a: {  	v3 =	vand.u32 $0x6, v3  }
0x18b: {  	v4 =	vor.u32 v58, v3  }
0x18c: {  	s20 =	sadd.s32 $0x10, s9;
	v5 =	vor.u32 $0x1, v6  }
0x18d: {  	p5 =	slt.u32 s20, $0x50910;
	v7 =	vor.u32 $0x3, v7;
	v6 =	vpop (erf)  }
0x18e: {  	v6 =	vpsel !p5, $0x0, v6  }
0x18f: {  	[tilespmem:$0x15590] =	vst v6  }
0x190: {  	[tilespmem:v4+s16+$0x0] =	vst.idx.msk $0xffff, v6  }
0x191: {  	v4 =	vld.idx.msk [tilespmem:v5+s4+$0x0], $0xffff  }
0x192: {  	v5 =	vld.idx.msk [tilespmem:v7+s4+$0x0], $0xffff;
	_ =	sdelay $0x4  }
0x193: {  	v4 =	vadd.f32 v5, v4;
	_ =	sdelay $0x1  }
0x194: {  	v5 =	vmul.f32 $2.000000030e-01, v4;
	_ =	sdelay $0x1  }
0x195: {  	v4 =	vmax.f32 v4, v5  }
0x196: {  	v4 =	vmul.f32 $1.442695020e+00, v4;
	_ =	sdelay $0x1  }
0x197: {  	(erf) = vpow2.f32 v4;
	_ =	sdelay $0x6  }
0x198: {  	v3 =	vor.u32 v59, v3;
	_ =	sdelay $0x1  }
0x199: {  	v4 =	vpop (erf)  }
0x19a: {  	v4 =	vpsel !p5, $0x0, v4  }
0x19b: {  	[tilespmem:$0x155D0] =	vst v4  }
0x19c: {  	[tilespmem:v3+s16+$0x0] =	vst.idx.msk $0xffff, v4  }
0x19d: {  	v3 =	vld [tilespmem:$0x138D0];
	_ =	sdelay $0x4  }
0x19e: {  	v4 =	vand.u32 $0xFFFF, v3;
	v5 =	vshrl.u32 v3, $0x10  }
0x19f: {  	v6 =	vshll.u32 v4, $0x3;
	v7 =	vshll.u32 v5, $0x3  }
0x1a0: {  	v8 =	vor.u32 $0x2, v7  }
0x1a1: {  	v4 =	vadd.s32 v0, v4;
	[tilespmem:$0x13930] =	vst v5  }
0x1a2: {  	[tilespmem:$0x139F0] =	vst v4;
	v4 =	vshrl.u32 v3, $0x12  }
0x1a3: {  	[tilespmem:$0x13990] =	vst v4  }
0x1a4: {  	v4 =	vld.idx.msk [tilespmem:v6+s4+$0x0], $0xffff  }
0x1a5: {  	v5 =	vld.idx.msk [tilespmem:v8+s4+$0x0], $0xffff;
	_ =	sdelay $0x4  }
0x1a6: {  	v4 =	vadd.f32 v5, v4;
	_ =	sdelay $0x1  }
0x1a7: {  	v5 =	vmul.f32 $2.000000030e-01, v4;
	_ =	sdelay $0x1  }
0x1a8: {  	v4 =	vmax.f32 v4, v5  }
0x1a9: {  	v4 =	vmul.f32 $1.442695020e+00, v4;
	_ =	sdelay $0x1  }
0x1aa: {  	(erf) = vpow2.f32 v4;
	_ =	sdelay $0x4  }
0x1ab: {  	v3 =	vshrl.u32 v3, $0xF  }
0x1ac: {  	v3 =	vand.u32 $0x6, v3  }
0x1ad: {  	v4 =	vor.u32 v60, v3  }
0x1ae: {  	s9 =	sadd.s32 $0x20, s9;
	v5 =	vor.u32 $0x1, v6  }
0x1af: {  	p6 =	slt.u32 s9, $0x50910;
	v7 =	vor.u32 $0x3, v7;
	v6 =	vpop (erf)  }
0x1b0: {  	v6 =	vpsel !p6, $0x0, v6  }
0x1b1: {  	[tilespmem:$0x155A0] =	vst v6  }
0x1b2: {  	[tilespmem:v4+s16+$0x0] =	vst.idx.msk $0xffff, v6  }
0x1b3: {  	v4 =	vld.idx.msk [tilespmem:v5+s4+$0x0], $0xffff  }
0x1b4: {  	v5 =	vld.idx.msk [tilespmem:v7+s4+$0x0], $0xffff;
	_ =	sdelay $0x4  }
0x1b5: {  	v4 =	vadd.f32 v5, v4;
	_ =	sdelay $0x1  }
0x1b6: {  	v5 =	vmul.f32 $2.000000030e-01, v4;
	_ =	sdelay $0x1  }
0x1b7: {  	v4 =	vmax.f32 v4, v5  }
0x1b8: {  	v4 =	vmul.f32 $1.442695020e+00, v4;
	_ =	sdelay $0x1  }
0x1b9: {  	(erf) = vpow2.f32 v4;
	_ =	sdelay $0x6  }
0x1ba: {  	v3 =	vor.u32 v61, v3;
	_ =	sdelay $0x1  }
0x1bb: {  	v4 =	vpop (erf)  }
0x1bc: {  	v4 =	vpsel !p6, $0x0, v4  }
0x1bd: {  	[tilespmem:$0x155E0] =	vst v4  }
0x1be: {  	[tilespmem:v3+s16+$0x0] =	vst.idx.msk $0xffff, v4  }
0x1bf: {  	[tilespmem:s26], [sflag:$0x2] =	stream.indirect.gather [hbm4b:s1+s21], $0x40, s25, s21, $0xb8;
	[tilespmem:$0x1F728] =	vst v63  }
0x1c0: {  	_ = 	snop  }
0x1c1: {  	[spmem:s3] =	stream.indirect.scatter.add.f32 [tilespmem:s29], [sflag:$0x4], $0x8, s28, s21, $0xb8;
	[tilespmem:$0x1F728] =	vst v63  }
0x1c2: {  	_ =	swait.ge [sflag:s30], $0xC00  }
0x1c3: {  	[sflag:s30] =	ssyncset.done $0x0  }
0x1c4: {  	s11 =	simm.s32 $0x15540;
	[sflag:s30] =	ssyncadd.s32 $0xFFFFF400  }
0x1c5: {  	s20 =	simm.s32 $0x13B00;
	v3 =	vld.msk [tilespmem:s11+$0xFFFFFFC7 ss:$0x0], $0xffff  }
0x1c6: {  	v4 =	vld [tilespmem:s20+$0xC0]  }
0x1c7: {  	v5 =	vld [tilespmem:s20+$0xD0]  }
0x1c8: {  	v6 =	vld.msk [tilespmem:s11+$0xFFFFFFC1 ss:$0x0], $0xffff  }
0x1c9: {  	v7 =	vld.msk [tilespmem:s11+$0xFFFFFFC2 ss:$0x0], $0xffff  }
0x1ca: {  	v8 =	vld.msk [tilespmem:s11+$0xFFFFFFC3 ss:$0x0], $0xffff  }
0x1cb: {  	v9 =	vld.msk [tilespmem:s11+$0xFFFFFFC4 ss:$0x0], $0xffff  }
0x1cc: {  	v10 =	vld.msk [tilespmem:s11+$0xFFFFFFC5 ss:$0x0], $0xffff  }
0x1cd: {  	v11 =	vld [tilespmem:s20+$0xF0]  }
0x1ce: {  	v63 =	vld [tilespmem:s20+$0xFFFFFF10];
	v4 =	vmul.f32 v3, v4  }
0x1cf: {  	v12 =	vld [tilespmem:s20+$0xFFFFFF40];
	v3 =	vmul.f32 v5, v3  }
0x1d0: {  	[tilespmem:s20+$0xC0] =	vst v4;
	v4 =	vld.msk [tilespmem:s11+$0xFFFFFFC0 ss:$0x0], $0xffff  }
0x1d1: {  	[tilespmem:s20+$0xD0] =	vst v3;
	v3 =	vld [tilespmem:s20+$0xFFFFFF00]  }
0x1d2: {  	v13 =	vld [tilespmem:s20+$0xFFFFFF50]  }
0x1d3: {  	v62 =	vld.msk [tilespmem:s11+$0x7 ss:$0x0], $0xffff  }
0x1d4: {  	v14 =	vld [tilespmem:s20+$0xFFFFFF80]  }
0x1d5: {  	v15 =	vld [tilespmem:s20+$0xFFFFFF90]  }
0x1d6: {  	v5 =	vld.msk [tilespmem:s11+$0xFFFFFFC6 ss:$0x0], $0xffff;
	v3 =	vmul.f32 v4, v3  }
0x1d7: {  	v4 =	vmul.f32 v63, v4;
	v63 =	vld [tilespmem:s20+$0xFFFFFFC0]  }
0x1d8: {  	v11 =	vmul.f32 v11, v62;
	[tilespmem:s20+$0xFFFFFF00] =	vst v3;
	v3 =	vmul.f32 v6, v12;
	v12 =	vld [tilespmem:s20+$0xFFFFFFD0]  }
0x1d9: {  	[tilespmem:s20+$0xFFFFFF10] =	vst v4;
	v4 =	vmul.f32 v13, v6;
	v6 =	vld [tilespmem:s20+$0x0]  }
0x1da: {  	v13 =	vld [tilespmem:s20+$0x10];
	[tilespmem:s20+$0xF0] =	vst v11  }
0x1db: {  	v11 =	vld [tilespmem:s20+$0xFFFFFFE0];
	[tilespmem:s20+$0xFFFFFF40] =	vst v3  }
0x1dc: {  	v3 =	vmul.f32 v7, v14;
	[tilespmem:s20+$0xFFFFFF50] =	vst v4;
	v4 =	vmul.f32 v15, v7;
	v7 =	vld [tilespmem:s20+$0x40]  }
0x1dd: {  	v14 =	vld [tilespmem:s20+$0xFFFFFFA0]  }
0x1de: {  	[tilespmem:s20+$0xFFFFFF80] =	vst v3;
	v3 =	vmul.f32 v8, v63;
	v63 =	vld [tilespmem:s20+$0x50]  }
0x1df: {  	v15 =	vld [tilespmem:s20+$0xFFFFFFB0];
	[tilespmem:s20+$0xFFFFFF90] =	vst v4;
	v4 =	vmul.f32 v12, v8  }
0x1e0: {  	[tilespmem:s20+$0xFFFFFFC0] =	vst v3;
	v3 =	vmul.f32 v9, v6;
	v6 =	vld [tilespmem:s20+$0x90]  }
0x1e1: {  	v8 =	vld [tilespmem:s20+$0x80];
	[tilespmem:s20+$0xFFFFFFD0] =	vst v4;
	v4 =	vmul.f32 v13, v9  }
0x1e2: {  	v12 =	vld.msk [tilespmem:s11+$0x0 ss:$0x0], $0xffff  }
0x1e3: {  	v9 =	vld.msk [tilespmem:s11+$0x1 ss:$0x0], $0xffff;
	[tilespmem:s20+$0x10] =	vst v4;
	v4 =	vmul.f32 v63, v10  }
0x1e4: {  	[tilespmem:s20+$0x0] =	vst v3;
	v3 =	vmul.f32 v10, v7;
	v7 =	vld.msk [tilespmem:s11+$0x2 ss:$0x0], $0xffff  }
0x1e5: {  	v10 =	vld.msk [tilespmem:s11+$0x3 ss:$0x0], $0xffff;
	[tilespmem:s20+$0x50] =	vst v4;
	v4 =	vmul.f32 v6, v5  }
0x1e6: {  	v8 =	vmul.f32 v5, v8;
	v5 =	vld [tilespmem:s20+$0xFFFFFF20]  }
0x1e7: {  	[tilespmem:s20+$0x90] =	vst v4;
	v4 =	vld [tilespmem:s20+$0xFFFFFF30]  }
0x1e8: {  	v6 =	vld [tilespmem:s20+$0xFFFFFF60]  }
0x1e9: {  	[tilespmem:s20+$0x80] =	vst v8;
	v8 =	vld [tilespmem:s20+$0xFFFFFF70]  }
0x1ea: {  	[tilespmem:s20+$0x40] =	vst v3;
	v13 =	vld.msk [tilespmem:s11+$0x4 ss:$0x0], $0xffff  }
0x1eb: {  	v3 =	vld.msk [tilespmem:s11+$0x5 ss:$0x0], $0xffff;
	v5 =	vmul.f32 v12, v5  }
0x1ec: {  	v63 =	vld.msk [tilespmem:s11+$0x6 ss:$0x0], $0xffff;
	v4 =	vmul.f32 v4, v12  }
0x1ed: {  	[tilespmem:s20+$0xFFFFFF20] =	vst v5;
	v5 =	vmul.f32 v9, v6;
	v6 =	vld [tilespmem:s20+$0xFFFFFFF0]  }
0x1ee: {  	v12 =	vmul.f32 v15, v7;
	[tilespmem:s20+$0xFFFFFF30] =	vst v4;
	v4 =	vmul.f32 v8, v9;
	v8 =	vld [tilespmem:s20+$0x20]  }
0x1ef: {  	[tilespmem:s20+$0xFFFFFF60] =	vst v5;
	v9 =	vld [tilespmem:s20+$0x30]  }
0x1f0: {  	v5 =	vmul.f32 v7, v14;
	v7 =	vld [tilespmem:s20+$0x60];
	[tilespmem:s20+$0xFFFFFFB0] =	vst v12  }
0x1f1: {  	v11 =	vmul.f32 v10, v11;
	[tilespmem:s20+$0xFFFFFF70] =	vst v4;
	v4 =	vld [tilespmem:s20+$0x70]  }
0x1f2: {  	[tilespmem:s20+$0xFFFFFFA0] =	vst v5;
	v5 =	vld [tilespmem:s20+$0xA0];
	v12 =	vmul.f32 v6, v10  }
0x1f3: {  	[tilespmem:s20+$0xFFFFFFE0] =	vst v11;
	v6 =	vld [tilespmem:s20+$0xB0];
	v10 =	vmul.f32 v13, v8  }
0x1f4: {  	s9 =	simm.s32 $0x15548;
	s10 =	simm.s32 $0x13B00;
	s11 =	simm.s32 $0x0;
	[tilespmem:s20+$0xFFFFFFF0] =	vst v12;
	v9 =	vmul.f32 v9, v13;
	v8 =	vld [tilespmem:s20+$0xE0]  }
.LBB2_5:
0x1f5: {  	v11 =	vld.msk [tilespmem:s9+$0xFFFFFFC7 ss:$0x0], $0xffff;
	[tilespmem:s20+$0x20] =	vst v10;
	v7 =	vmul.f32 v3, v7;
	s10 =	sadd.s32 $0x200, s10  }
0x1f6: {  	s11 =	sadd.s32 $0x8, s11;
	v10 =	vld [tilespmem:s10+$0xC0];
	[tilespmem:s20+$0x30] =	vst v9;
	v3 =	vmul.f32 v4, v3  }
0x1f7: {  	p1 =	slt.u32 s11, $0x28;
	v4 =	vld [tilespmem:s10+$0xD0];
	[tilespmem:s20+$0x60] =	vst v7;
	v5 =	vmul.f32 v63, v5  }
0x1f8: {  	v7 =	vld.msk [tilespmem:s9+$0xFFFFFFC1 ss:$0x0], $0xffff;
	[tilespmem:s20+$0x70] =	vst v3;
	v3 =	vmul.f32 v6, v63  }
0x1f9: {  	v6 =	vld.msk [tilespmem:s9+$0xFFFFFFC2 ss:$0x0], $0xffff;
	[tilespmem:s20+$0xA0] =	vst v5;
	v5 =	vmul.f32 v62, v8  }
0x1fa: {  	v8 =	vld.msk [tilespmem:s9+$0xFFFFFFC3 ss:$0x0], $0xffff;
	[tilespmem:s20+$0xB0] =	vst v3  }
0x1fb: {  	v3 =	vld.msk [tilespmem:s9+$0xFFFFFFC4 ss:$0x0], $0xffff;
	v9 =	vmul.f32 v11, v10;
	[tilespmem:s20+$0xE0] =	vst v5;
	s20 =	smov.u32 s10  }
0x1fc: {  	v5 =	vld.msk [tilespmem:s9+$0xFFFFFFC5 ss:$0x0], $0xffff;
	v4 =	vmul.f32 v4, v11  }
0x1fd: {  	v10 =	vld.msk [tilespmem:s9+$0xFFFFFFC6 ss:$0x0], $0xffff;
	[tilespmem:s10+$0xC0] =	vst v9  }
0x1fe: {  	v9 =	vld.msk [tilespmem:s9+$0xFFFFFFC0 ss:$0x0], $0xffff;
	[tilespmem:s10+$0xD0] =	vst v4  }
0x1ff: {  	v62 =	vld.msk [tilespmem:s9+$0x7 ss:$0x0], $0xffff  }
0x200: {  	v4 =	vld [tilespmem:s10+$0xF0]  }
0x201: {  	v11 =	vld [tilespmem:s10+$0xFFFFFF00]  }
0x202: {  	v12 =	vld [tilespmem:s10+$0xFFFFFF10]  }
0x203: {  	v13 =	vld [tilespmem:s10+$0xFFFFFF40]  }
0x204: {  	v14 =	vld [tilespmem:s10+$0xFFFFFF50]  }
0x205: {  	v15 =	vld [tilespmem:s10+$0xFFFFFF80];
	v4 =	vmul.f32 v4, v62  }
0x206: {  	v11 =	vmul.f32 v9, v11;
	v63 =	vld [tilespmem:s10+$0xFFFFFF90]  }
0x207: {  	v9 =	vmul.f32 v12, v9;
	v12 =	vld [tilespmem:s10+$0xFFFFFFC0];
	[tilespmem:s10+$0xF0] =	vst v4  }
0x208: {  	[tilespmem:s10+$0xFFFFFF00] =	vst v11;
	v4 =	vmul.f32 v7, v13;
	v11 =	vld [tilespmem:s10+$0xFFFFFFD0]  }
0x209: {  	[tilespmem:s10+$0xFFFFFF10] =	vst v9;
	v7 =	vmul.f32 v14, v7;
	v9 =	vld [tilespmem:s10+$0x0]  }
0x20a: {  	[tilespmem:s10+$0xFFFFFF40] =	vst v4;
	v4 =	vmul.f32 v6, v15;
	v13 =	vld [tilespmem:s10+$0x10]  }
0x20b: {  	[tilespmem:s10+$0xFFFFFF50] =	vst v7;
	v6 =	vmul.f32 v63, v6;
	v7 =	vld [tilespmem:s10+$0x40]  }
0x20c: {  	[tilespmem:s10+$0xFFFFFF80] =	vst v4;
	v4 =	vmul.f32 v8, v12;
	v12 =	vld [tilespmem:s10+$0x50]  }
0x20d: {  	[tilespmem:s10+$0xFFFFFF90] =	vst v6;
	v6 =	vmul.f32 v11, v8;
	v8 =	vld [tilespmem:s10+$0x80]  }
0x20e: {  	[tilespmem:s10+$0xFFFFFFC0] =	vst v4;
	v4 =	vmul.f32 v3, v9;
	v9 =	vld [tilespmem:s10+$0x90]  }
0x20f: {  	v11 =	vld.msk [tilespmem:s9+$0x0 ss:$0x0], $0xffff;
	[tilespmem:s10+$0xFFFFFFD0] =	vst v6;
	v3 =	vmul.f32 v13, v3  }
0x210: {  	v6 =	vld.msk [tilespmem:s9+$0x1 ss:$0x0], $0xffff;
	[tilespmem:s10+$0x0] =	vst v4;
	v4 =	vmul.f32 v5, v7  }
0x211: {  	v7 =	vld.msk [tilespmem:s9+$0x2 ss:$0x0], $0xffff;
	[tilespmem:s10+$0x10] =	vst v3;
	v3 =	vmul.f32 v12, v5  }
0x212: {  	v5 =	vld.msk [tilespmem:s9+$0x3 ss:$0x0], $0xffff;
	[tilespmem:s10+$0x40] =	vst v4;
	v4 =	vmul.f32 v10, v8  }
0x213: {  	v8 =	vld.msk [tilespmem:s9+$0x4 ss:$0x0], $0xffff;
	[tilespmem:s10+$0x50] =	vst v3;
	v9 =	vmul.f32 v9, v10  }
0x214: {  	v3 =	vld.msk [tilespmem:s9+$0x5 ss:$0x0], $0xffff;
	[tilespmem:s10+$0x80] =	vst v4  }
0x215: {  	v4 =	vld [tilespmem:s10+$0xFFFFFF20];
	[tilespmem:s10+$0x90] =	vst v9  }
0x216: {  	v63 =	vld.msk [tilespmem:s9+$0x6 ss:$0x0], $0xffff  }
0x217: {  	v9 =	vld [tilespmem:s10+$0xFFFFFF30]  }
0x218: {  	v10 =	vld [tilespmem:s10+$0xFFFFFF60]  }
0x219: {  	v12 =	vld [tilespmem:s10+$0xFFFFFF70]  }
0x21a: {  	v4 =	vmul.f32 v11, v4;
	v13 =	vld [tilespmem:s10+$0xFFFFFFA0]  }
0x21b: {  	v14 =	vld [tilespmem:s10+$0xFFFFFFB0]  }
0x21c: {  	[tilespmem:s10+$0xFFFFFF20] =	vst v4;
	v4 =	vmul.f32 v9, v11;
	v9 =	vld [tilespmem:s10+$0xFFFFFFE0]  }
0x21d: {  	v10 =	vmul.f32 v6, v10;
	v11 =	vld [tilespmem:s10+$0xFFFFFFF0]  }
0x21e: {  	[tilespmem:s10+$0xFFFFFF30] =	vst v4;
	v4 =	vmul.f32 v12, v6;
	v6 =	vld [tilespmem:s10+$0x20]  }
0x21f: {  	[tilespmem:s10+$0xFFFFFF60] =	vst v10;
	v10 =	vmul.f32 v7, v13;
	v12 =	vld [tilespmem:s10+$0x30]  }
.Ltmp1:
0x220: {  	[tilespmem:s10+$0xFFFFFF70] =	vst v4;
	v13 =	vmul.f32 v14, v7;
	v7 =	vld [tilespmem:s10+$0x60];
	(pc) =	sbr.rel @p1 .LBB2_5-.Ltmp1, $4  }
0x221: {  	[tilespmem:s10+$0xFFFFFFA0] =	vst v10;
	v9 =	vmul.f32 v5, v9;
	v4 =	vld [tilespmem:s10+$0x70]  }
0x222: {  	[tilespmem:s10+$0xFFFFFFB0] =	vst v13;
	v11 =	vmul.f32 v11, v5;
	v5 =	vld [tilespmem:s10+$0xA0]  }
0x223: {  	[tilespmem:s10+$0xFFFFFFE0] =	vst v9;
	v10 =	vmul.f32 v8, v6;
	v6 =	vld [tilespmem:s10+$0xB0]  }
0x224: {  	s9 =	sadd.s32 $0x8, s9;
	[tilespmem:s10+$0xFFFFFFF0] =	vst v11;
	v9 =	vmul.f32 v12, v8;
	v8 =	vld [tilespmem:s10+$0xE0]  }
0x225: {  	[tilespmem:s20+$0x20] =	vst v10;
	v7 =	vmul.f32 v3, v7  }
0x226: {  	[tilespmem:s20+$0x30] =	vst v9;
	v3 =	vmul.f32 v4, v3  }
0x227: {  	[tilespmem:s20+$0x60] =	vst v7;
	v14 =	vmul.f32 v63, v5  }
0x228: {  	[tilespmem:s20+$0x70] =	vst v3;
	v3 =	vmul.f32 v6, v63  }
0x229: {  	[tilespmem:s20+$0xA0] =	vst v14;
	v63 =	vmul.f32 v62, v8  }
0x22a: {  	p1 =	seq.s32 s15, $0xD7;
	[tilespmem:s20+$0xB0] =	vst v3  }
.Ltmp2:
0x22b: {  	[tilespmem:s20+$0xE0] =	vst v63;
	(pc) =	sbr.rel @p1 .LBB2_8-.Ltmp2, $4  }
0x22c: {  	[spmem:s2] =	stream.indirect.scatter.add.f32 [tilespmem:s17], [sflag:$0x5], $0x40, s31, s21, $0xb8;
	[tilespmem:$0x1F728] =	vst v63  }
0x22d: {  	_ =	swait.ge [sflag:s18], $0xC00  }
0x22e: {  	[sflag:s18] =	ssyncset.done $0x0  }
0x22f: {  	[sflag:s18] =	ssyncadd.s32 $0xFFFFF400  }
0x230: {  	_ =	swait.ge [sflag:s8], $0x180  }
0x231: {  	[sflag:s8] =	ssyncset.done $0x0  }
0x232: {  	[sflag:s8] =	ssyncadd.s32 $0xFFFFFE80  }
0x233: {  	v3 =	vld [tilespmem:$0x138E0];
	_ =	sdelay $0x4  }
0x234: {  	v3 =	vshll.u32 v3, $0x1  }
0x235: {  	v3 =	vand.u32 $0x6, v3  }
0x236: {  	v4 =	vor.u32 v46, v3  }
0x237: {  	v3 =	vor.u32 v51, v3;
	_ =	sdelay $0x3  }
0x238: {  	[tilespmem:v4+s16+$0x0] =	vst.idx.msk $0xffff, v2  }
0x239: {  	[tilespmem:v3+s16+$0x0] =	vst.idx.msk $0xffff, v2  }
0x23a: {  	v3 =	vld [tilespmem:$0x138F0];
	_ =	sdelay $0x4  }
0x23b: {  	v3 =	vshll.u32 v3, $0x1  }
0x23c: {  	v3 =	vand.u32 $0x6, v3  }
0x23d: {  	v11 =	vor.u32 v52, v3  }
0x23e: {  	v3 =	vor.u32 v53, v3;
	_ =	sdelay $0x3  }
0x23f: {  	[tilespmem:v11+s16+$0x0] =	vst.idx.msk $0xffff, v2  }
0x240: {  	[tilespmem:v3+s16+$0x0] =	vst.idx.msk $0xffff, v2  }
0x241: {  	v3 =	vld [tilespmem:$0x13900];
	_ =	sdelay $0x4  }
0x242: {  	v3 =	vshll.u32 v3, $0x1  }
0x243: {  	v3 =	vand.u32 $0x6, v3  }
0x244: {  	v12 =	vor.u32 v54, v3  }
0x245: {  	v3 =	vor.u32 v55, v3;
	_ =	sdelay $0x2  }
0x246: {  	s7 =	sadd.s32 s7, s14  }
0x247: {  	s9 =	sshrl.u32 s7, $0x3;
	[tilespmem:v12+s16+$0x0] =	vst.idx.msk $0xffff, v2  }
0x248: {  	s9 =	sadd.s32 s6, s9;
	[tilespmem:v3+s16+$0x0] =	vst.idx.msk $0xffff, v2  }
0x249: {  	[tilespmem:s19], [sflag:$0x5] =	stream.linear.gather [hbm4b:s9+s4], $0x30, $0x38;
	[tilespmem:$0x1F728] =	vst v63  }
0x24a: {  	_ =	swait.ge [sflag:s18], $0x30  }
0x24b: {  	[sflag:s18] =	ssyncset.done $0x0  }
0x24c: {  	[sflag:s18] =	ssyncadd.s32 $0xFFFFFFD0  }
0x24d: {  	v3 =	vld [tilespmem:$0x13880];
	_ =	sdelay $0x4  }
0x24e: {  	v13 =	vand.u32 $0xFFFF, v3;
	v5 =	vshrl.u32 v3, $0x10  }
0x24f: {  	v6 =	vshll.u32 v13, $0x3;
	v7 =	vshll.u32 v5, $0x3  }
0x250: {  	v8 =	vor.u32 $0x2, v7  }
0x251: {  	v14 =	vshrl.u32 v3, $0x12;
	[tilespmem:$0x138E0] =	vst v5  }
0x252: {  	v4 =	vadd.s32 v0, v13;
	[tilespmem:$0x13940] =	vst v14  }
0x253: {  	[tilespmem:$0x139A0] =	vst v4  }
0x254: {  	v4 =	vld.idx.msk [tilespmem:v6+s4+$0x0], $0xffff  }
0x255: {  	v5 =	vld.idx.msk [tilespmem:v8+s4+$0x0], $0xffff;
	_ =	sdelay $0x4  }
0x256: {  	v4 =	vadd.f32 v5, v4;
	_ =	sdelay $0x1  }
0x257: {  	v5 =	vmul.f32 $2.000000030e-01, v4;
	_ =	sdelay $0x1  }
0x258: {  	v4 =	vmax.f32 v4, v5  }
0x259: {  	v4 =	vmul.f32 $1.442695020e+00, v4;
	_ =	sdelay $0x1  }
0x25a: {  	(erf) = vpow2.f32 v4;
	_ =	sdelay $0x4  }
0x25b: {  	v3 =	vshrl.u32 v3, $0xF  }
0x25c: {  	v3 =	vand.u32 $0x6, v3  }
0x25d: {  	v62 =	vor.u32 v46, v3  }
0x25e: {  	v63 =	vor.u32 $0x1, v6  }
0x25f: {  	p1 =	slt.u32 s7, $0x50910;
	v7 =	vor.u32 $0x3, v7;
	v9 =	vpop (erf)  }
0x260: {  	v6 =	vpsel !p1, $0x0, v9  }
0x261: {  	[tilespmem:$0x15500] =	vst v6  }
0x262: {  	[tilespmem:v62+s16+$0x0] =	vst.idx.msk $0xffff, v6  }
0x263: {  	v4 =	vld.idx.msk [tilespmem:v63+s4+$0x0], $0xffff  }
0x264: {  	v10 =	vld.idx.msk [tilespmem:v7+s4+$0x0], $0xffff;
	_ =	sdelay $0x4  }
0x265: {  	v4 =	vadd.f32 v10, v4;
	_ =	sdelay $0x1  }
0x266: {  	v5 =	vmul.f32 $2.000000030e-01, v4;
	_ =	sdelay $0x1  }
0x267: {  	v4 =	vmax.f32 v4, v5  }
0x268: {  	v4 =	vmul.f32 $1.442695020e+00, v4;
	_ =	sdelay $0x1  }
0x269: {  	(erf) = vpow2.f32 v4;
	_ =	sdelay $0x6  }
0x26a: {  	v3 =	vor.u32 v51, v3;
	_ =	sdelay $0x1  }
0x26b: {  	v4 =	vpop (erf)  }
0x26c: {  	v4 =	vpsel !p1, $0x0, v4  }
0x26d: {  	[tilespmem:$0x15540] =	vst v4  }
0x26e: {  	[tilespmem:v3+s16+$0x0] =	vst.idx.msk $0xffff, v4  }
0x26f: {  	v3 =	vld [tilespmem:$0x13890];
	_ =	sdelay $0x4  }
0x270: {  	v11 =	vand.u32 $0xFFFF, v3;
	v12 =	vshrl.u32 v3, $0x10  }
0x271: {  	v13 =	vshll.u32 v11, $0x3;
	v14 =	vshll.u32 v12, $0x3  }
0x272: {  	v62 =	vor.u32 $0x2, v14  }
0x273: {  	v63 =	vshrl.u32 v3, $0x12;
	[tilespmem:$0x138F0] =	vst v12  }
0x274: {  	v4 =	vadd.s32 v0, v11;
	[tilespmem:$0x13950] =	vst v63  }
0x275: {  	[tilespmem:$0x139B0] =	vst v4  }
0x276: {  	v4 =	vld.idx.msk [tilespmem:v13+s4+$0x0], $0xffff  }
0x277: {  	v5 =	vld.idx.msk [tilespmem:v62+s4+$0x0], $0xffff;
	_ =	sdelay $0x4  }
0x278: {  	v4 =	vadd.f32 v5, v4;
	_ =	sdelay $0x1  }
0x279: {  	v5 =	vmul.f32 $2.000000030e-01, v4;
	_ =	sdelay $0x1  }
0x27a: {  	v4 =	vmax.f32 v4, v5  }
0x27b: {  	v4 =	vmul.f32 $1.442695020e+00, v4;
	_ =	sdelay $0x1  }
0x27c: {  	(erf) = vpow2.f32 v4;
	_ =	sdelay $0x4  }
0x27d: {  	v3 =	vshrl.u32 v3, $0xF  }
0x27e: {  	v3 =	vand.u32 $0x6, v3  }
0x27f: {  	v9 =	vor.u32 v52, v3  }
0x280: {  	s20 =	sor.u32 $0x10, s7;
	v10 =	vor.u32 $0x1, v13  }
0x281: {  	p5 =	slt.u32 s20, $0x50910;
	v7 =	vor.u32 $0x3, v14;
	v11 =	vpop (erf)  }
0x282: {  	v6 =	vpsel !p5, $0x0, v11  }
0x283: {  	[tilespmem:$0x15510] =	vst v6  }
0x284: {  	[tilespmem:v9+s16+$0x0] =	vst.idx.msk $0xffff, v6  }
0x285: {  	v4 =	vld.idx.msk [tilespmem:v10+s4+$0x0], $0xffff  }
0x286: {  	v12 =	vld.idx.msk [tilespmem:v7+s4+$0x0], $0xffff;
	_ =	sdelay $0x4  }
0x287: {  	v4 =	vadd.f32 v12, v4;
	_ =	sdelay $0x1  }
0x288: {  	v5 =	vmul.f32 $2.000000030e-01, v4;
	_ =	sdelay $0x1  }
0x289: {  	v4 =	vmax.f32 v4, v5  }
0x28a: {  	v4 =	vmul.f32 $1.442695020e+00, v4;
	_ =	sdelay $0x1  }
0x28b: {  	(erf) = vpow2.f32 v4;
	_ =	sdelay $0x6  }
0x28c: {  	v3 =	vor.u32 v53, v3;
	_ =	sdelay $0x1  }
0x28d: {  	v4 =	vpop (erf)  }
0x28e: {  	v4 =	vpsel !p5, $0x0, v4  }
0x28f: {  	[tilespmem:$0x15550] =	vst v4  }
0x290: {  	[tilespmem:v3+s16+$0x0] =	vst.idx.msk $0xffff, v4  }
0x291: {  	v3 =	vld [tilespmem:$0x138A0];
	_ =	sdelay $0x4  }
0x292: {  	v13 =	vand.u32 $0xFFFF, v3;
	v14 =	vshrl.u32 v3, $0x10  }
0x293: {  	v62 =	vshll.u32 v13, $0x3;
	v7 =	vshll.u32 v14, $0x3  }
0x294: {  	v63 =	vor.u32 $0x2, v7  }
0x295: {  	v12 =	vshrl.u32 v3, $0x12;
	[tilespmem:$0x13900] =	vst v14  }
0x296: {  	v4 =	vadd.s32 v0, v13;
	[tilespmem:$0x13960] =	vst v12  }
0x297: {  	[tilespmem:$0x139C0] =	vst v4  }
0x298: {  	v4 =	vld.idx.msk [tilespmem:v62+s4+$0x0], $0xffff  }
0x299: {  	v5 =	vld.idx.msk [tilespmem:v63+s4+$0x0], $0xffff;
	_ =	sdelay $0x4  }
0x29a: {  	v4 =	vadd.f32 v5, v4;
	_ =	sdelay $0x1  }
0x29b: {  	v5 =	vmul.f32 $2.000000030e-01, v4;
	_ =	sdelay $0x1  }
0x29c: {  	v4 =	vmax.f32 v4, v5  }
0x29d: {  	v4 =	vmul.f32 $1.442695020e+00, v4;
	_ =	sdelay $0x1  }
0x29e: {  	(erf) = vpow2.f32 v4;
	_ =	sdelay $0x4  }
0x29f: {  	v3 =	vshrl.u32 v3, $0xF  }
0x2a0: {  	v3 =	vand.u32 $0x6, v3  }
0x2a1: {  	v13 =	vor.u32 v54, v3  }
0x2a2: {  	s7 =	sadd.s32 $0x20, s7;
	v14 =	vor.u32 $0x1, v62  }
0x2a3: {  	p6 =	slt.u32 s7, $0x50910;
	v7 =	vor.u32 $0x3, v7;
	v62 =	vpop (erf)  }
0x2a4: {  	v6 =	vpsel !p6, $0x0, v62  }
0x2a5: {  	[tilespmem:$0x15520] =	vst v6  }
0x2a6: {  	[tilespmem:v13+s16+$0x0] =	vst.idx.msk $0xffff, v6  }
0x2a7: {  	v4 =	vld.idx.msk [tilespmem:v14+s4+$0x0], $0xffff  }
0x2a8: {  	v63 =	vld.idx.msk [tilespmem:v7+s4+$0x0], $0xffff;
	_ =	sdelay $0x4  }
0x2a9: {  	v4 =	vadd.f32 v63, v4;
	_ =	sdelay $0x1  }
0x2aa: {  	v5 =	vmul.f32 $2.000000030e-01, v4;
	_ =	sdelay $0x1  }
0x2ab: {  	v4 =	vmax.f32 v4, v5  }
0x2ac: {  	v4 =	vmul.f32 $1.442695020e+00, v4;
	_ =	sdelay $0x1  }
0x2ad: {  	(erf) = vpow2.f32 v4;
	_ =	sdelay $0x6  }
0x2ae: {  	v3 =	vor.u32 v55, v3;
	_ =	sdelay $0x1  }
0x2af: {  	v4 =	vpop (erf)  }
0x2b0: {  	v4 =	vpsel !p6, $0x0, v4  }
0x2b1: {  	[tilespmem:$0x15560] =	vst v4  }
0x2b2: {  	[tilespmem:v3+s16+$0x0] =	vst.idx.msk $0xffff, v4  }
0x2b3: {  	[tilespmem:s17], [sflag:$0x1] =	stream.indirect.gather [hbm4b:s1+s21], $0x40, s22, s21, $0xb8;
	[tilespmem:$0x1F728] =	vst v63  }
0x2b4: {  	_ = 	snop  }
0x2b5: {  	[spmem:s3] =	stream.indirect.scatter.add.f32 [tilespmem:s16], [sflag:$0x3], $0x8, s23, s21, $0xb8;
	[tilespmem:$0x1F728] =	vst v63  }
.LBB2_8:
0x2b6: {  	_ =	swait.ge [sflag:s0], $0xC00  }
0x2b7: {  	[sflag:s0] =	ssyncset.done $0x0  }
0x2b8: {  	s9 =	simm.s32 $0x155C0;
	[sflag:s0] =	ssyncadd.s32 $0xFFFFF400  }
0x2b9: {  	s7 =	simm.s32 $0x14700;
	v3 =	vld.msk [tilespmem:s9+$0xFFFFFFC7 ss:$0x0], $0xffff  }
0x2ba: {  	v4 =	vld [tilespmem:s7+$0xC0]  }
0x2bb: {  	v5 =	vld [tilespmem:s7+$0xD0]  }
0x2bc: {  	v6 =	vld.msk [tilespmem:s9+$0xFFFFFFC1 ss:$0x0], $0xffff  }
0x2bd: {  	v7 =	vld.msk [tilespmem:s9+$0xFFFFFFC2 ss:$0x0], $0xffff  }
0x2be: {  	v8 =	vld.msk [tilespmem:s9+$0xFFFFFFC3 ss:$0x0], $0xffff  }
0x2bf: {  	v9 =	vld.msk [tilespmem:s9+$0xFFFFFFC4 ss:$0x0], $0xffff  }
0x2c0: {  	v10 =	vld.msk [tilespmem:s9+$0xFFFFFFC5 ss:$0x0], $0xffff  }
0x2c1: {  	v11 =	vld [tilespmem:s7+$0xF0]  }
0x2c2: {  	v12 =	vld [tilespmem:s7+$0xFFFFFF10];
	v4 =	vmul.f32 v3, v4  }
0x2c3: {  	v13 =	vld [tilespmem:s7+$0xFFFFFF40];
	v3 =	vmul.f32 v5, v3  }
0x2c4: {  	[tilespmem:s7+$0xC0] =	vst v4;
	v4 =	vld.msk [tilespmem:s9+$0xFFFFFFC0 ss:$0x0], $0xffff  }
0x2c5: {  	[tilespmem:s7+$0xD0] =	vst v3;
	v3 =	vld [tilespmem:s7+$0xFFFFFF00]  }
0x2c6: {  	v14 =	vld [tilespmem:s7+$0xFFFFFF50]  }
0x2c7: {  	v62 =	vld.msk [tilespmem:s9+$0x7 ss:$0x0], $0xffff  }
0x2c8: {  	v15 =	vld [tilespmem:s7+$0xFFFFFF80]  }
0x2c9: {  	v63 =	vld [tilespmem:s7+$0xFFFFFF90]  }
0x2ca: {  	v5 =	vld.msk [tilespmem:s9+$0xFFFFFFC6 ss:$0x0], $0xffff;
	v3 =	vmul.f32 v4, v3  }
0x2cb: {  	v4 =	vmul.f32 v12, v4;
	v12 =	vld [tilespmem:s7+$0xFFFFFFC0]  }
0x2cc: {  	v11 =	vmul.f32 v11, v62;
	[tilespmem:s7+$0xFFFFFF00] =	vst v3;
	v3 =	vmul.f32 v6, v13;
	v13 =	vld [tilespmem:s7+$0xFFFFFFD0]  }
0x2cd: {  	[tilespmem:s7+$0xFFFFFF10] =	vst v4;
	v4 =	vmul.f32 v14, v6;
	v6 =	vld [tilespmem:s7+$0x0]  }
0x2ce: {  	v14 =	vld [tilespmem:s7+$0x10];
	[tilespmem:s7+$0xF0] =	vst v11  }
0x2cf: {  	v11 =	vld [tilespmem:s7+$0xFFFFFFE0];
	[tilespmem:s7+$0xFFFFFF40] =	vst v3  }
0x2d0: {  	v3 =	vmul.f32 v7, v15;
	[tilespmem:s7+$0xFFFFFF50] =	vst v4;
	v4 =	vmul.f32 v63, v7;
	v7 =	vld [tilespmem:s7+$0x40]  }
0x2d1: {  	v63 =	vld [tilespmem:s7+$0x50]  }
0x2d2: {  	v15 =	vld [tilespmem:s7+$0xFFFFFFB0];
	[tilespmem:s7+$0xFFFFFF80] =	vst v3;
	v3 =	vmul.f32 v8, v12  }
0x2d3: {  	[tilespmem:s7+$0xFFFFFF90] =	vst v4;
	v4 =	vmul.f32 v13, v8;
	v8 =	vld [tilespmem:s7+$0x80]  }
0x2d4: {  	[tilespmem:s7+$0xFFFFFFC0] =	vst v3;
	v3 =	vmul.f32 v9, v6;
	v6 =	vld [tilespmem:s7+$0x90]  }
0x2d5: {  	v13 =	vld.msk [tilespmem:s9+$0x0 ss:$0x0], $0xffff;
	[tilespmem:s7+$0xFFFFFFD0] =	vst v4;
	v4 =	vmul.f32 v14, v9  }
0x2d6: {  	v9 =	vld.msk [tilespmem:s9+$0x1 ss:$0x0], $0xffff  }
0x2d7: {  	v14 =	vld [tilespmem:s7+$0xFFFFFFA0];
	[tilespmem:s7+$0x10] =	vst v4;
	v4 =	vmul.f32 v63, v10  }
0x2d8: {  	[tilespmem:s7+$0x0] =	vst v3;
	v3 =	vmul.f32 v10, v7;
	v7 =	vld.msk [tilespmem:s9+$0x2 ss:$0x0], $0xffff  }
0x2d9: {  	v10 =	vld.msk [tilespmem:s9+$0x3 ss:$0x0], $0xffff;
	[tilespmem:s7+$0x50] =	vst v4;
	v4 =	vmul.f32 v6, v5  }
0x2da: {  	v8 =	vmul.f32 v5, v8;
	v5 =	vld [tilespmem:s7+$0xFFFFFF20]  }
0x2db: {  	[tilespmem:s7+$0x90] =	vst v4;
	v4 =	vld [tilespmem:s7+$0xFFFFFF30]  }
0x2dc: {  	v6 =	vld [tilespmem:s7+$0xFFFFFF60]  }
0x2dd: {  	[tilespmem:s7+$0x80] =	vst v8;
	v8 =	vld [tilespmem:s7+$0xFFFFFF70]  }
0x2de: {  	[tilespmem:s7+$0x40] =	vst v3;
	v12 =	vld.msk [tilespmem:s9+$0x4 ss:$0x0], $0xffff  }
0x2df: {  	v3 =	vld.msk [tilespmem:s9+$0x5 ss:$0x0], $0xffff;
	v5 =	vmul.f32 v13, v5  }
0x2e0: {  	v63 =	vld.msk [tilespmem:s9+$0x6 ss:$0x0], $0xffff;
	v4 =	vmul.f32 v4, v13  }
0x2e1: {  	[tilespmem:s7+$0xFFFFFF20] =	vst v5;
	v5 =	vmul.f32 v9, v6;
	v6 =	vld [tilespmem:s7+$0xFFFFFFF0]  }
0x2e2: {  	v13 =	vmul.f32 v15, v7;
	[tilespmem:s7+$0xFFFFFF30] =	vst v4;
	v4 =	vmul.f32 v8, v9;
	v8 =	vld [tilespmem:s7+$0x20]  }
0x2e3: {  	[tilespmem:s7+$0xFFFFFF60] =	vst v5;
	v9 =	vld [tilespmem:s7+$0x30]  }
0x2e4: {  	v5 =	vmul.f32 v7, v14;
	v7 =	vld [tilespmem:s7+$0x60];
	[tilespmem:s7+$0xFFFFFFB0] =	vst v13  }
0x2e5: {  	v11 =	vmul.f32 v10, v11;
	[tilespmem:s7+$0xFFFFFF70] =	vst v4;
	v4 =	vld [tilespmem:s7+$0x70]  }
0x2e6: {  	[tilespmem:s7+$0xFFFFFFA0] =	vst v5;
	v5 =	vld [tilespmem:s7+$0xA0];
	v13 =	vmul.f32 v6, v10  }
0x2e7: {  	[tilespmem:s7+$0xFFFFFFE0] =	vst v11;
	v6 =	vld [tilespmem:s7+$0xB0];
	v10 =	vmul.f32 v12, v8  }
0x2e8: {  	s11 =	simm.s32 $0x0;
	s10 =	simm.s32 $0x14700;
	s9 =	simm.s32 $0x155C8;
	[tilespmem:s7+$0xFFFFFFF0] =	vst v13;
	v9 =	vmul.f32 v9, v12;
	v8 =	vld [tilespmem:s7+$0xE0]  }
.LBB2_9:
0x2e9: {  	v11 =	vld.msk [tilespmem:s9+$0xFFFFFFC7 ss:$0x0], $0xffff;
	[tilespmem:s7+$0x20] =	vst v10;
	v7 =	vmul.f32 v3, v7;
	s10 =	sadd.s32 $0x200, s10  }
0x2ea: {  	s11 =	sadd.s32 $0x8, s11;
	v10 =	vld [tilespmem:s10+$0xC0];
	[tilespmem:s7+$0x30] =	vst v9;
	v3 =	vmul.f32 v4, v3  }
0x2eb: {  	p1 =	slt.u32 s11, $0x28;
	v4 =	vld [tilespmem:s10+$0xD0];
	[tilespmem:s7+$0x60] =	vst v7;
	v5 =	vmul.f32 v63, v5  }
0x2ec: {  	v7 =	vld.msk [tilespmem:s9+$0xFFFFFFC1 ss:$0x0], $0xffff;
	[tilespmem:s7+$0x70] =	vst v3;
	v3 =	vmul.f32 v6, v63  }
0x2ed: {  	v6 =	vld.msk [tilespmem:s9+$0xFFFFFFC2 ss:$0x0], $0xffff;
	[tilespmem:s7+$0xA0] =	vst v5;
	v5 =	vmul.f32 v62, v8  }
0x2ee: {  	v8 =	vld.msk [tilespmem:s9+$0xFFFFFFC3 ss:$0x0], $0xffff;
	[tilespmem:s7+$0xB0] =	vst v3  }
0x2ef: {  	v3 =	vld.msk [tilespmem:s9+$0xFFFFFFC4 ss:$0x0], $0xffff;
	v9 =	vmul.f32 v11, v10;
	[tilespmem:s7+$0xE0] =	vst v5;
	s7 =	smov.u32 s10  }
0x2f0: {  	v5 =	vld.msk [tilespmem:s9+$0xFFFFFFC5 ss:$0x0], $0xffff;
	v4 =	vmul.f32 v4, v11  }
0x2f1: {  	v10 =	vld.msk [tilespmem:s9+$0xFFFFFFC6 ss:$0x0], $0xffff;
	[tilespmem:s10+$0xC0] =	vst v9  }
0x2f2: {  	v9 =	vld.msk [tilespmem:s9+$0xFFFFFFC0 ss:$0x0], $0xffff;
	[tilespmem:s10+$0xD0] =	vst v4  }
0x2f3: {  	v62 =	vld.msk [tilespmem:s9+$0x7 ss:$0x0], $0xffff  }
0x2f4: {  	v4 =	vld [tilespmem:s10+$0xF0]  }
0x2f5: {  	v11 =	vld [tilespmem:s10+$0xFFFFFF00]  }
0x2f6: {  	v12 =	vld [tilespmem:s10+$0xFFFFFF10]  }
0x2f7: {  	v13 =	vld [tilespmem:s10+$0xFFFFFF40]  }
0x2f8: {  	v14 =	vld [tilespmem:s10+$0xFFFFFF50]  }
0x2f9: {  	v15 =	vld [tilespmem:s10+$0xFFFFFF80];
	v4 =	vmul.f32 v4, v62  }
0x2fa: {  	v11 =	vmul.f32 v9, v11;
	v63 =	vld [tilespmem:s10+$0xFFFFFF90]  }
0x2fb: {  	v9 =	vmul.f32 v12, v9;
	v12 =	vld [tilespmem:s10+$0xFFFFFFC0];
	[tilespmem:s10+$0xF0] =	vst v4  }
0x2fc: {  	[tilespmem:s10+$0xFFFFFF00] =	vst v11;
	v4 =	vmul.f32 v7, v13;
	v11 =	vld [tilespmem:s10+$0xFFFFFFD0]  }
0x2fd: {  	[tilespmem:s10+$0xFFFFFF10] =	vst v9;
	v7 =	vmul.f32 v14, v7;
	v9 =	vld [tilespmem:s10+$0x0]  }
0x2fe: {  	[tilespmem:s10+$0xFFFFFF40] =	vst v4;
	v4 =	vmul.f32 v6, v15;
	v13 =	vld [tilespmem:s10+$0x10]  }
0x2ff: {  	[tilespmem:s10+$0xFFFFFF50] =	vst v7;
	v6 =	vmul.f32 v63, v6;
	v7 =	vld [tilespmem:s10+$0x40]  }
0x300: {  	[tilespmem:s10+$0xFFFFFF80] =	vst v4;
	v4 =	vmul.f32 v8, v12;
	v12 =	vld [tilespmem:s10+$0x50]  }
0x301: {  	[tilespmem:s10+$0xFFFFFF90] =	vst v6;
	v6 =	vmul.f32 v11, v8;
	v8 =	vld [tilespmem:s10+$0x80]  }
0x302: {  	[tilespmem:s10+$0xFFFFFFC0] =	vst v4;
	v4 =	vmul.f32 v3, v9;
	v9 =	vld [tilespmem:s10+$0x90]  }
0x303: {  	v11 =	vld.msk [tilespmem:s9+$0x0 ss:$0x0], $0xffff;
	[tilespmem:s10+$0xFFFFFFD0] =	vst v6;
	v3 =	vmul.f32 v13, v3  }
0x304: {  	v6 =	vld.msk [tilespmem:s9+$0x1 ss:$0x0], $0xffff;
	[tilespmem:s10+$0x0] =	vst v4;
	v4 =	vmul.f32 v5, v7  }
0x305: {  	v7 =	vld.msk [tilespmem:s9+$0x2 ss:$0x0], $0xffff;
	[tilespmem:s10+$0x10] =	vst v3;
	v3 =	vmul.f32 v12, v5  }
0x306: {  	v5 =	vld.msk [tilespmem:s9+$0x3 ss:$0x0], $0xffff;
	[tilespmem:s10+$0x40] =	vst v4;
	v4 =	vmul.f32 v10, v8  }
0x307: {  	v8 =	vld.msk [tilespmem:s9+$0x4 ss:$0x0], $0xffff;
	[tilespmem:s10+$0x50] =	vst v3;
	v9 =	vmul.f32 v9, v10  }
0x308: {  	v3 =	vld.msk [tilespmem:s9+$0x5 ss:$0x0], $0xffff;
	[tilespmem:s10+$0x80] =	vst v4  }
0x309: {  	v4 =	vld [tilespmem:s10+$0xFFFFFF20];
	[tilespmem:s10+$0x90] =	vst v9  }
0x30a: {  	v63 =	vld.msk [tilespmem:s9+$0x6 ss:$0x0], $0xffff  }
0x30b: {  	v9 =	vld [tilespmem:s10+$0xFFFFFF30]  }
0x30c: {  	v10 =	vld [tilespmem:s10+$0xFFFFFF60]  }
0x30d: {  	v12 =	vld [tilespmem:s10+$0xFFFFFF70]  }
0x30e: {  	v4 =	vmul.f32 v11, v4;
	v13 =	vld [tilespmem:s10+$0xFFFFFFA0]  }
0x30f: {  	v14 =	vld [tilespmem:s10+$0xFFFFFFB0]  }
0x310: {  	[tilespmem:s10+$0xFFFFFF20] =	vst v4;
	v4 =	vmul.f32 v9, v11;
	v9 =	vld [tilespmem:s10+$0xFFFFFFE0]  }
0x311: {  	v10 =	vmul.f32 v6, v10;
	v11 =	vld [tilespmem:s10+$0xFFFFFFF0]  }
0x312: {  	[tilespmem:s10+$0xFFFFFF30] =	vst v4;
	v4 =	vmul.f32 v12, v6;
	v6 =	vld [tilespmem:s10+$0x20]  }
0x313: {  	[tilespmem:s10+$0xFFFFFF60] =	vst v10;
	v10 =	vmul.f32 v7, v13;
	v12 =	vld [tilespmem:s10+$0x30]  }
.Ltmp3:
0x314: {  	[tilespmem:s10+$0xFFFFFF70] =	vst v4;
	v13 =	vmul.f32 v14, v7;
	v7 =	vld [tilespmem:s10+$0x60];
	(pc) =	sbr.rel @p1 .LBB2_9-.Ltmp3, $4  }
0x315: {  	[tilespmem:s10+$0xFFFFFFA0] =	vst v10;
	v9 =	vmul.f32 v5, v9;
	v4 =	vld [tilespmem:s10+$0x70]  }
0x316: {  	[tilespmem:s10+$0xFFFFFFB0] =	vst v13;
	v11 =	vmul.f32 v11, v5;
	v5 =	vld [tilespmem:s10+$0xA0]  }
0x317: {  	[tilespmem:s10+$0xFFFFFFE0] =	vst v9;
	v10 =	vmul.f32 v8, v6;
	v6 =	vld [tilespmem:s10+$0xB0]  }
0x318: {  	s9 =	sadd.s32 $0x8, s9;
	[tilespmem:s10+$0xFFFFFFF0] =	vst v11;
	v9 =	vmul.f32 v12, v8;
	v8 =	vld [tilespmem:s10+$0xE0]  }
0x319: {  	[tilespmem:s7+$0x20] =	vst v10;
	v7 =	vmul.f32 v3, v7  }
0x31a: {  	[tilespmem:s7+$0x30] =	vst v9;
	v3 =	vmul.f32 v4, v3  }
0x31b: {  	[tilespmem:s7+$0x60] =	vst v7;
	v14 =	vmul.f32 v63, v5  }
0x31c: {  	[tilespmem:s7+$0x70] =	vst v3;
	v3 =	vmul.f32 v6, v63  }
0x31d: {  	s15 =	sadd.s32 $0x1, s15;
	[tilespmem:s7+$0xA0] =	vst v14;
	v63 =	vmul.f32 v62, v8  }
0x31e: {  	p1 =	sne.s32 s15, $0xD8;
	[tilespmem:s7+$0xB0] =	vst v3  }
.Ltmp4:
0x31f: {  	[tilespmem:s7+$0xE0] =	vst v63;
	(pc) =	sbr.rel @p1 .LBB2_4-.Ltmp4, $4  }
0x320: {  	[spmem:s2] =	stream.indirect.scatter.add.f32 [tilespmem:s26], [sflag:$0x5], $0x40, s5, s21, $0xb8;
	[tilespmem:$0x1F728] =	vst v63  }
0x321: {  	_ =	swait.ge [sflag:s18], $0xC00  }
0x322: {  	[sflag:s18] =	ssyncset.done $0x0  }
0x323: {  	[sflag:s18] =	ssyncadd.s32 $0xFFFFF400  }
0x324: {  	_ =	swait.ge [sflag:s8], $0x180  }
0x325: {  	[sflag:s8] =	ssyncset.done $0x0  }
0x326: {  	s7 =	simm.s32 $0x4;
	[sflag:s8] =	ssyncadd.s32 $0xFFFFFE80  }
0x327: {  	_ =	swait.ge [sflag:s7], $0x180  }
0x328: {  	[sflag:s7] =	ssyncset.done $0x0  }
0x329: {  	[sflag:s7] =	ssyncadd.s32 $0xFFFFFE80  }
0x32a: {  	s10 =	stileid.u32;
	[bflag:$0x0] =	sbarrier.arrive $0xFFFF  }
0x32b: {  	s7 =	sshll.u32 s10, $0x6;
	s9 =	rddreg [dreg:$0xb]  }
0x32c: {  	s7 =	sor.u32 $0x1C05, s7;
	s10 =	rddreg [dreg:$0x14]  }
0x32d: {  	[hbm:s9], [sflag:s7] =	dma.local [spmem:s10], $0x1380  }
0x32e: {  	_ =	swait.ge [sflag:s18], $0x1380  }
0x32f: {  	[sflag:s18] =	ssyncset.done $0x0;
	s11 =	rddreg [dreg:$0xc]  }
0x330: {  	s15 =	rddreg [dreg:$0x15];
	[sflag:s18] =	ssyncadd.s32 $0xFFFFEC80  }
0x331: {  	[hbm:s11], [sflag:s7] =	dma.local [spmem:s15], $0x98  }
0x332: {  	_ =	swait.ge [sflag:s18], $0x98  }
0x333: {  	[sflag:s18] =	ssyncset.done $0x0;
	s9 =	rddreg [dreg:$0x7]  }
0x334: {  	s10 =	rddreg [dreg:$0xd];
	[sflag:s18] =	ssyncadd.s32 $0xFFFFFF68;
	s9 =	sshrl.u32 @!p0 s9, $0x3  }
0x335: {  	[hbm:s10], [sflag:s7] =	dma.local @!p0 [spmem:s9], $0x80  }
0x336: {  	s9 =	simm.s32 @!p0 $0x5  }
0x337: {  	_ =	swait.ge @!p0 [sflag:s9], $0x80  }
0x338: {  	[sflag:s9] =	ssyncset.done @!p0 $0x0;
	s10 =	rddreg [dreg:$0x8]  }
0x339: {  	s11 =	rddreg [dreg:$0xe];
	[sflag:s9] =	ssyncadd.s32 @!p0 $0xFFFFFF80;
	s10 =	sshrl.u32 @!p0 s10, $0x3  }
0x33a: {  	[hbm:s11], [sflag:s7] =	dma.local @!p0 [spmem:s10], $0x48  }
0x33b: {  	_ =	swait.ge @!p0 [sflag:s9], $0x48  }
0x33c: {  	s12 =	sadd.s32 $0x1, s12;
	s20 =	rddreg [dreg:$0xf]  }
0x33d: {  	p1 =	sne.s32 s12, s20  }
.Ltmp5:
0x33e: {  	_ = 	snop;
	(pc) =	sbr.rel @p1 .LBB2_1-.Ltmp5, $3  }
0x33f: {  	_ =	sdelay $0x1  }
0x340: {  	[sflag:s9] =	ssyncset.done @!p0 $0x0  }
0x341: {  	[sflag:s9] =	ssyncadd.s32 @!p0 $0xFFFFFFB8  }
0x342: {  	_ =	sfence.sel $0x180000  }
0x343: {  	[bflag:$0x0] =	sbarrier.arrive $0xFFFF  }
0x344: {  	_ =	strace $0x90000047  }
0x345: {  	s0 =	stileid.u32;
	[bflag:$0x2] =	sbarrier.arrive $0xFFFF  }
0x346: {  	p0 =	sne.s32 s0, $0x0;
	s0 =	rddreg [dreg:$0x4]  }
0x347: {  	s0 =	sadd.s32 @!p0 $0x100000, s0  }
0x348: {  	[sflag:s0] =	ssyncadd.tile.s32 @!p0 $0x1;
	_ =	shalt  }
.Lfunc_end2:
_tile_overlayer_lowered:
.L_overlay_start_2:
0x349: {  	(tag) =	ssettag $0x2  }
0x34a: {  	s0 =	rddreg [dreg:$0x0];
	s2 =	stileid.u32  }
0x34b: {  	s1 =	rddreg [dreg:$0x1];
	p0 =	sne.s32 s2, $0x0  }
0x34c: {  	s3 =	rddreg [dreg:$0x2];
	[bflag:$0x3] =	sbarrier.arrive $0xFFFF;
	s2 =	simm.s32 @!p0 $0x1C05  }
0x34d: {  	[timem:s3], [sflag:s2] =	dma.local @!p0 [hbm:s0], s1  }
0x34e: {  	s0 =	simm.s32 @!p0 $0x5  }
0x34f: {  	_ =	swait.ge @!p0 [sflag:s0], s1  }
0x350: {  	s1 =	ssub.s32 @!p0 $0x0, s1;
	[sflag:s0] =	ssyncset.done @!p0 $0x0  }
0x351: {  	[sflag:s0] =	ssyncadd.s32 @!p0 s1  }
0x352: {  	[bflag:$0x3] =	sbarrier.arrive $0xFFFF  }
0x353: {  	_ =	shalt  }

</sc_bundles>
